<compile_context>
chip_gen: v7x
topology: tpu7x:2x2x1
jax: 0.10.2.dev20260603
libtpu: 0.0.44.dev20260713+nightly
codegen_flags: <defaults>
</compile_context>

<pallas_src>
import functools

import jax
import jax.numpy as jnp
from jax import lax
from jax.experimental import pallas as pl
from jax.experimental.pallas import tpu as pltpu
from jax.experimental.pallas import tpu_sc as plsc

N = 10000
E = 320000
D = 128
F = 9
V = 119
G = 64

NC = 2
NS = 16
NW = NC * NS

NPAD = 10240
ROWS_PER_TILE = NPAD // NS
NODES_PER_W = NPAD // NW

CHUNK = 128
E_PAD = 327680
NCHUNK_T = E_PAD // NS // CHUNK
NHALF = NPAD // NC
NRING = 4

BLK_M = 1280
NBLK_M = NPAD // BLK_M

BLK = 2000
NBLK = N // BLK

_mesh = plsc.VectorSubcoreMesh(core_axis_name="c", subcore_axis_name="s")


def _zero_vmem(ref, rows):
    def body(i, carry):
        for j in range(D // 16):
            ref[i, pl.ds(j * 16, 16)] = jnp.zeros((16,), jnp.float32)
        return carry
    lax.fori_loop(0, rows, body, 0)



@functools.partial(
    pl.kernel,
    out_type=jax.ShapeDtypeStruct((NPAD, D), jnp.float32),
    mesh=_mesh,
    scratch_types=[
        pltpu.VMEM((40, 80), jnp.int32),
        pltpu.VMEM((NODES_PER_W, D), jnp.float32),
        pltpu.VMEM((NODES_PER_W, D), jnp.float32),
        pltpu.VMEM((NODES_PER_W, D), jnp.float32),
        pltpu.SemaphoreType.DMA,
        pltpu.SemaphoreType.DMA,
    ],
)
def _atom_encode(idx_hbm, tab_hbm, out_hbm, idx_v, acc_v, g0, g1, sm0, sm1):
    c = lax.axis_index("c")
    s = lax.axis_index("s")
    w = s * NC + c
    pltpu.sync_copy(idx_hbm.at[pl.ds(w * 40, 40)], idx_v)
    _zero_vmem(acc_v, NODES_PER_W)

    def fire(f, gb, sem):
        for cc in range(4):
            pltpu.make_async_copy(
                tab_hbm.at[idx_v.at[f * 4 + cc]],
                gb.at[pl.ds(cc * 80, 80)], sem).start()

    def drain(f, gb, sem):
        for cc in range(4):
            pltpu.make_async_copy(
                tab_hbm.at[idx_v.at[f * 4 + cc]],
                gb.at[pl.ds(cc * 80, 80)], sem).wait()

    def accadd(gb):
        def addrow(i, carry2):
            for j in range(D // 16):
                sl = pl.ds(j * 16, 16)
                acc_v[i, sl] = acc_v[i, sl] + gb[i, sl]
            return carry2
        lax.fori_loop(0, NODES_PER_W, addrow, 0)

    fire(0, g0, sm0)

    def feat_body(ff, carry):
        f0 = 2 * ff
        drain(f0, g0, sm0)
        fire(f0 + 1, g1, sm1)
        accadd(g0)
        drain(f0 + 1, g1, sm1)
        fire(jnp.minimum(f0 + 2, F - 1), g0, sm0)
        accadd(g1)
        return carry

    lax.fori_loop(0, F // 2, feat_body, 0)
    drain(F - 1, g0, sm0)
    accadd(g0)

    def fixrow(i, carry2):
        keep = jnp.where(w * NODES_PER_W + i < N, 1.0, 0.0)
        for j in range(D // 16):
            sl = pl.ds(j * 16, 16)
            acc_v[i, sl] = acc_v[i, sl] * keep
        return carry2
    lax.fori_loop(0, NODES_PER_W, fixrow, 0)

    pltpu.sync_copy(acc_v, out_hbm.at[pl.ds(w * NODES_PER_W, NODES_PER_W)])



@functools.partial(
    pl.kernel,
    out_type=jax.ShapeDtypeStruct((NPAD, D), jnp.float32),
    mesh=_mesh,
    scratch_types=[
        pltpu.VMEM((NCHUNK_T, CHUNK), jnp.int32),
        pltpu.VMEM((NCHUNK_T, CHUNK), jnp.int32),
        pltpu.VMEM((CHUNK, D), jnp.float32),
        pltpu.VMEM((CHUNK, D), jnp.float32),
        pltpu.VMEM((CHUNK, D), jnp.float32),
        pltpu.VMEM_SHARED((NHALF, D), jnp.float32),
        pltpu.SemaphoreType.DMA,
        pltpu.SemaphoreType.DMA,
    ],
)
def _edge_agg(h_hbm, src_hbm, dst_hbm, out_hbm, src_v, dst_v,
              buf0, buf1, zbuf, agg_sh, sem0, sem1):
    c = lax.axis_index("c")
    s = lax.axis_index("s")
    pltpu.sync_copy(src_hbm.at[pl.ds(s * NCHUNK_T, NCHUNK_T)], src_v)
    pltpu.sync_copy(dst_hbm.at[pl.ds(s * NCHUNK_T, NCHUNK_T)], dst_v)

    base = c * NHALF
    lane = lax.iota(jnp.int32, 16)

    def remap(i, carry):
        for j in range(CHUNK // 16):
            sl = pl.ds(j * 16, 16)
            rel = dst_v[i, sl] - base
            ok = (rel >= 0) & (rel < NHALF)
            spread = ((i * CHUNK + j * 16) % 4096) + lane
            dst_v[i, sl] = jnp.where(ok, rel, spread)
            src_v[i, sl] = jnp.where(ok, src_v[i, sl], N + (spread % (NPAD - N)))
        return carry

    lax.fori_loop(0, NCHUNK_T, remap, 0)

    _zero_vmem(zbuf, CHUNK)
    rpt = NHALF // NS
    for k in range(2):
        pltpu.sync_copy(zbuf, agg_sh.at[pl.ds(s * rpt + k * CHUNK, CHUNK)])
    pltpu.sync_copy(zbuf.at[pl.ds(0, rpt - 2 * CHUNK)],
                    agg_sh.at[pl.ds(s * rpt + 2 * CHUNK, rpt - 2 * CHUNK)])
    plsc.subcore_barrier()

    def g_start(j, buf, sem):
        pltpu.make_async_copy(h_hbm.at[src_v.at[j]], buf, sem).start()

    def g_wait(j, buf, sem):
        pltpu.make_async_copy(h_hbm.at[src_v.at[j]], buf, sem).wait()

    def scat(j, buf):
        pltpu.sync_copy(buf, agg_sh.at[dst_v.at[j]], add=True)

    g_start(0, buf0, sem0)

    def body(jj, carry):
        j0 = 2 * jj
        g_start(j0 + 1, buf1, sem1)
        g_wait(j0, buf0, sem0)
        scat(j0, buf0)
        g_start(j0 + 2, buf0, sem0)
        g_wait(j0 + 1, buf1, sem1)
        scat(j0 + 1, buf1)
        return carry

    lax.fori_loop(0, NCHUNK_T // 2 - 1, body, 0)
    g_start(NCHUNK_T - 1, buf1, sem1)
    g_wait(NCHUNK_T - 2, buf0, sem0)
    scat(NCHUNK_T - 2, buf0)
    g_wait(NCHUNK_T - 1, buf1, sem1)
    scat(NCHUNK_T - 1, buf1)

    plsc.subcore_barrier()
    pltpu.sync_copy(
        agg_sh.at[pl.ds(s * rpt, rpt)],
        out_hbm.at[pl.ds(c * NHALF + s * rpt, rpt)])



def _mlp_body(h_ref, agg_ref, w1_ref, b1_ref, w2_ref, b2_ref, out_ref):
    i = pl.program_id(0)
    z = h_ref[...] + agg_ref[...]
    a = jnp.maximum(
        jnp.dot(z, w1_ref[...], preferred_element_type=jnp.float32)
        + b1_ref[...], 0.0)
    y = jnp.maximum(
        jnp.dot(a, w2_ref[...], preferred_element_type=jnp.float32)
        + b2_ref[...], 0.0)
    rows = lax.broadcasted_iota(jnp.int32, (BLK_M, D), 0) + i * BLK_M
    out_ref[...] = jnp.where(rows < N, y, 0.0)


def _mlp(h, agg, W1, b1, W2, b2):
    return pl.pallas_call(
        _mlp_body,
        grid=(NBLK_M,),
        in_specs=[
            pl.BlockSpec((BLK_M, D), lambda i: (i, 0)),
            pl.BlockSpec((BLK_M, D), lambda i: (i, 0)),
            pl.BlockSpec((D, D), lambda i: (0, 0)),
            pl.BlockSpec((1, D), lambda i: (0, 0)),
            pl.BlockSpec((D, D), lambda i: (0, 0)),
            pl.BlockSpec((1, D), lambda i: (0, 0)),
        ],
        out_specs=pl.BlockSpec((BLK_M, D), lambda i: (i, 0)),
        out_shape=jax.ShapeDtypeStruct((NPAD, D), jnp.float32),
    )(h, agg, W1, b1.reshape(1, D), W2, b2.reshape(1, D))


def _readout_body(h_ref, bidx_ref, wl_ref, bl_ref, out_ref, sums_ref, cnt_ref):
    i = pl.program_id(0)

    @pl.when(i == 0)
    def _init():
        sums_ref[...] = jnp.zeros_like(sums_ref)
        cnt_ref[...] = jnp.zeros_like(cnt_ref)

    y = h_ref[...]
    bidx = bidx_ref[0]
    gid = lax.broadcasted_iota(jnp.int32, (G, BLK), 0)
    m = (gid == bidx).astype(jnp.float32)
    sums_ref[...] += jnp.dot(m, y, preferred_element_type=jnp.float32,
                             precision=lax.Precision.HIGHEST)
    cnt_ref[...] += jnp.broadcast_to(
        jnp.sum(m, axis=1, keepdims=True), (G, D))

    @pl.when(i == NBLK - 1)
    def _fin():
        mean = sums_ref[...] / jnp.maximum(cnt_ref[...], 1.0)
        proj = jnp.dot(mean, wl_ref[...], preferred_element_type=jnp.float32)
        out_ref[...] = jax.nn.sigmoid(proj + bl_ref[...])


def _readout(h, bidx3d, wl_pad, bl11):
    return pl.pallas_call(
        _readout_body,
        grid=(NBLK,),
        in_specs=[
            pl.BlockSpec((BLK, D), lambda i: (i, 0)),
            pl.BlockSpec((1, 1, BLK), lambda i: (i, 0, 0)),
            pl.BlockSpec((D, D), lambda i: (0, 0)),
            pl.BlockSpec((1, 1), lambda i: (0, 0)),
        ],
        out_specs=pl.BlockSpec((G, D), lambda i: (0, 0)),
        out_shape=jax.ShapeDtypeStruct((G, D), jnp.float32),
        scratch_shapes=[
            pltpu.VMEM((G, D), jnp.float32),
            pltpu.VMEM((G, D), jnp.float32),
        ],
    )(h, bidx3d, wl_pad, bl11)



def kernel(x, edge_index, batch_idx, atom_emb,
           W1_1, b1_1, W2_1, b2_1, W1_2, b1_2, W2_2, b2_2,
           W1_3, b1_3, W2_3, b2_3, Wl, bl):
    offs = (jnp.arange(F, dtype=jnp.int32) * V)[None, :]
    xf = (x + offs).T
    pad = (jnp.arange(NPAD - N, dtype=jnp.int32) % (F * V))[None, :]
    xf = jnp.concatenate(
        [xf, jnp.broadcast_to(pad, (F, NPAD - N))], axis=1)
    idx_a = xf.reshape(F, NW, 4, 80).transpose(1, 0, 2, 3).reshape(NW, F * 4, 80)
    idx_fill = jnp.broadcast_to(
        (jnp.arange(80, dtype=jnp.int32) % (F * V))[None, None, :], (NW, 4, 80))
    idx_a = jnp.concatenate([idx_a, idx_fill], axis=1).reshape(NW * 40, 80)
    tab = atom_emb.reshape(F * V, D)
    h0 = _atom_encode(idx_a, tab)

    npe = E_PAD - E
    pad_src = jnp.arange(npe, dtype=jnp.int32) % N
    src_i = jnp.concatenate([edge_index[0], pad_src]).reshape(NS * NCHUNK_T, CHUNK)
    dst_i = jnp.concatenate(
        [edge_index[1], jnp.full((npe,), NPAD, jnp.int32)]
    ).reshape(NS * NCHUNK_T, CHUNK)

    bidx3d = batch_idx.reshape(NBLK, 1, BLK)
    wl_pad = jnp.pad(Wl, ((0, 0), (0, D - 1)))
    bl11 = bl.reshape(1, 1)

    ws = (jnp.stack([W1_1, W1_2, W1_3]), jnp.stack([b1_1, b1_2, b1_3]),
          jnp.stack([W2_1, W2_2, W2_3]), jnp.stack([b2_1, b2_2, b2_3]))

    def layer(h, wts):
        w1, bb1, w2, bb2 = wts
        agg = _edge_agg(h, src_i, dst_i)
        return _mlp(h, agg, w1, bb1, w2, bb2), None

    h, _ = lax.scan(layer, h0, ws)
    out_full = _readout(h, bidx3d, wl_pad, bl11)
    return out_full[:, :1]

# --- scband reference (transcript-rebuilt; emitter-appended) ---
"""Pipeline reference for scband-simple-gin-57672820850887 (READ-ONLY COPY).

The authoritative reference and input builder live on the scoring server;
editing this copy changes nothing except your own understanding.
"""

import jax, jax.numpy as jnp
import numpy as np

N = 10000
E = 320000
D = 128
H = 128
F = 9
V = 119
G = 64

def setup_inputs(seed: int = 0):
    key = jax.random.key(seed)
    ks = jax.random.split(key, 24)
    inp = {}
    inp["x"] = jax.random.randint(ks[0], (N, F), 0, V, dtype=jnp.int32)
    inp["edge_index"] = jax.random.randint(ks[1], (2, E), 0, N, dtype=jnp.int32)
    inp["batch_idx"] = jnp.sort(jax.random.randint(ks[2], (N,), 0, G, dtype=jnp.int32))
    inp["atom_emb"] = jax.random.normal(ks[3], (F, V, D), dtype=jnp.float32) * 0.02
    dims = [(D, H), (H, H), (H, H)]
    for i, (di, do) in enumerate(dims, start=1):
        inp["W1_%d" % i] = jax.random.normal(ks[3 + 4 * i], (di, do), dtype=jnp.float32) * (1.0 / np.sqrt(di))
        inp["b1_%d" % i] = jnp.zeros((do,), dtype=jnp.float32)
        inp["W2_%d" % i] = jax.random.normal(ks[4 + 4 * i], (do, do), dtype=jnp.float32) * (1.0 / np.sqrt(do))
        inp["b2_%d" % i] = jnp.zeros((do,), dtype=jnp.float32)
    inp["Wl"] = jax.random.normal(ks[20], (H, 1), dtype=jnp.float32) * 0.05
    inp["bl"] = jnp.zeros((1,), dtype=jnp.float32)
    return inp

def _gin_conv(h, edge_index, W1, b1, W2, b2):
    src = edge_index[0]
    dst = edge_index[1]
    msgs = jnp.take(h, src, axis=0)
    agg = jax.ops.segment_sum(msgs, dst, num_segments=h.shape[0])
    out = h + agg  # (1 + eps) * x + aggr, eps = 0
    out = jax.nn.relu(out @ W1 + b1) @ W2 + b2
    return out

def reference(x, edge_index, batch_idx, atom_emb, W1_1, b1_1, W2_1, b2_1, W1_2, b1_2, W2_2, b2_2, W1_3, b1_3, W2_3, b2_3, Wl, bl):
    # AtomEncoder: sum of per-feature embedding lookups
    h = jnp.zeros((x.shape[0], atom_emb.shape[2]), dtype=atom_emb.dtype)
    for f in range(atom_emb.shape[0]):
        h = h + jnp.take(atom_emb[f], x[:, f], axis=0)
    # dropout layers are identity in eval mode
    h = jax.nn.relu(_gin_conv(h, edge_index, W1_1, b1_1, W2_1, b2_1))
    h = jax.nn.relu(_gin_conv(h, edge_index, W1_2, b1_2, W2_2, b2_2))
    h = jax.nn.relu(_gin_conv(h, edge_index, W1_3, b1_3, W2_3, b2_3))
    # MeanAggregation readout over batch_idx
    sums = jax.ops.segment_sum(h, batch_idx, num_segments=G)
    counts = jax.ops.segment_sum(jnp.ones((h.shape[0], 1), h.dtype), batch_idx, num_segments=G)
    mean = sums / jnp.maximum(counts, 1.0)
    return jax.nn.sigmoid(mean @ Wl + bl)

if __name__ == "__main__":
    import jax
    _d = setup_inputs()
    print(jax.jit(kernel)(*tuple(_d.values())))

</pallas_src>

<mosaic_0001>
#map = affine_map<(d0, d1) -> (0, 0)>
module attributes {stable_mosaic.version = 14 : i64} {
  func.func @_atom_encode(%arg0: i32, %arg1: i32, %arg2: memref<1280x80xi32, #tpu.memory_space<hbm>>, %arg3: memref<1071x128xf32, #tpu.memory_space<hbm>>, %arg4: memref<10240x128xf32, #tpu.memory_space<hbm>>, %arg5: memref<40x80xi32, #tpu.memory_space<vmem>>, %arg6: memref<320x128xf32, #tpu.memory_space<vmem>>, %arg7: memref<320x128xf32, #tpu.memory_space<vmem>>, %arg8: memref<320x128xf32, #tpu.memory_space<vmem>>, %arg9: memref<!tpu.dma_semaphore, #tpu.memory_space<semaphore_mem>>, %arg10: memref<!tpu.dma_semaphore, #tpu.memory_space<semaphore_mem>>) attributes {dimension_semantics = [#tpu.dimension_semantics<core_parallel>, #tpu.dimension_semantics<subcore_parallel>], iteration_bounds = array<i64: 2, 16>, scalar_prefetch = 0 : i64, scratch_operands = 6 : i64, tpu.core_type = #tpu.core_type<sc_vector_subcore>, window_params = [{transform_indices = #map}, {transform_indices = #map}, {transform_indices = #map}]} {
    %mul3A = arith.constant 2 : i32
    %mul3A_0 = arith.muli %arg1, %mul3A : i32
    %add3A = arith.addi %mul3A_0, %arg0 : i32
    %mul3A_1 = arith.constant 40 : i32
    %mul3A_2 = arith.muli %add3A, %mul3A_1 : i32
    "tpu.region"() ({
      %run_scoped3A = tpu.sem_alloc : memref<!tpu.dma_semaphore, #tpu.memory_space<semaphore_mem>>
      %dma_start3A_106 = arith.constant 0 : i32
      %dma_start3A_107 = tpu.memref_slice %arg2[%mul3A_2, %dma_start3A_106] : memref<1280x80xi32, #tpu.memory_space<hbm>> -> memref<40x80xi32, #tpu.memory_space<hbm>>
      %dma_start3A_108 = arith.constant 0 : i32
      %dma_start3A_109 = tpu.memref_slice %arg2[%mul3A_2, %dma_start3A_108] : memref<1280x80xi32, #tpu.memory_space<hbm>> -> memref<40x80xi32, #tpu.memory_space<hbm>>
      tpu.enqueue_dma source(%dma_start3A_109 : memref<40x80xi32, #tpu.memory_space<hbm>>) target(%arg5 : memref<40x80xi32, #tpu.memory_space<vmem>>) target_semaphore(%run_scoped3A : memref<!tpu.dma_semaphore, #tpu.memory_space<semaphore_mem>>)
      %dma_wait3A_110 = arith.constant 0 : i32
      %dma_wait3A_111 = tpu.memref_slice %arg2[%mul3A_2, %dma_wait3A_110] : memref<1280x80xi32, #tpu.memory_space<hbm>> -> memref<40x80xi32, #tpu.memory_space<hbm>>
      %dma_wait3A_112 = arith.constant 0 : i32
      %dma_wait3A_113 = tpu.memref_slice %arg2[%mul3A_2, %dma_wait3A_112] : memref<1280x80xi32, #tpu.memory_space<hbm>> -> memref<40x80xi32, #tpu.memory_space<hbm>>
      tpu.wait_dma2 semaphore(%run_scoped3A : memref<!tpu.dma_semaphore, #tpu.memory_space<semaphore_mem>>) src(%dma_wait3A_113 : memref<40x80xi32, #tpu.memory_space<hbm>>) dst(%arg5 : memref<40x80xi32, #tpu.memory_space<vmem>>)
      tpu.yield
    }) : () -> ()
    %scan3A = arith.constant 0 : i32
    %scan3A_3 = arith.constant 0 : i32
    %scan3A_4 = arith.constant 320 : i32
    %scan3A_5 = arith.addi %scan3A_3, %scan3A_4 : i32
    %scan3A_6 = arith.constant 1 : i32
    scf.for %scan3A_106 = %scan3A_3 to %scan3A_5 step %scan3A_6  : i32 {
      %broadcast_in_dim3A = arith.constant 0.000000e+00 : f32
      %broadcast_in_dim3A_107 = vector.broadcast %broadcast_in_dim3A : f32 to vector<16xf32>
      %swap3A = arith.index_cast %scan3A_106 : i32 to index
      %swap3A_108 = arith.constant 0 : index
      %swap3A_109 = tpu.vector_load %arg6[%swap3A, %swap3A_108] {strides = array<i32>} : memref<320x128xf32, #tpu.memory_space<vmem>>, vector<1x16xf32>,
      %swap3A_110 = vector.shape_cast %swap3A_109 : vector<1x16xf32> to vector<16xf32>
      %swap3A_111 = vector.shape_cast %broadcast_in_dim3A_107 : vector<16xf32> to vector<1x16xf32>
      tpu.vector_store %arg6[%swap3A, %swap3A_108], %swap3A_111 {strides = array<i32>} : memref<320x128xf32, #tpu.memory_space<vmem>>, vector<1x16xf32>,
      %broadcast_in_dim3A_112 = arith.constant 0.000000e+00 : f32
      %broadcast_in_dim3A_113 = vector.broadcast %broadcast_in_dim3A_112 : f32 to vector<16xf32>
      %swap3A_114 = arith.index_cast %scan3A_106 : i32 to index
      %swap3A_115 = arith.constant 16 : index
      %swap3A_116 = tpu.vector_load %arg6[%swap3A_114, %swap3A_115] {strides = array<i32>} : memref<320x128xf32, #tpu.memory_space<vmem>>, vector<1x16xf32>,
      %swap3A_117 = vector.shape_cast %swap3A_116 : vector<1x16xf32> to vector<16xf32>
      %swap3A_118 = vector.shape_cast %broadcast_in_dim3A_113 : vector<16xf32> to vector<1x16xf32>
      tpu.vector_store %arg6[%swap3A_114, %swap3A_115], %swap3A_118 {strides = array<i32>} : memref<320x128xf32, #tpu.memory_space<vmem>>, vector<1x16xf32>,
      %broadcast_in_dim3A_119 = arith.constant 0.000000e+00 : f32
      %broadcast_in_dim3A_120 = vector.broadcast %broadcast_in_dim3A_119 : f32 to vector<16xf32>
      %swap3A_121 = arith.index_cast %scan3A_106 : i32 to index
      %swap3A_122 = arith.constant 32 : index
      %swap3A_123 = tpu.vector_load %arg6[%swap3A_121, %swap3A_122] {strides = array<i32>} : memref<320x128xf32, #tpu.memory_space<vmem>>, vector<1x16xf32>,
      %swap3A_124 = vector.shape_cast %swap3A_123 : vector<1x16xf32> to vector<16xf32>
      %swap3A_125 = vector.shape_cast %broadcast_in_dim3A_120 : vector<16xf32> to vector<1x16xf32>
      tpu.vector_store %arg6[%swap3A_121, %swap3A_122], %swap3A_125 {strides = array<i32>} : memref<320x128xf32, #tpu.memory_space<vmem>>, vector<1x16xf32>,
      %broadcast_in_dim3A_126 = arith.constant 0.000000e+00 : f32
      %broadcast_in_dim3A_127 = vector.broadcast %broadcast_in_dim3A_126 : f32 to vector<16xf32>
      %swap3A_128 = arith.index_cast %scan3A_106 : i32 to index
      %swap3A_129 = arith.constant 48 : index
      %swap3A_130 = tpu.vector_load %arg6[%swap3A_128, %swap3A_129] {strides = array<i32>} : memref<320x128xf32, #tpu.memory_space<vmem>>, vector<1x16xf32>,
      %swap3A_131 = vector.shape_cast %swap3A_130 : vector<1x16xf32> to vector<16xf32>
      %swap3A_132 = vector.shape_cast %broadcast_in_dim3A_127 : vector<16xf32> to vector<1x16xf32>
      tpu.vector_store %arg6[%swap3A_128, %swap3A_129], %swap3A_132 {strides = array<i32>} : memref<320x128xf32, #tpu.memory_space<vmem>>, vector<1x16xf32>,
      %broadcast_in_dim3A_133 = arith.constant 0.000000e+00 : f32
      %broadcast_in_dim3A_134 = vector.broadcast %broadcast_in_dim3A_133 : f32 to vector<16xf32>
      %swap3A_135 = arith.index_cast %scan3A_106 : i32 to index
      %swap3A_136 = arith.constant 64 : index
      %swap3A_137 = tpu.vector_load %arg6[%swap3A_135, %swap3A_136] {strides = array<i32>} : memref<320x128xf32, #tpu.memory_space<vmem>>, vector<1x16xf32>,
      %swap3A_138 = vector.shape_cast %swap3A_137 : vector<1x16xf32> to vector<16xf32>
      %swap3A_139 = vector.shape_cast %broadcast_in_dim3A_134 : vector<16xf32> to vector<1x16xf32>
      tpu.vector_store %arg6[%swap3A_135, %swap3A_136], %swap3A_139 {strides = array<i32>} : memref<320x128xf32, #tpu.memory_space<vmem>>, vector<1x16xf32>,
      %broadcast_in_dim3A_140 = arith.constant 0.000000e+00 : f32
      %broadcast_in_dim3A_141 = vector.broadcast %broadcast_in_dim3A_140 : f32 to vector<16xf32>
      %swap3A_142 = arith.index_cast %scan3A_106 : i32 to index
      %swap3A_143 = arith.constant 80 : index
      %swap3A_144 = tpu.vector_load %arg6[%swap3A_142, %swap3A_143] {strides = array<i32>} : memref<320x128xf32, #tpu.memory_space<vmem>>, vector<1x16xf32>,
      %swap3A_145 = vector.shape_cast %swap3A_144 : vector<1x16xf32> to vector<16xf32>
      %swap3A_146 = vector.shape_cast %broadcast_in_dim3A_141 : vector<16xf32> to vector<1x16xf32>
      tpu.vector_store %arg6[%swap3A_142, %swap3A_143], %swap3A_146 {strides = array<i32>} : memref<320x128xf32, #tpu.memory_space<vmem>>, vector<1x16xf32>,
      %broadcast_in_dim3A_147 = arith.constant 0.000000e+00 : f32
      %broadcast_in_dim3A_148 = vector.broadcast %broadcast_in_dim3A_147 : f32 to vector<16xf32>
      %swap3A_149 = arith.index_cast %scan3A_106 : i32 to index
      %swap3A_150 = arith.constant 96 : index
      %swap3A_151 = tpu.vector_load %arg6[%swap3A_149, %swap3A_150] {strides = array<i32>} : memref<320x128xf32, #tpu.memory_space<vmem>>, vector<1x16xf32>,
      %swap3A_152 = vector.shape_cast %swap3A_151 : vector<1x16xf32> to vector<16xf32>
      %swap3A_153 = vector.shape_cast %broadcast_in_dim3A_148 : vector<16xf32> to vector<1x16xf32>
      tpu.vector_store %arg6[%swap3A_149, %swap3A_150], %swap3A_153 {strides = array<i32>} : memref<320x128xf32, #tpu.memory_space<vmem>>, vector<1x16xf32>,
      %broadcast_in_dim3A_154 = arith.constant 0.000000e+00 : f32
      %broadcast_in_dim3A_155 = vector.broadcast %broadcast_in_dim3A_154 : f32 to vector<16xf32>
      %swap3A_156 = arith.index_cast %scan3A_106 : i32 to index
      %swap3A_157 = arith.constant 112 : index
      %swap3A_158 = tpu.vector_load %arg6[%swap3A_156, %swap3A_157] {strides = array<i32>} : memref<320x128xf32, #tpu.memory_space<vmem>>, vector<1x16xf32>,
      %swap3A_159 = vector.shape_cast %swap3A_158 : vector<1x16xf32> to vector<16xf32>
      %swap3A_160 = vector.shape_cast %broadcast_in_dim3A_155 : vector<16xf32> to vector<1x16xf32>
      tpu.vector_store %arg6[%swap3A_156, %swap3A_157], %swap3A_160 {strides = array<i32>} : memref<320x128xf32, #tpu.memory_space<vmem>>, vector<1x16xf32>,
    }
    %scan3A_7 = arith.constant 320 : i32
    %dma_start3A = arith.constant 0 : i32
    %dma_start3A_8 = arith.constant 0 : i32
    %dma_start3A_9 = arith.constant 0 : i32
    %dma_start3A_10 = tpu.memref_slice %arg7[%dma_start3A_8, %dma_start3A_9] : memref<320x128xf32, #tpu.memory_space<vmem>> -> memref<80x128xf32, #tpu.memory_space<vmem>>
    %dma_start3A_11 = arith.constant 0 : i32
    %dma_start3A_12 = tpu.memref_slice %arg5[%dma_start3A, %dma_start3A_11] : memref<40x80xi32, #tpu.memory_space<vmem>> -> memref<1x80xi32, #tpu.memory_space<vmem>>
    %dma_start3A_13 = tpu.memref_squeeze %dma_start3A_12 : memref<1x80xi32, #tpu.memory_space<vmem>> -> memref<80xi32, #tpu.memory_space<vmem>>
    %dma_start3A_14 = arith.constant 0 : i32
    %dma_start3A_15 = arith.constant 0 : i32
    %dma_start3A_16 = tpu.memref_slice %arg3[%dma_start3A_14, %dma_start3A_15] : memref<1071x128xf32, #tpu.memory_space<hbm>> -> memref<1071x128xf32, #tpu.memory_space<hbm>>
    tpu.enqueue_indirect_dma source(%dma_start3A_16 : memref<1071x128xf32, #tpu.memory_space<hbm>>) target(%dma_start3A_10 : memref<80x128xf32, #tpu.memory_space<vmem>>) offsets(%dma_start3A_13 : memref<80xi32, #tpu.memory_space<vmem>>) semaphore(%arg9 : memref<!tpu.dma_semaphore, #tpu.memory_space<semaphore_mem>>)
    %dma_start3A_17 = arith.constant 1 : i32
    %dma_start3A_18 = arith.constant 80 : i32
    %dma_start3A_19 = arith.constant 0 : i32
    %dma_start3A_20 = tpu.memref_slice %arg7[%dma_start3A_18, %dma_start3A_19] : memref<320x128xf32, #tpu.memory_space<vmem>> -> memref<80x128xf32, #tpu.memory_space<vmem>>
    %dma_start3A_21 = arith.constant 0 : i32
    %dma_start3A_22 = tpu.memref_slice %arg5[%dma_start3A_17, %dma_start3A_21] : memref<40x80xi32, #tpu.memory_space<vmem>> -> memref<1x80xi32, #tpu.memory_space<vmem>>
    %dma_start3A_23 = tpu.memref_squeeze %dma_start3A_22 : memref<1x80xi32, #tpu.memory_space<vmem>> -> memref<80xi32, #tpu.memory_space<vmem>>
    %dma_start3A_24 = arith.constant 0 : i32
    %dma_start3A_25 = arith.constant 0 : i32
    %dma_start3A_26 = tpu.memref_slice %arg3[%dma_start3A_24, %dma_start3A_25] : memref<1071x128xf32, #tpu.memory_space<hbm>> -> memref<1071x128xf32, #tpu.memory_space<hbm>>
    tpu.enqueue_indirect_dma source(%dma_start3A_26 : memref<1071x128xf32, #tpu.memory_space<hbm>>) target(%dma_start3A_20 : memref<80x128xf32, #tpu.memory_space<vmem>>) offsets(%dma_start3A_23 : memref<80xi32, #tpu.memory_space<vmem>>) semaphore(%arg9 : memref<!tpu.dma_semaphore, #tpu.memory_space<semaphore_mem>>)
    %dma_start3A_27 = arith.constant 2 : i32
    %dma_start3A_28 = arith.constant 160 : i32
    %dma_start3A_29 = arith.constant 0 : i32
    %dma_start3A_30 = tpu.memref_slice %arg7[%dma_start3A_28, %dma_start3A_29] : memref<320x128xf32, #tpu.memory_space<vmem>> -> memref<80x128xf32, #tpu.memory_space<vmem>>
    %dma_start3A_31 = arith.constant 0 : i32
    %dma_start3A_32 = tpu.memref_slice %arg5[%dma_start3A_27, %dma_start3A_31] : memref<40x80xi32, #tpu.memory_space<vmem>> -> memref<1x80xi32, #tpu.memory_space<vmem>>
    %dma_start3A_33 = tpu.memref_squeeze %dma_start3A_32 : memref<1x80xi32, #tpu.memory_space<vmem>> -> memref<80xi32, #tpu.memory_space<vmem>>
    %dma_start3A_34 = arith.constant 0 : i32
    %dma_start3A_35 = arith.constant 0 : i32
    %dma_start3A_36 = tpu.memref_slice %arg3[%dma_start3A_34, %dma_start3A_35] : memref<1071x128xf32, #tpu.memory_space<hbm>> -> memref<1071x128xf32, #tpu.memory_space<hbm>>
    tpu.enqueue_indirect_dma source(%dma_start3A_36 : memref<1071x128xf32, #tpu.memory_space<hbm>>) target(%dma_start3A_30 : memref<80x128xf32, #tpu.memory_space<vmem>>) offsets(%dma_start3A_33 : memref<80xi32, #tpu.memory_space<vmem>>) semaphore(%arg9 : memref<!tpu.dma_semaphore, #tpu.memory_space<semaphore_mem>>)
    %dma_start3A_37 = arith.constant 3 : i32
    %dma_start3A_38 = arith.constant 240 : i32
    %dma_start3A_39 = arith.constant 0 : i32
    %dma_start3A_40 = tpu.memref_slice %arg7[%dma_start3A_38, %dma_start3A_39] : memref<320x128xf32, #tpu.memory_space<vmem>> -> memref<80x128xf32, #tpu.memory_space<vmem>>
    %dma_start3A_41 = arith.constant 0 : i32
    %dma_start3A_42 = tpu.memref_slice %arg5[%dma_start3A_37, %dma_start3A_41] : memref<40x80xi32, #tpu.memory_space<vmem>> -> memref<1x80xi32, #tpu.memory_space<vmem>>
    %dma_start3A_43 = tpu.memref_squeeze %dma_start3A_42 : memref<1x80xi32, #tpu.memory_space<vmem>> -> memref<80xi32, #tpu.memory_space<vmem>>
    %dma_start3A_44 = arith.constant 0 : i32
    %dma_start3A_45 = arith.constant 0 : i32
    %dma_start3A_46 = tpu.memref_slice %arg3[%dma_start3A_44, %dma_start3A_45] : memref<1071x128xf32, #tpu.memory_space<hbm>> -> memref<1071x128xf32, #tpu.memory_space<hbm>>
    tpu.enqueue_indirect_dma source(%dma_start3A_46 : memref<1071x128xf32, #tpu.memory_space<hbm>>) target(%dma_start3A_40 : memref<80x128xf32, #tpu.memory_space<vmem>>) offsets(%dma_start3A_43 : memref<80xi32, #tpu.memory_space<vmem>>) semaphore(%arg9 : memref<!tpu.dma_semaphore, #tpu.memory_space<semaphore_mem>>)
    %scan3A_47 = arith.constant 0 : i32
    %scan3A_48 = arith.constant 0 : i32
    %scan3A_49 = arith.constant 4 : i32
    %scan3A_50 = arith.addi %scan3A_48, %scan3A_49 : i32
    %scan3A_51 = arith.constant 1 : i32
    scf.for %scan3A_106 = %scan3A_48 to %scan3A_50 step %scan3A_51  : i32 {
      %mul3A_107 = arith.constant 2 : i32
      %mul3A_108 = arith.muli %mul3A_107, %scan3A_106 : i32
      %mul3A_109 = arith.constant 4 : i32
      %mul3A_110 = arith.muli %mul3A_108, %mul3A_109 : i32
      %add3A_111 = arith.constant 0 : i32
      %add3A_112 = arith.addi %mul3A_110, %add3A_111 : i32
      %dma_wait3A_113 = arith.constant 0 : i32
      %dma_wait3A_114 = arith.constant 0 : i32
      %dma_wait3A_115 = tpu.memref_slice %arg7[%dma_wait3A_113, %dma_wait3A_114] : memref<320x128xf32, #tpu.memory_space<vmem>> -> memref<80x128xf32, #tpu.memory_space<vmem>>
      %dma_wait3A_116 = arith.constant 0 : i32
      %dma_wait3A_117 = tpu.memref_slice %arg5[%add3A_112, %dma_wait3A_116] : memref<40x80xi32, #tpu.memory_space<vmem>> -> memref<1x80xi32, #tpu.memory_space<vmem>>
      %dma_wait3A_118 = tpu.memref_squeeze %dma_wait3A_117 : memref<1x80xi32, #tpu.memory_space<vmem>> -> memref<80xi32, #tpu.memory_space<vmem>>
      %dma_wait3A_119 = arith.constant 0 : i32
      %dma_wait3A_120 = arith.constant 0 : i32
      %dma_wait3A_121 = tpu.memref_slice %arg3[%dma_wait3A_119, %dma_wait3A_120] : memref<1071x128xf32, #tpu.memory_space<hbm>> -> memref<1071x128xf32, #tpu.memory_space<hbm>>
      tpu.wait_indirect_dma semaphore(%arg9 : memref<!tpu.dma_semaphore, #tpu.memory_space<semaphore_mem>>) src(%dma_wait3A_121 : memref<1071x128xf32, #tpu.memory_space<hbm>>) dst(%dma_wait3A_115 : memref<80x128xf32, #tpu.memory_space<vmem>>)
      %mul3A_122 = arith.constant 4 : i32
      %mul3A_123 = arith.muli %mul3A_108, %mul3A_122 : i32
      %add3A_124 = arith.constant 1 : i32
      %add3A_125 = arith.addi %mul3A_123, %add3A_124 : i32
      %dma_wait3A_126 = arith.constant 80 : i32
      %dma_wait3A_127 = arith.constant 0 : i32
      %dma_wait3A_128 = tpu.memref_slice %arg7[%dma_wait3A_126, %dma_wait3A_127] : memref<320x128xf32, #tpu.memory_space<vmem>> -> memref<80x128xf32, #tpu.memory_space<vmem>>
      %dma_wait3A_129 = arith.constant 0 : i32
      %dma_wait3A_130 = tpu.memref_slice %arg5[%add3A_125, %dma_wait3A_129] : memref<40x80xi32, #tpu.memory_space<vmem>> -> memref<1x80xi32, #tpu.memory_space<vmem>>
      %dma_wait3A_131 = tpu.memref_squeeze %dma_wait3A_130 : memref<1x80xi32, #tpu.memory_space<vmem>> -> memref<80xi32, #tpu.memory_space<vmem>>
      %dma_wait3A_132 = arith.constant 0 : i32
      %dma_wait3A_133 = arith.constant 0 : i32
      %dma_wait3A_134 = tpu.memref_slice %arg3[%dma_wait3A_132, %dma_wait3A_133] : memref<1071x128xf32, #tpu.memory_space<hbm>> -> memref<1071x128xf32, #tpu.memory_space<hbm>>
      tpu.wait_indirect_dma semaphore(%arg9 : memref<!tpu.dma_semaphore, #tpu.memory_space<semaphore_mem>>) src(%dma_wait3A_134 : memref<1071x128xf32, #tpu.memory_space<hbm>>) dst(%dma_wait3A_128 : memref<80x128xf32, #tpu.memory_space<vmem>>)
      %mul3A_135 = arith.constant 4 : i32
      %mul3A_136 = arith.muli %mul3A_108, %mul3A_135 : i32
      %add3A_137 = arith.constant 2 : i32
      %add3A_138 = arith.addi %mul3A_136, %add3A_137 : i32
      %dma_wait3A_139 = arith.constant 160 : i32
      %dma_wait3A_140 = arith.constant 0 : i32
      %dma_wait3A_141 = tpu.memref_slice %arg7[%dma_wait3A_139, %dma_wait3A_140] : memref<320x128xf32, #tpu.memory_space<vmem>> -> memref<80x128xf32, #tpu.memory_space<vmem>>
      %dma_wait3A_142 = arith.constant 0 : i32
      %dma_wait3A_143 = tpu.memref_slice %arg5[%add3A_138, %dma_wait3A_142] : memref<40x80xi32, #tpu.memory_space<vmem>> -> memref<1x80xi32, #tpu.memory_space<vmem>>
      %dma_wait3A_144 = tpu.memref_squeeze %dma_wait3A_143 : memref<1x80xi32, #tpu.memory_space<vmem>> -> memref<80xi32, #tpu.memory_space<vmem>>
      %dma_wait3A_145 = arith.constant 0 : i32
      %dma_wait3A_146 = arith.constant 0 : i32
      %dma_wait3A_147 = tpu.memref_slice %arg3[%dma_wait3A_145, %dma_wait3A_146] : memref<1071x128xf32, #tpu.memory_space<hbm>> -> memref<1071x128xf32, #tpu.memory_space<hbm>>
      tpu.wait_indirect_dma semaphore(%arg9 : memref<!tpu.dma_semaphore, #tpu.memory_space<semaphore_mem>>) src(%dma_wait3A_147 : memref<1071x128xf32, #tpu.memory_space<hbm>>) dst(%dma_wait3A_141 : memref<80x128xf32, #tpu.memory_space<vmem>>)
      %mul3A_148 = arith.constant 4 : i32
      %mul3A_149 = arith.muli %mul3A_108, %mul3A_148 : i32
      %add3A_150 = arith.constant 3 : i32
      %add3A_151 = arith.addi %mul3A_149, %add3A_150 : i32
      %dma_wait3A_152 = arith.constant 240 : i32
      %dma_wait3A_153 = arith.constant 0 : i32
      %dma_wait3A_154 = tpu.memref_slice %arg7[%dma_wait3A_152, %dma_wait3A_153] : memref<320x128xf32, #tpu.memory_space<vmem>> -> memref<80x128xf32, #tpu.memory_space<vmem>>
      %dma_wait3A_155 = arith.constant 0 : i32
      %dma_wait3A_156 = tpu.memref_slice %arg5[%add3A_151, %dma_wait3A_155] : memref<40x80xi32, #tpu.memory_space<vmem>> -> memref<1x80xi32, #tpu.memory_space<vmem>>
      %dma_wait3A_157 = tpu.memref_squeeze %dma_wait3A_156 : memref<1x80xi32, #tpu.memory_space<vmem>> -> memref<80xi32, #tpu.memory_space<vmem>>
      %dma_wait3A_158 = arith.constant 0 : i32
      %dma_wait3A_159 = arith.constant 0 : i32
      %dma_wait3A_160 = tpu.memref_slice %arg3[%dma_wait3A_158, %dma_wait3A_159] : memref<1071x128xf32, #tpu.memory_space<hbm>> -> memref<1071x128xf32, #tpu.memory_space<hbm>>
      tpu.wait_indirect_dma semaphore(%arg9 : memref<!tpu.dma_semaphore, #tpu.memory_space<semaphore_mem>>) src(%dma_wait3A_160 : memref<1071x128xf32, #tpu.memory_space<hbm>>) dst(%dma_wait3A_154 : memref<80x128xf32, #tpu.memory_space<vmem>>)
      %add3A_161 = arith.constant 1 : i32
      %add3A_162 = arith.addi %mul3A_108, %add3A_161 : i32
      %mul3A_163 = arith.constant 4 : i32
      %mul3A_164 = arith.muli %add3A_162, %mul3A_163 : i32
      %add3A_165 = arith.constant 0 : i32
      %add3A_166 = arith.addi %mul3A_164, %add3A_165 : i32
      %dma_start3A_167 = arith.constant 0 : i32
      %dma_start3A_168 = arith.constant 0 : i32
      %dma_start3A_169 = tpu.memref_slice %arg8[%dma_start3A_167, %dma_start3A_168] : memref<320x128xf32, #tpu.memory_space<vmem>> -> memref<80x128xf32, #tpu.memory_space<vmem>>
      %dma_start3A_170 = arith.constant 0 : i32
      %dma_start3A_171 = tpu.memref_slice %arg5[%add3A_166, %dma_start3A_170] : memref<40x80xi32, #tpu.memory_space<vmem>> -> memref<1x80xi32, #tpu.memory_space<vmem>>
      %dma_start3A_172 = tpu.memref_squeeze %dma_start3A_171 : memref<1x80xi32, #tpu.memory_space<vmem>> -> memref<80xi32, #tpu.memory_space<vmem>>
      %dma_start3A_173 = arith.constant 0 : i32
      %dma_start3A_174 = arith.constant 0 : i32
      %dma_start3A_175 = tpu.memref_slice %arg3[%dma_start3A_173, %dma_start3A_174] : memref<1071x128xf32, #tpu.memory_space<hbm>> -> memref<1071x128xf32, #tpu.memory_space<hbm>>
      tpu.enqueue_indirect_dma source(%dma_start3A_175 : memref<1071x128xf32, #tpu.memory_space<hbm>>) target(%dma_start3A_169 : memref<80x128xf32, #tpu.memory_space<vmem>>) offsets(%dma_start3A_172 : memref<80xi32, #tpu.memory_space<vmem>>) semaphore(%arg10 : memref<!tpu.dma_semaphore, #tpu.memory_space<semaphore_mem>>)
      %mul3A_176 = arith.constant 4 : i32
      %mul3A_177 = arith.muli %add3A_162, %mul3A_176 : i32
      %add3A_178 = arith.constant 1 : i32
      %add3A_179 = arith.addi %mul3A_177, %add3A_178 : i32
      %dma_start3A_180 = arith.constant 80 : i32
      %dma_start3A_181 = arith.constant 0 : i32
      %dma_start3A_182 = tpu.memref_slice %arg8[%dma_start3A_180, %dma_start3A_181] : memref<320x128xf32, #tpu.memory_space<vmem>> -> memref<80x128xf32, #tpu.memory_space<vmem>>
      %dma_start3A_183 = arith.constant 0 : i32
      %dma_start3A_184 = tpu.memref_slice %arg5[%add3A_179, %dma_start3A_183] : memref<40x80xi32, #tpu.memory_space<vmem>> -> memref<1x80xi32, #tpu.memory_space<vmem>>
      %dma_start3A_185 = tpu.memref_squeeze %dma_start3A_184 : memref<1x80xi32, #tpu.memory_space<vmem>> -> memref<80xi32, #tpu.memory_space<vmem>>
      %dma_start3A_186 = arith.constant 0 : i32
      %dma_start3A_187 = arith.constant 0 : i32
      %dma_start3A_188 = tpu.memref_slice %arg3[%dma_start3A_186, %dma_start3A_187] : memref<1071x128xf32, #tpu.memory_space<hbm>> -> memref<1071x128xf32, #tpu.memory_space<hbm>>
      tpu.enqueue_indirect_dma source(%dma_start3A_188 : memref<1071x128xf32, #tpu.memory_space<hbm>>) target(%dma_start3A_182 : memref<80x128xf32, #tpu.memory_space<vmem>>) offsets(%dma_start3A_185 : memref<80xi32, #tpu.memory_space<vmem>>) semaphore(%arg10 : memref<!tpu.dma_semaphore, #tpu.memory_space<semaphore_mem>>)
      %mul3A_189 = arith.constant 4 : i32
      %mul3A_190 = arith.muli %add3A_162, %mul3A_189 : i32
      %add3A_191 = arith.constant 2 : i32
      %add3A_192 = arith.addi %mul3A_190, %add3A_191 : i32
      %dma_start3A_193 = arith.constant 160 : i32
      %dma_start3A_194 = arith.constant 0 : i32
      %dma_start3A_195 = tpu.memref_slice %arg8[%dma_start3A_193, %dma_start3A_194] : memref<320x128xf32, #tpu.memory_space<vmem>> -> memref<80x128xf32, #tpu.memory_space<vmem>>
      %dma_start3A_196 = arith.constant 0 : i32
      %dma_start3A_197 = tpu.memref_slice %arg5[%add3A_192, %dma_start3A_196] : memref<40x80xi32, #tpu.memory_space<vmem>> -> memref<1x80xi32, #tpu.memory_space<vmem>>
      %dma_start3A_198 = tpu.memref_squeeze %dma_start3A_197 : memref<1x80xi32, #tpu.memory_space<vmem>> -> memref<80xi32, #tpu.memory_space<vmem>>
      %dma_start3A_199 = arith.constant 0 : i32
      %dma_start3A_200 = arith.constant 0 : i32
      %dma_start3A_201 = tpu.memref_slice %arg3[%dma_start3A_199, %dma_start3A_200] : memref<1071x128xf32, #tpu.memory_space<hbm>> -> memref<1071x128xf32, #tpu.memory_space<hbm>>
      tpu.enqueue_indirect_dma source(%dma_start3A_201 : memref<1071x128xf32, #tpu.memory_space<hbm>>) target(%dma_start3A_195 : memref<80x128xf32, #tpu.memory_space<vmem>>) offsets(%dma_start3A_198 : memref<80xi32, #tpu.memory_space<vmem>>) semaphore(%arg10 : memref<!tpu.dma_semaphore, #tpu.memory_space<semaphore_mem>>)
      %mul3A_202 = arith.constant 4 : i32
      %mul3A_203 = arith.muli %add3A_162, %mul3A_202 : i32
      %add3A_204 = arith.constant 3 : i32
      %add3A_205 = arith.addi %mul3A_203, %add3A_204 : i32
      %dma_start3A_206 = arith.constant 240 : i32
      %dma_start3A_207 = arith.constant 0 : i32
      %dma_start3A_208 = tpu.memref_slice %arg8[%dma_start3A_206, %dma_start3A_207] : memref<320x128xf32, #tpu.memory_space<vmem>> -> memref<80x128xf32, #tpu.memory_space<vmem>>
      %dma_start3A_209 = arith.constant 0 : i32
      %dma_start3A_210 = tpu.memref_slice %arg5[%add3A_205, %dma_start3A_209] : memref<40x80xi32, #tpu.memory_space<vmem>> -> memref<1x80xi32, #tpu.memory_space<vmem>>
      %dma_start3A_211 = tpu.memref_squeeze %dma_start3A_210 : memref<1x80xi32, #tpu.memory_space<vmem>> -> memref<80xi32, #tpu.memory_space<vmem>>
      %dma_start3A_212 = arith.constant 0 : i32
      %dma_start3A_213 = arith.constant 0 : i32
      %dma_start3A_214 = tpu.memref_slice %arg3[%dma_start3A_212, %dma_start3A_213] : memref<1071x128xf32, #tpu.memory_space<hbm>> -> memref<1071x128xf32, #tpu.memory_space<hbm>>
      tpu.enqueue_indirect_dma source(%dma_start3A_214 : memref<1071x128xf32, #tpu.memory_space<hbm>>) target(%dma_start3A_208 : memref<80x128xf32, #tpu.memory_space<vmem>>) offsets(%dma_start3A_211 : memref<80xi32, #tpu.memory_space<vmem>>) semaphore(%arg10 : memref<!tpu.dma_semaphore, #tpu.memory_space<semaphore_mem>>)
      %scan3A_215 = arith.constant 0 : i32
      %scan3A_216 = arith.constant 0 : i32
      %scan3A_217 = arith.constant 320 : i32
      %scan3A_218 = arith.addi %scan3A_216, %scan3A_217 : i32
      %scan3A_219 = arith.constant 1 : i32
      scf.for %scan3A_336 = %scan3A_216 to %scan3A_218 step %scan3A_219  : i32 {
        %get3A = arith.index_cast %scan3A_336 : i32 to index
        %get3A_337 = arith.constant 0 : index
        %get3A_338 = tpu.vector_load %arg6[%get3A, %get3A_337] {strides = array<i32>} : memref<320x128xf32, #tpu.memory_space<vmem>>, vector<1x16xf32>,
        %get3A_339 = vector.shape_cast %get3A_338 : vector<1x16xf32> to vector<16xf32>
        %get3A_340 = arith.index_cast %scan3A_336 : i32 to index
        %get3A_341 = arith.constant 0 : index
        %get3A_342 = tpu.vector_load %arg7[%get3A_340, %get3A_341] {strides = array<i32>} : memref<320x128xf32, #tpu.memory_space<vmem>>, vector<1x16xf32>,
        %get3A_343 = vector.shape_cast %get3A_342 : vector<1x16xf32> to vector<16xf32>
        %add3A_344 = arith.addf %get3A_339, %get3A_343 : vector<16xf32>
        %swap3A = arith.index_cast %scan3A_336 : i32 to index
        %swap3A_345 = arith.constant 0 : index
        %swap3A_346 = tpu.vector_load %arg6[%swap3A, %swap3A_345] {strides = array<i32>} : memref<320x128xf32, #tpu.memory_space<vmem>>, vector<1x16xf32>,
        %swap3A_347 = vector.shape_cast %swap3A_346 : vector<1x16xf32> to vector<16xf32>
        %swap3A_348 = vector.shape_cast %add3A_344 : vector<16xf32> to vector<1x16xf32>
        tpu.vector_store %arg6[%swap3A, %swap3A_345], %swap3A_348 {strides = array<i32>} : memref<320x128xf32, #tpu.memory_space<vmem>>, vector<1x16xf32>,
        %get3A_349 = arith.index_cast %scan3A_336 : i32 to index
        %get3A_350 = arith.constant 16 : index
        %get3A_351 = tpu.vector_load %arg6[%get3A_349, %get3A_350] {strides = array<i32>} : memref<320x128xf32, #tpu.memory_space<vmem>>, vector<1x16xf32>,
        %get3A_352 = vector.shape_cast %get3A_351 : vector<1x16xf32> to vector<16xf32>
        %get3A_353 = arith.index_cast %scan3A_336 : i32 to index
        %get3A_354 = arith.constant 16 : index
        %get3A_355 = tpu.vector_load %arg7[%get3A_353, %get3A_354] {strides = array<i32>} : memref<320x128xf32, #tpu.memory_space<vmem>>, vector<1x16xf32>,
        %get3A_356 = vector.shape_cast %get3A_355 : vector<1x16xf32> to vector<16xf32>
        %add3A_357 = arith.addf %get3A_352, %get3A_356 : vector<16xf32>
        %swap3A_358 = arith.index_cast %scan3A_336 : i32 to index
        %swap3A_359 = arith.constant 16 : index
        %swap3A_360 = tpu.vector_load %arg6[%swap3A_358, %swap3A_359] {strides = array<i32>} : memref<320x128xf32, #tpu.memory_space<vmem>>, vector<1x16xf32>,
        %swap3A_361 = vector.shape_cast %swap3A_360 : vector<1x16xf32> to vector<16xf32>
        %swap3A_362 = vector.shape_cast %add3A_357 : vector<16xf32> to vector<1x16xf32>
        tpu.vector_store %arg6[%swap3A_358, %swap3A_359], %swap3A_362 {strides = array<i32>} : memref<320x128xf32, #tpu.memory_space<vmem>>, vector<1x16xf32>,
        %get3A_363 = arith.index_cast %scan3A_336 : i32 to index
        %get3A_364 = arith.constant 32 : index
        %get3A_365 = tpu.vector_load %arg6[%get3A_363, %get3A_364] {strides = array<i32>} : memref<320x128xf32, #tpu.memory_space<vmem>>, vector<1x16xf32>,
        %get3A_366 = vector.shape_cast %get3A_365 : vector<1x16xf32> to vector<16xf32>
        %get3A_367 = arith.index_cast %scan3A_336 : i32 to index
        %get3A_368 = arith.constant 32 : index
        %get3A_369 = tpu.vector_load %arg7[%get3A_367, %get3A_368] {strides = array<i32>} : memref<320x128xf32, #tpu.memory_space<vmem>>, vector<1x16xf32>,
        %get3A_370 = vector.shape_cast %get3A_369 : vector<1x16xf32> to vector<16xf32>
        %add3A_371 = arith.addf %get3A_366, %get3A_370 : vector<16xf32>
        %swap3A_372 = arith.index_cast %scan3A_336 : i32 to index
        %swap3A_373 = arith.constant 32 : index
        %swap3A_374 = tpu.vector_load %arg6[%swap3A_372, %swap3A_373] {strides = array<i32>} : memref<320x128xf32, #tpu.memory_space<vmem>>, vector<1x16xf32>,
        %swap3A_375 = vector.shape_cast %swap3A_374 : vector<1x16xf32> to vector<16xf32>
        %swap3A_376 = vector.shape_cast %add3A_371 : vector<16xf32> to vector<1x16xf32>
        tpu.vector_store %arg6[%swap3A_372, %swap3A_373], %swap3A_376 {strides = array<i32>} : memref<320x128xf32, #tpu.memory_space<vmem>>, vector<1x16xf32>,
        %get3A_377 = arith.index_cast %scan3A_336 : i32 to index
        %get3A_378 = arith.constant 48 : index
        %get3A_379 = tpu.vector_load %arg6[%get3A_377, %get3A_378] {strides = array<i32>} : memref<320x128xf32, #tpu.memory_space<vmem>>, vector<1x16xf32>,
        %get3A_380 = vector.shape_cast %get3A_379 : vector<1x16xf32> to vector<16xf32>
        %get3A_381 = arith.index_cast %scan3A_336 : i32 to index
        %get3A_382 = arith.constant 48 : index
        %get3A_383 = tpu.vector_load %arg7[%get3A_381, %get3A_382] {strides = array<i32>} : memref<320x128xf32, #tpu.memory_space<vmem>>, vector<1x16xf32>,
        %get3A_384 = vector.shape_cast %get3A_383 : vector<1x16xf32> to vector<16xf32>
        %add3A_385 = arith.addf %get3A_380, %get3A_384 : vector<16xf32>
        %swap3A_386 = arith.index_cast %scan3A_336 : i32 to index
        %swap3A_387 = arith.constant 48 : index
        %swap3A_388 = tpu.vector_load %arg6[%swap3A_386, %swap3A_387] {strides = array<i32>} : memref<320x128xf32, #tpu.memory_space<vmem>>, vector<1x16xf32>,
        %swap3A_389 = vector.shape_cast %swap3A_388 : vector<1x16xf32> to vector<16xf32>
        %swap3A_390 = vector.shape_cast %add3A_385 : vector<16xf32> to vector<1x16xf32>
        tpu.vector_store %arg6[%swap3A_386, %swap3A_387], %swap3A_390 {strides = array<i32>} : memref<320x128xf32, #tpu.memory_space<vmem>>, vector<1x16xf32>,
        %get3A_391 = arith.index_cast %scan3A_336 : i32 to index
        %get3A_392 = arith.constant 64 : index
        %get3A_393 = tpu.vector_load %arg6[%get3A_391, %get3A_392] {strides = array<i32>} : memref<320x128xf32, #tpu.memory_space<vmem>>, vector<1x16xf32>,
        %get3A_394 = vector.shape_cast %get3A_393 : vector<1x16xf32> to vector<16xf32>
        %get3A_395 = arith.index_cast %scan3A_336 : i32 to index
        %get3A_396 = arith.constant 64 : index
        %get3A_397 = tpu.vector_load %arg7[%get3A_395, %get3A_396] {strides = array<i32>} : memref<320x128xf32, #tpu.memory_space<vmem>>, vector<1x16xf32>,
        %get3A_398 = vector.shape_cast %get3A_397 : vector<1x16xf32> to vector<16xf32>
        %add3A_399 = arith.addf %get3A_394, %get3A_398 : vector<16xf32>
        %swap3A_400 = arith.index_cast %scan3A_336 : i32 to index
        %swap3A_401 = arith.constant 64 : index
        %swap3A_402 = tpu.vector_load %arg6[%swap3A_400, %swap3A_401] {strides = array<i32>} : memref<320x128xf32, #tpu.memory_space<vmem>>, vector<1x16xf32>,
        %swap3A_403 = vector.shape_cast %swap3A_402 : vector<1x16xf32> to vector<16xf32>
        %swap3A_404 = vector.shape_cast %add3A_399 : vector<16xf32> to vector<1x16xf32>
        tpu.vector_store %arg6[%swap3A_400, %swap3A_401], %swap3A_404 {strides = array<i32>} : memref<320x128xf32, #tpu.memory_space<vmem>>, vector<1x16xf32>,
        %get3A_405 = arith.index_cast %scan3A_336 : i32 to index
        %get3A_406 = arith.constant 80 : index
        %get3A_407 = tpu.vector_load %arg6[%get3A_405, %get3A_406] {strides = array<i32>} : memref<320x128xf32, #tpu.memory_space<vmem>>, vector<1x16xf32>,
        %get3A_408 = vector.shape_cast %get3A_407 : vector<1x16xf32> to vector<16xf32>
        %get3A_409 = arith.index_cast %scan3A_336 : i32 to index
        %get3A_410 = arith.constant 80 : index
        %get3A_411 = tpu.vector_load %arg7[%get3A_409, %get3A_410] {strides = array<i32>} : memref<320x128xf32, #tpu.memory_space<vmem>>, vector<1x16xf32>,
        %get3A_412 = vector.shape_cast %get3A_411 : vector<1x16xf32> to vector<16xf32>
        %add3A_413 = arith.addf %get3A_408, %get3A_412 : vector<16xf32>
        %swap3A_414 = arith.index_cast %scan3A_336 : i32 to index
        %swap3A_415 = arith.constant 80 : index
        %swap3A_416 = tpu.vector_load %arg6[%swap3A_414, %swap3A_415] {strides = array<i32>} : memref<320x128xf32, #tpu.memory_space<vmem>>, vector<1x16xf32>,
        %swap3A_417 = vector.shape_cast %swap3A_416 : vector<1x16xf32> to vector<16xf32>
        %swap3A_418 = vector.shape_cast %add3A_413 : vector<16xf32> to vector<1x16xf32>
        tpu.vector_store %arg6[%swap3A_414, %swap3A_415], %swap3A_418 {strides = array<i32>} : memref<320x128xf32, #tpu.memory_space<vmem>>, vector<1x16xf32>,
        %get3A_419 = arith.index_cast %scan3A_336 : i32 to index
        %get3A_420 = arith.constant 96 : index
        %get3A_421 = tpu.vector_load %arg6[%get3A_419, %get3A_420] {strides = array<i32>} : memref<320x128xf32, #tpu.memory_space<vmem>>, vector<1x16xf32>,
        %get3A_422 = vector.shape_cast %get3A_421 : vector<1x16xf32> to vector<16xf32>
        %get3A_423 = arith.index_cast %scan3A_336 : i32 to index
        %get3A_424 = arith.constant 96 : index
        %get3A_425 = tpu.vector_load %arg7[%get3A_423, %get3A_424] {strides = array<i32>} : memref<320x128xf32, #tpu.memory_space<vmem>>, vector<1x16xf32>,
        %get3A_426 = vector.shape_cast %get3A_425 : vector<1x16xf32> to vector<16xf32>
        %add3A_427 = arith.addf %get3A_422, %get3A_426 : vector<16xf32>
        %swap3A_428 = arith.index_cast %scan3A_336 : i32 to index
        %swap3A_429 = arith.constant 96 : index
        %swap3A_430 = tpu.vector_load %arg6[%swap3A_428, %swap3A_429] {strides = array<i32>} : memref<320x128xf32, #tpu.memory_space<vmem>>, vector<1x16xf32>,
        %swap3A_431 = vector.shape_cast %swap3A_430 : vector<1x16xf32> to vector<16xf32>
        %swap3A_432 = vector.shape_cast %add3A_427 : vector<16xf32> to vector<1x16xf32>
        tpu.vector_store %arg6[%swap3A_428, %swap3A_429], %swap3A_432 {strides = array<i32>} : memref<320x128xf32, #tpu.memory_space<vmem>>, vector<1x16xf32>,
        %get3A_433 = arith.index_cast %scan3A_336 : i32 to index
        %get3A_434 = arith.constant 112 : index
        %get3A_435 = tpu.vector_load %arg6[%get3A_433, %get3A_434] {strides = array<i32>} : memref<320x128xf32, #tpu.memory_space<vmem>>, vector<1x16xf32>,
        %get3A_436 = vector.shape_cast %get3A_435 : vector<1x16xf32> to vector<16xf32>
        %get3A_437 = arith.index_cast %scan3A_336 : i32 to index
        %get3A_438 = arith.constant 112 : index
        %get3A_439 = tpu.vector_load %arg7[%get3A_437, %get3A_438] {strides = array<i32>} : memref<320x128xf32, #tpu.memory_space<vmem>>, vector<1x16xf32>,
        %get3A_440 = vector.shape_cast %get3A_439 : vector<1x16xf32> to vector<16xf32>
        %add3A_441 = arith.addf %get3A_436, %get3A_440 : vector<16xf32>
        %swap3A_442 = arith.index_cast %scan3A_336 : i32 to index
        %swap3A_443 = arith.constant 112 : index
        %swap3A_444 = tpu.vector_load %arg6[%swap3A_442, %swap3A_443] {strides = array<i32>} : memref<320x128xf32, #tpu.memory_space<vmem>>, vector<1x16xf32>,
        %swap3A_445 = vector.shape_cast %swap3A_444 : vector<1x16xf32> to vector<16xf32>
        %swap3A_446 = vector.shape_cast %add3A_441 : vector<16xf32> to vector<1x16xf32>
        tpu.vector_store %arg6[%swap3A_442, %swap3A_443], %swap3A_446 {strides = array<i32>} : memref<320x128xf32, #tpu.memory_space<vmem>>, vector<1x16xf32>,
      }
      %scan3A_220 = arith.constant 320 : i32
      %add3A_221 = arith.constant 1 : i32
      %add3A_222 = arith.addi %mul3A_108, %add3A_221 : i32
      %mul3A_223 = arith.constant 4 : i32
      %mul3A_224 = arith.muli %add3A_222, %mul3A_223 : i32
      %add3A_225 = arith.constant 0 : i32
      %add3A_226 = arith.addi %mul3A_224, %add3A_225 : i32
      %dma_wait3A_227 = arith.constant 0 : i32
      %dma_wait3A_228 = arith.constant 0 : i32
      %dma_wait3A_229 = tpu.memref_slice %arg8[%dma_wait3A_227, %dma_wait3A_228] : memref<320x128xf32, #tpu.memory_space<vmem>> -> memref<80x128xf32, #tpu.memory_space<vmem>>
      %dma_wait3A_230 = arith.constant 0 : i32
      %dma_wait3A_231 = tpu.memref_slice %arg5[%add3A_226, %dma_wait3A_230] : memref<40x80xi32, #tpu.memory_space<vmem>> -> memref<1x80xi32, #tpu.memory_space<vmem>>
      %dma_wait3A_232 = tpu.memref_squeeze %dma_wait3A_231 : memref<1x80xi32, #tpu.memory_space<vmem>> -> memref<80xi32, #tpu.memory_space<vmem>>
      %dma_wait3A_233 = arith.constant 0 : i32
      %dma_wait3A_234 = arith.constant 0 : i32
      %dma_wait3A_235 = tpu.memref_slice %arg3[%dma_wait3A_233, %dma_wait3A_234] : memref<1071x128xf32, #tpu.memory_space<hbm>> -> memref<1071x128xf32, #tpu.memory_space<hbm>>
      tpu.wait_indirect_dma semaphore(%arg10 : memref<!tpu.dma_semaphore, #tpu.memory_space<semaphore_mem>>) src(%dma_wait3A_235 : memref<1071x128xf32, #tpu.memory_space<hbm>>) dst(%dma_wait3A_229 : memref<80x128xf32, #tpu.memory_space<vmem>>)
      %mul3A_236 = arith.constant 4 : i32
      %mul3A_237 = arith.muli %add3A_222, %mul3A_236 : i32
      %add3A_238 = arith.constant 1 : i32
      %add3A_239 = arith.addi %mul3A_237, %add3A_238 : i32
      %dma_wait3A_240 = arith.constant 80 : i32
      %dma_wait3A_241 = arith.constant 0 : i32
      %dma_wait3A_242 = tpu.memref_slice %arg8[%dma_wait3A_240, %dma_wait3A_241] : memref<320x128xf32, #tpu.memory_space<vmem>> -> memref<80x128xf32, #tpu.memory_space<vmem>>
      %dma_wait3A_243 = arith.constant 0 : i32
      %dma_wait3A_244 = tpu.memref_slice %arg5[%add3A_239, %dma_wait3A_243] : memref<40x80xi32, #tpu.memory_space<vmem>> -> memref<1x80xi32, #tpu.memory_space<vmem>>
      %dma_wait3A_245 = tpu.memref_squeeze %dma_wait3A_244 : memref<1x80xi32, #tpu.memory_space<vmem>> -> memref<80xi32, #tpu.memory_space<vmem>>
      %dma_wait3A_246 = arith.constant 0 : i32
      %dma_wait3A_247 = arith.constant 0 : i32
      %dma_wait3A_248 = tpu.memref_slice %arg3[%dma_wait3A_246, %dma_wait3A_247] : memref<1071x128xf32, #tpu.memory_space<hbm>> -> memref<1071x128xf32, #tpu.memory_space<hbm>>
      tpu.wait_indirect_dma semaphore(%arg10 : memref<!tpu.dma_semaphore, #tpu.memory_space<semaphore_mem>>) src(%dma_wait3A_248 : memref<1071x128xf32, #tpu.memory_space<hbm>>) dst(%dma_wait3A_242 : memref<80x128xf32, #tpu.memory_space<vmem>>)
      %mul3A_249 = arith.constant 4 : i32
      %mul3A_250 = arith.muli %add3A_222, %mul3A_249 : i32
      %add3A_251 = arith.constant 2 : i32
      %add3A_252 = arith.addi %mul3A_250, %add3A_251 : i32
      %dma_wait3A_253 = arith.constant 160 : i32
      %dma_wait3A_254 = arith.constant 0 : i32
      %dma_wait3A_255 = tpu.memref_slice %arg8[%dma_wait3A_253, %dma_wait3A_254] : memref<320x128xf32, #tpu.memory_space<vmem>> -> memref<80x128xf32, #tpu.memory_space<vmem>>
      %dma_wait3A_256 = arith.constant 0 : i32
      %dma_wait3A_257 = tpu.memref_slice %arg5[%add3A_252, %dma_wait3A_256] : memref<40x80xi32, #tpu.memory_space<vmem>> -> memref<1x80xi32, #tpu.memory_space<vmem>>
      %dma_wait3A_258 = tpu.memref_squeeze %dma_wait3A_257 : memref<1x80xi32, #tpu.memory_space<vmem>> -> memref<80xi32, #tpu.memory_space<vmem>>
      %dma_wait3A_259 = arith.constant 0 : i32
      %dma_wait3A_260 = arith.constant 0 : i32
      %dma_wait3A_261 = tpu.memref_slice %arg3[%dma_wait3A_259, %dma_wait3A_260] : memref<1071x128xf32, #tpu.memory_space<hbm>> -> memref<1071x128xf32, #tpu.memory_space<hbm>>
      tpu.wait_indirect_dma semaphore(%arg10 : memref<!tpu.dma_semaphore, #tpu.memory_space<semaphore_mem>>) src(%dma_wait3A_261 : memref<1071x128xf32, #tpu.memory_space<hbm>>) dst(%dma_wait3A_255 : memref<80x128xf32, #tpu.memory_space<vmem>>)
      %mul3A_262 = arith.constant 4 : i32
      %mul3A_263 = arith.muli %add3A_222, %mul3A_262 : i32
      %add3A_264 = arith.constant 3 : i32
      %add3A_265 = arith.addi %mul3A_263, %add3A_264 : i32
      %dma_wait3A_266 = arith.constant 240 : i32
      %dma_wait3A_267 = arith.constant 0 : i32
      %dma_wait3A_268 = tpu.memref_slice %arg8[%dma_wait3A_266, %dma_wait3A_267] : memref<320x128xf32, #tpu.memory_space<vmem>> -> memref<80x128xf32, #tpu.memory_space<vmem>>
      %dma_wait3A_269 = arith.constant 0 : i32
      %dma_wait3A_270 = tpu.memref_slice %arg5[%add3A_265, %dma_wait3A_269] : memref<40x80xi32, #tpu.memory_space<vmem>> -> memref<1x80xi32, #tpu.memory_space<vmem>>
      %dma_wait3A_271 = tpu.memref_squeeze %dma_wait3A_270 : memref<1x80xi32, #tpu.memory_space<vmem>> -> memref<80xi32, #tpu.memory_space<vmem>>
      %dma_wait3A_272 = arith.constant 0 : i32
      %dma_wait3A_273 = arith.constant 0 : i32
      %dma_wait3A_274 = tpu.memref_slice %arg3[%dma_wait3A_272, %dma_wait3A_273] : memref<1071x128xf32, #tpu.memory_space<hbm>> -> memref<1071x128xf32, #tpu.memory_space<hbm>>
      tpu.wait_indirect_dma semaphore(%arg10 : memref<!tpu.dma_semaphore, #tpu.memory_space<semaphore_mem>>) src(%dma_wait3A_274 : memref<1071x128xf32, #tpu.memory_space<hbm>>) dst(%dma_wait3A_268 : memref<80x128xf32, #tpu.memory_space<vmem>>)
      %add3A_275 = arith.constant 2 : i32
      %add3A_276 = arith.addi %mul3A_108, %add3A_275 : i32
      %min3A = arith.constant 8 : i32
      %min3A_277 = arith.minsi %add3A_276, %min3A : i32
      %mul3A_278 = arith.constant 4 : i32
      %mul3A_279 = arith.muli %min3A_277, %mul3A_278 : i32
      %add3A_280 = arith.constant 0 : i32
      %add3A_281 = arith.addi %mul3A_279, %add3A_280 : i32
      %dma_start3A_282 = arith.constant 0 : i32
      %dma_start3A_283 = arith.constant 0 : i32
      %dma_start3A_284 = tpu.memref_slice %arg7[%dma_start3A_282, %dma_start3A_283] : memref<320x128xf32, #tpu.memory_space<vmem>> -> memref<80x128xf32, #tpu.memory_space<vmem>>
      %dma_start3A_285 = arith.constant 0 : i32
      %dma_start3A_286 = tpu.memref_slice %arg5[%add3A_281, %dma_start3A_285] : memref<40x80xi32, #tpu.memory_space<vmem>> -> memref<1x80xi32, #tpu.memory_space<vmem>>
      %dma_start3A_287 = tpu.memref_squeeze %dma_start3A_286 : memref<1x80xi32, #tpu.memory_space<vmem>> -> memref<80xi32, #tpu.memory_space<vmem>>
      %dma_start3A_288 = arith.constant 0 : i32
      %dma_start3A_289 = arith.constant 0 : i32
      %dma_start3A_290 = tpu.memref_slice %arg3[%dma_start3A_288, %dma_start3A_289] : memref<1071x128xf32, #tpu.memory_space<hbm>> -> memref<1071x128xf32, #tpu.memory_space<hbm>>
      tpu.enqueue_indirect_dma source(%dma_start3A_290 : memref<1071x128xf32, #tpu.memory_space<hbm>>) target(%dma_start3A_284 : memref<80x128xf32, #tpu.memory_space<vmem>>) offsets(%dma_start3A_287 : memref<80xi32, #tpu.memory_space<vmem>>) semaphore(%arg9 : memref<!tpu.dma_semaphore, #tpu.memory_space<semaphore_mem>>)
      %mul3A_291 = arith.constant 4 : i32
      %mul3A_292 = arith.muli %min3A_277, %mul3A_291 : i32
      %add3A_293 = arith.constant 1 : i32
      %add3A_294 = arith.addi %mul3A_292, %add3A_293 : i32
      %dma_start3A_295 = arith.constant 80 : i32
      %dma_start3A_296 = arith.constant 0 : i32
      %dma_start3A_297 = tpu.memref_slice %arg7[%dma_start3A_295, %dma_start3A_296] : memref<320x128xf32, #tpu.memory_space<vmem>> -> memref<80x128xf32, #tpu.memory_space<vmem>>
      %dma_start3A_298 = arith.constant 0 : i32
      %dma_start3A_299 = tpu.memref_slice %arg5[%add3A_294, %dma_start3A_298] : memref<40x80xi32, #tpu.memory_space<vmem>> -> memref<1x80xi32, #tpu.memory_space<vmem>>
      %dma_start3A_300 = tpu.memref_squeeze %dma_start3A_299 : memref<1x80xi32, #tpu.memory_space<vmem>> -> memref<80xi32, #tpu.memory_space<vmem>>
      %dma_start3A_301 = arith.constant 0 : i32
      %dma_start3A_302 = arith.constant 0 : i32
      %dma_start3A_303 = tpu.memref_slice %arg3[%dma_start3A_301, %dma_start3A_302] : memref<1071x128xf32, #tpu.memory_space<hbm>> -> memref<1071x128xf32, #tpu.memory_space<hbm>>
      tpu.enqueue_indirect_dma source(%dma_start3A_303 : memref<1071x128xf32, #tpu.memory_space<hbm>>) target(%dma_start3A_297 : memref<80x128xf32, #tpu.memory_space<vmem>>) offsets(%dma_start3A_300 : memref<80xi32, #tpu.memory_space<vmem>>) semaphore(%arg9 : memref<!tpu.dma_semaphore, #tpu.memory_space<semaphore_mem>>)
      %mul3A_304 = arith.constant 4 : i32
      %mul3A_305 = arith.muli %min3A_277, %mul3A_304 : i32
      %add3A_306 = arith.constant 2 : i32
      %add3A_307 = arith.addi %mul3A_305, %add3A_306 : i32
      %dma_start3A_308 = arith.constant 160 : i32
      %dma_start3A_309 = arith.constant 0 : i32
      %dma_start3A_310 = tpu.memref_slice %arg7[%dma_start3A_308, %dma_start3A_309] : memref<320x128xf32, #tpu.memory_space<vmem>> -> memref<80x128xf32, #tpu.memory_space<vmem>>
      %dma_start3A_311 = arith.constant 0 : i32
      %dma_start3A_312 = tpu.memref_slice %arg5[%add3A_307, %dma_start3A_311] : memref<40x80xi32, #tpu.memory_space<vmem>> -> memref<1x80xi32, #tpu.memory_space<vmem>>
      %dma_start3A_313 = tpu.memref_squeeze %dma_start3A_312 : memref<1x80xi32, #tpu.memory_space<vmem>> -> memref<80xi32, #tpu.memory_space<vmem>>
      %dma_start3A_314 = arith.constant 0 : i32
      %dma_start3A_315 = arith.constant 0 : i32
      %dma_start3A_316 = tpu.memref_slice %arg3[%dma_start3A_314, %dma_start3A_315] : memref<1071x128xf32, #tpu.memory_space<hbm>> -> memref<1071x128xf32, #tpu.memory_space<hbm>>
      tpu.enqueue_indirect_dma source(%dma_start3A_316 : memref<1071x128xf32, #tpu.memory_space<hbm>>) target(%dma_start3A_310 : memref<80x128xf32, #tpu.memory_space<vmem>>) offsets(%dma_start3A_313 : memref<80xi32, #tpu.memory_space<vmem>>) semaphore(%arg9 : memref<!tpu.dma_semaphore, #tpu.memory_space<semaphore_mem>>)
      %mul3A_317 = arith.constant 4 : i32
      %mul3A_318 = arith.muli %min3A_277, %mul3A_317 : i32
      %add3A_319 = arith.constant 3 : i32
      %add3A_320 = arith.addi %mul3A_318, %add3A_319 : i32
      %dma_start3A_321 = arith.constant 240 : i32
      %dma_start3A_322 = arith.constant 0 : i32
      %dma_start3A_323 = tpu.memref_slice %arg7[%dma_start3A_321, %dma_start3A_322] : memref<320x128xf32, #tpu.memory_space<vmem>> -> memref<80x128xf32, #tpu.memory_space<vmem>>
      %dma_start3A_324 = arith.constant 0 : i32
      %dma_start3A_325 = tpu.memref_slice %arg5[%add3A_320, %dma_start3A_324] : memref<40x80xi32, #tpu.memory_space<vmem>> -> memref<1x80xi32, #tpu.memory_space<vmem>>
      %dma_start3A_326 = tpu.memref_squeeze %dma_start3A_325 : memref<1x80xi32, #tpu.memory_space<vmem>> -> memref<80xi32, #tpu.memory_space<vmem>>
      %dma_start3A_327 = arith.constant 0 : i32
      %dma_start3A_328 = arith.constant 0 : i32
      %dma_start3A_329 = tpu.memref_slice %arg3[%dma_start3A_327, %dma_start3A_328] : memref<1071x128xf32, #tpu.memory_space<hbm>> -> memref<1071x128xf32, #tpu.memory_space<hbm>>
      tpu.enqueue_indirect_dma source(%dma_start3A_329 : memref<1071x128xf32, #tpu.memory_space<hbm>>) target(%dma_start3A_323 : memref<80x128xf32, #tpu.memory_space<vmem>>) offsets(%dma_start3A_326 : memref<80xi32, #tpu.memory_space<vmem>>) semaphore(%arg9 : memref<!tpu.dma_semaphore, #tpu.memory_space<semaphore_mem>>)
      %scan3A_330 = arith.constant 0 : i32
      %scan3A_331 = arith.constant 0 : i32
      %scan3A_332 = arith.constant 320 : i32
      %scan3A_333 = arith.addi %scan3A_331, %scan3A_332 : i32
      %scan3A_334 = arith.constant 1 : i32
      scf.for %scan3A_336 = %scan3A_331 to %scan3A_333 step %scan3A_334  : i32 {
        %get3A = arith.index_cast %scan3A_336 : i32 to index
        %get3A_337 = arith.constant 0 : index
        %get3A_338 = tpu.vector_load %arg6[%get3A, %get3A_337] {strides = array<i32>} : memref<320x128xf32, #tpu.memory_space<vmem>>, vector<1x16xf32>,
        %get3A_339 = vector.shape_cast %get3A_338 : vector<1x16xf32> to vector<16xf32>
        %get3A_340 = arith.index_cast %scan3A_336 : i32 to index
        %get3A_341 = arith.constant 0 : index
        %get3A_342 = tpu.vector_load %arg8[%get3A_340, %get3A_341] {strides = array<i32>} : memref<320x128xf32, #tpu.memory_space<vmem>>, vector<1x16xf32>,
        %get3A_343 = vector.shape_cast %get3A_342 : vector<1x16xf32> to vector<16xf32>
        %add3A_344 = arith.addf %get3A_339, %get3A_343 : vector<16xf32>
        %swap3A = arith.index_cast %scan3A_336 : i32 to index
        %swap3A_345 = arith.constant 0 : index
        %swap3A_346 = tpu.vector_load %arg6[%swap3A, %swap3A_345] {strides = array<i32>} : memref<320x128xf32, #tpu.memory_space<vmem>>, vector<1x16xf32>,
        %swap3A_347 = vector.shape_cast %swap3A_346 : vector<1x16xf32> to vector<16xf32>
        %swap3A_348 = vector.shape_cast %add3A_344 : vector<16xf32> to vector<1x16xf32>
        tpu.vector_store %arg6[%swap3A, %swap3A_345], %swap3A_348 {strides = array<i32>} : memref<320x128xf32, #tpu.memory_space<vmem>>, vector<1x16xf32>,
        %get3A_349 = arith.index_cast %scan3A_336 : i32 to index
        %get3A_350 = arith.constant 16 : index
        %get3A_351 = tpu.vector_load %arg6[%get3A_349, %get3A_350] {strides = array<i32>} : memref<320x128xf32, #tpu.memory_space<vmem>>, vector<1x16xf32>,
        %get3A_352 = vector.shape_cast %get3A_351 : vector<1x16xf32> to vector<16xf32>
        %get3A_353 = arith.index_cast %scan3A_336 : i32 to index
        %get3A_354 = arith.constant 16 : index
        %get3A_355 = tpu.vector_load %arg8[%get3A_353, %get3A_354] {strides = array<i32>} : memref<320x128xf32, #tpu.memory_space<vmem>>, vector<1x16xf32>,
        %get3A_356 = vector.shape_cast %get3A_355 : vector<1x16xf32> to vector<16xf32>
        %add3A_357 = arith.addf %get3A_352, %get3A_356 : vector<16xf32>
        %swap3A_358 = arith.index_cast %scan3A_336 : i32 to index
        %swap3A_359 = arith.constant 16 : index
        %swap3A_360 = tpu.vector_load %arg6[%swap3A_358, %swap3A_359] {strides = array<i32>} : memref<320x128xf32, #tpu.memory_space<vmem>>, vector<1x16xf32>,
        %swap3A_361 = vector.shape_cast %swap3A_360 : vector<1x16xf32> to vector<16xf32>
        %swap3A_362 = vector.shape_cast %add3A_357 : vector<16xf32> to vector<1x16xf32>
        tpu.vector_store %arg6[%swap3A_358, %swap3A_359], %swap3A_362 {strides = array<i32>} : memref<320x128xf32, #tpu.memory_space<vmem>>, vector<1x16xf32>,
        %get3A_363 = arith.index_cast %scan3A_336 : i32 to index
        %get3A_364 = arith.constant 32 : index
        %get3A_365 = tpu.vector_load %arg6[%get3A_363, %get3A_364] {strides = array<i32>} : memref<320x128xf32, #tpu.memory_space<vmem>>, vector<1x16xf32>,
        %get3A_366 = vector.shape_cast %get3A_365 : vector<1x16xf32> to vector<16xf32>
        %get3A_367 = arith.index_cast %scan3A_336 : i32 to index
        %get3A_368 = arith.constant 32 : index
        %get3A_369 = tpu.vector_load %arg8[%get3A_367, %get3A_368] {strides = array<i32>} : memref<320x128xf32, #tpu.memory_space<vmem>>, vector<1x16xf32>,
        %get3A_370 = vector.shape_cast %get3A_369 : vector<1x16xf32> to vector<16xf32>
        %add3A_371 = arith.addf %get3A_366, %get3A_370 : vector<16xf32>
        %swap3A_372 = arith.index_cast %scan3A_336 : i32 to index
        %swap3A_373 = arith.constant 32 : index
        %swap3A_374 = tpu.vector_load %arg6[%swap3A_372, %swap3A_373] {strides = array<i32>} : memref<320x128xf32, #tpu.memory_space<vmem>>, vector<1x16xf32>,
        %swap3A_375 = vector.shape_cast %swap3A_374 : vector<1x16xf32> to vector<16xf32>
        %swap3A_376 = vector.shape_cast %add3A_371 : vector<16xf32> to vector<1x16xf32>
        tpu.vector_store %arg6[%swap3A_372, %swap3A_373], %swap3A_376 {strides = array<i32>} : memref<320x128xf32, #tpu.memory_space<vmem>>, vector<1x16xf32>,
        %get3A_377 = arith.index_cast %scan3A_336 : i32 to index
        %get3A_378 = arith.constant 48 : index
        %get3A_379 = tpu.vector_load %arg6[%get3A_377, %get3A_378] {strides = array<i32>} : memref<320x128xf32, #tpu.memory_space<vmem>>, vector<1x16xf32>,
        %get3A_380 = vector.shape_cast %get3A_379 : vector<1x16xf32> to vector<16xf32>
        %get3A_381 = arith.index_cast %scan3A_336 : i32 to index
        %get3A_382 = arith.constant 48 : index
        %get3A_383 = tpu.vector_load %arg8[%get3A_381, %get3A_382] {strides = array<i32>} : memref<320x128xf32, #tpu.memory_space<vmem>>, vector<1x16xf32>,
        %get3A_384 = vector.shape_cast %get3A_383 : vector<1x16xf32> to vector<16xf32>
        %add3A_385 = arith.addf %get3A_380, %get3A_384 : vector<16xf32>
        %swap3A_386 = arith.index_cast %scan3A_336 : i32 to index
        %swap3A_387 = arith.constant 48 : index
        %swap3A_388 = tpu.vector_load %arg6[%swap3A_386, %swap3A_387] {strides = array<i32>} : memref<320x128xf32, #tpu.memory_space<vmem>>, vector<1x16xf32>,
        %swap3A_389 = vector.shape_cast %swap3A_388 : vector<1x16xf32> to vector<16xf32>
        %swap3A_390 = vector.shape_cast %add3A_385 : vector<16xf32> to vector<1x16xf32>
        tpu.vector_store %arg6[%swap3A_386, %swap3A_387], %swap3A_390 {strides = array<i32>} : memref<320x128xf32, #tpu.memory_space<vmem>>, vector<1x16xf32>,
        %get3A_391 = arith.index_cast %scan3A_336 : i32 to index
        %get3A_392 = arith.constant 64 : index
        %get3A_393 = tpu.vector_load %arg6[%get3A_391, %get3A_392] {strides = array<i32>} : memref<320x128xf32, #tpu.memory_space<vmem>>, vector<1x16xf32>,
        %get3A_394 = vector.shape_cast %get3A_393 : vector<1x16xf32> to vector<16xf32>
        %get3A_395 = arith.index_cast %scan3A_336 : i32 to index
        %get3A_396 = arith.constant 64 : index
        %get3A_397 = tpu.vector_load %arg8[%get3A_395, %get3A_396] {strides = array<i32>} : memref<320x128xf32, #tpu.memory_space<vmem>>, vector<1x16xf32>,
        %get3A_398 = vector.shape_cast %get3A_397 : vector<1x16xf32> to vector<16xf32>
        %add3A_399 = arith.addf %get3A_394, %get3A_398 : vector<16xf32>
        %swap3A_400 = arith.index_cast %scan3A_336 : i32 to index
        %swap3A_401 = arith.constant 64 : index
        %swap3A_402 = tpu.vector_load %arg6[%swap3A_400, %swap3A_401] {strides = array<i32>} : memref<320x128xf32, #tpu.memory_space<vmem>>, vector<1x16xf32>,
        %swap3A_403 = vector.shape_cast %swap3A_402 : vector<1x16xf32> to vector<16xf32>
        %swap3A_404 = vector.shape_cast %add3A_399 : vector<16xf32> to vector<1x16xf32>
        tpu.vector_store %arg6[%swap3A_400, %swap3A_401], %swap3A_404 {strides = array<i32>} : memref<320x128xf32, #tpu.memory_space<vmem>>, vector<1x16xf32>,
        %get3A_405 = arith.index_cast %scan3A_336 : i32 to index
        %get3A_406 = arith.constant 80 : index
        %get3A_407 = tpu.vector_load %arg6[%get3A_405, %get3A_406] {strides = array<i32>} : memref<320x128xf32, #tpu.memory_space<vmem>>, vector<1x16xf32>,
        %get3A_408 = vector.shape_cast %get3A_407 : vector<1x16xf32> to vector<16xf32>
        %get3A_409 = arith.index_cast %scan3A_336 : i32 to index
        %get3A_410 = arith.constant 80 : index
        %get3A_411 = tpu.vector_load %arg8[%get3A_409, %get3A_410] {strides = array<i32>} : memref<320x128xf32, #tpu.memory_space<vmem>>, vector<1x16xf32>,
        %get3A_412 = vector.shape_cast %get3A_411 : vector<1x16xf32> to vector<16xf32>
        %add3A_413 = arith.addf %get3A_408, %get3A_412 : vector<16xf32>
        %swap3A_414 = arith.index_cast %scan3A_336 : i32 to index
        %swap3A_415 = arith.constant 80 : index
        %swap3A_416 = tpu.vector_load %arg6[%swap3A_414, %swap3A_415] {strides = array<i32>} : memref<320x128xf32, #tpu.memory_space<vmem>>, vector<1x16xf32>,
        %swap3A_417 = vector.shape_cast %swap3A_416 : vector<1x16xf32> to vector<16xf32>
        %swap3A_418 = vector.shape_cast %add3A_413 : vector<16xf32> to vector<1x16xf32>
        tpu.vector_store %arg6[%swap3A_414, %swap3A_415], %swap3A_418 {strides = array<i32>} : memref<320x128xf32, #tpu.memory_space<vmem>>, vector<1x16xf32>,
        %get3A_419 = arith.index_cast %scan3A_336 : i32 to index
        %get3A_420 = arith.constant 96 : index
        %get3A_421 = tpu.vector_load %arg6[%get3A_419, %get3A_420] {strides = array<i32>} : memref<320x128xf32, #tpu.memory_space<vmem>>, vector<1x16xf32>,
        %get3A_422 = vector.shape_cast %get3A_421 : vector<1x16xf32> to vector<16xf32>
        %get3A_423 = arith.index_cast %scan3A_336 : i32 to index
        %get3A_424 = arith.constant 96 : index
        %get3A_425 = tpu.vector_load %arg8[%get3A_423, %get3A_424] {strides = array<i32>} : memref<320x128xf32, #tpu.memory_space<vmem>>, vector<1x16xf32>,
        %get3A_426 = vector.shape_cast %get3A_425 : vector<1x16xf32> to vector<16xf32>
        %add3A_427 = arith.addf %get3A_422, %get3A_426 : vector<16xf32>
        %swap3A_428 = arith.index_cast %scan3A_336 : i32 to index
        %swap3A_429 = arith.constant 96 : index
        %swap3A_430 = tpu.vector_load %arg6[%swap3A_428, %swap3A_429] {strides = array<i32>} : memref<320x128xf32, #tpu.memory_space<vmem>>, vector<1x16xf32>,
        %swap3A_431 = vector.shape_cast %swap3A_430 : vector<1x16xf32> to vector<16xf32>
        %swap3A_432 = vector.shape_cast %add3A_427 : vector<16xf32> to vector<1x16xf32>
        tpu.vector_store %arg6[%swap3A_428, %swap3A_429], %swap3A_432 {strides = array<i32>} : memref<320x128xf32, #tpu.memory_space<vmem>>, vector<1x16xf32>,
        %get3A_433 = arith.index_cast %scan3A_336 : i32 to index
        %get3A_434 = arith.constant 112 : index
        %get3A_435 = tpu.vector_load %arg6[%get3A_433, %get3A_434] {strides = array<i32>} : memref<320x128xf32, #tpu.memory_space<vmem>>, vector<1x16xf32>,
        %get3A_436 = vector.shape_cast %get3A_435 : vector<1x16xf32> to vector<16xf32>
        %get3A_437 = arith.index_cast %scan3A_336 : i32 to index
        %get3A_438 = arith.constant 112 : index
        %get3A_439 = tpu.vector_load %arg8[%get3A_437, %get3A_438] {strides = array<i32>} : memref<320x128xf32, #tpu.memory_space<vmem>>, vector<1x16xf32>,
        %get3A_440 = vector.shape_cast %get3A_439 : vector<1x16xf32> to vector<16xf32>
        %add3A_441 = arith.addf %get3A_436, %get3A_440 : vector<16xf32>
        %swap3A_442 = arith.index_cast %scan3A_336 : i32 to index
        %swap3A_443 = arith.constant 112 : index
        %swap3A_444 = tpu.vector_load %arg6[%swap3A_442, %swap3A_443] {strides = array<i32>} : memref<320x128xf32, #tpu.memory_space<vmem>>, vector<1x16xf32>,
        %swap3A_445 = vector.shape_cast %swap3A_444 : vector<1x16xf32> to vector<16xf32>
        %swap3A_446 = vector.shape_cast %add3A_441 : vector<16xf32> to vector<1x16xf32>
        tpu.vector_store %arg6[%swap3A_442, %swap3A_443], %swap3A_446 {strides = array<i32>} : memref<320x128xf32, #tpu.memory_space<vmem>>, vector<1x16xf32>,
      }
      %scan3A_335 = arith.constant 320 : i32
    }
    %scan3A_52 = arith.constant 4 : i32
    %dma_wait3A = arith.constant 32 : i32
    %dma_wait3A_53 = arith.constant 0 : i32
    %dma_wait3A_54 = arith.constant 0 : i32
    %dma_wait3A_55 = tpu.memref_slice %arg7[%dma_wait3A_53, %dma_wait3A_54] : memref<320x128xf32, #tpu.memory_space<vmem>> -> memref<80x128xf32, #tpu.memory_space<vmem>>
    %dma_wait3A_56 = arith.constant 0 : i32
    %dma_wait3A_57 = tpu.memref_slice %arg5[%dma_wait3A, %dma_wait3A_56] : memref<40x80xi32, #tpu.memory_space<vmem>> -> memref<1x80xi32, #tpu.memory_space<vmem>>
    %dma_wait3A_58 = tpu.memref_squeeze %dma_wait3A_57 : memref<1x80xi32, #tpu.memory_space<vmem>> -> memref<80xi32, #tpu.memory_space<vmem>>
    %dma_wait3A_59 = arith.constant 0 : i32
    %dma_wait3A_60 = arith.constant 0 : i32
    %dma_wait3A_61 = tpu.memref_slice %arg3[%dma_wait3A_59, %dma_wait3A_60] : memref<1071x128xf32, #tpu.memory_space<hbm>> -> memref<1071x128xf32, #tpu.memory_space<hbm>>
    tpu.wait_indirect_dma semaphore(%arg9 : memref<!tpu.dma_semaphore, #tpu.memory_space<semaphore_mem>>) src(%dma_wait3A_61 : memref<1071x128xf32, #tpu.memory_space<hbm>>) dst(%dma_wait3A_55 : memref<80x128xf32, #tpu.memory_space<vmem>>)
    %dma_wait3A_62 = arith.constant 33 : i32
    %dma_wait3A_63 = arith.constant 80 : i32
    %dma_wait3A_64 = arith.constant 0 : i32
    %dma_wait3A_65 = tpu.memref_slice %arg7[%dma_wait3A_63, %dma_wait3A_64] : memref<320x128xf32, #tpu.memory_space<vmem>> -> memref<80x128xf32, #tpu.memory_space<vmem>>
    %dma_wait3A_66 = arith.constant 0 : i32
    %dma_wait3A_67 = tpu.memref_slice %arg5[%dma_wait3A_62, %dma_wait3A_66] : memref<40x80xi32, #tpu.memory_space<vmem>> -> memref<1x80xi32, #tpu.memory_space<vmem>>
    %dma_wait3A_68 = tpu.memref_squeeze %dma_wait3A_67 : memref<1x80xi32, #tpu.memory_space<vmem>> -> memref<80xi32, #tpu.memory_space<vmem>>
    %dma_wait3A_69 = arith.constant 0 : i32
    %dma_wait3A_70 = arith.constant 0 : i32
    %dma_wait3A_71 = tpu.memref_slice %arg3[%dma_wait3A_69, %dma_wait3A_70] : memref<1071x128xf32, #tpu.memory_space<hbm>> -> memref<1071x128xf32, #tpu.memory_space<hbm>>
    tpu.wait_indirect_dma semaphore(%arg9 : memref<!tpu.dma_semaphore, #tpu.memory_space<semaphore_mem>>) src(%dma_wait3A_71 : memref<1071x128xf32, #tpu.memory_space<hbm>>) dst(%dma_wait3A_65 : memref<80x128xf32, #tpu.memory_space<vmem>>)
    %dma_wait3A_72 = arith.constant 34 : i32
    %dma_wait3A_73 = arith.constant 160 : i32
    %dma_wait3A_74 = arith.constant 0 : i32
    %dma_wait3A_75 = tpu.memref_slice %arg7[%dma_wait3A_73, %dma_wait3A_74] : memref<320x128xf32, #tpu.memory_space<vmem>> -> memref<80x128xf32, #tpu.memory_space<vmem>>
    %dma_wait3A_76 = arith.constant 0 : i32
    %dma_wait3A_77 = tpu.memref_slice %arg5[%dma_wait3A_72, %dma_wait3A_76] : memref<40x80xi32, #tpu.memory_space<vmem>> -> memref<1x80xi32, #tpu.memory_space<vmem>>
    %dma_wait3A_78 = tpu.memref_squeeze %dma_wait3A_77 : memref<1x80xi32, #tpu.memory_space<vmem>> -> memref<80xi32, #tpu.memory_space<vmem>>
    %dma_wait3A_79 = arith.constant 0 : i32
    %dma_wait3A_80 = arith.constant 0 : i32
    %dma_wait3A_81 = tpu.memref_slice %arg3[%dma_wait3A_79, %dma_wait3A_80] : memref<1071x128xf32, #tpu.memory_space<hbm>> -> memref<1071x128xf32, #tpu.memory_space<hbm>>
    tpu.wait_indirect_dma semaphore(%arg9 : memref<!tpu.dma_semaphore, #tpu.memory_space<semaphore_mem>>) src(%dma_wait3A_81 : memref<1071x128xf32, #tpu.memory_space<hbm>>) dst(%dma_wait3A_75 : memref<80x128xf32, #tpu.memory_space<vmem>>)
    %dma_wait3A_82 = arith.constant 35 : i32
    %dma_wait3A_83 = arith.constant 240 : i32
    %dma_wait3A_84 = arith.constant 0 : i32
    %dma_wait3A_85 = tpu.memref_slice %arg7[%dma_wait3A_83, %dma_wait3A_84] : memref<320x128xf32, #tpu.memory_space<vmem>> -> memref<80x128xf32, #tpu.memory_space<vmem>>
    %dma_wait3A_86 = arith.constant 0 : i32
    %dma_wait3A_87 = tpu.memref_slice %arg5[%dma_wait3A_82, %dma_wait3A_86] : memref<40x80xi32, #tpu.memory_space<vmem>> -> memref<1x80xi32, #tpu.memory_space<vmem>>
    %dma_wait3A_88 = tpu.memref_squeeze %dma_wait3A_87 : memref<1x80xi32, #tpu.memory_space<vmem>> -> memref<80xi32, #tpu.memory_space<vmem>>
    %dma_wait3A_89 = arith.constant 0 : i32
    %dma_wait3A_90 = arith.constant 0 : i32
    %dma_wait3A_91 = tpu.memref_slice %arg3[%dma_wait3A_89, %dma_wait3A_90] : memref<1071x128xf32, #tpu.memory_space<hbm>> -> memref<1071x128xf32, #tpu.memory_space<hbm>>
    tpu.wait_indirect_dma semaphore(%arg9 : memref<!tpu.dma_semaphore, #tpu.memory_space<semaphore_mem>>) src(%dma_wait3A_91 : memref<1071x128xf32, #tpu.memory_space<hbm>>) dst(%dma_wait3A_85 : memref<80x128xf32, #tpu.memory_space<vmem>>)
    %scan3A_92 = arith.constant 0 : i32
    %scan3A_93 = arith.constant 0 : i32
    %scan3A_94 = arith.constant 320 : i32
    %scan3A_95 = arith.addi %scan3A_93, %scan3A_94 : i32
    %scan3A_96 = arith.constant 1 : i32
    scf.for %scan3A_106 = %scan3A_93 to %scan3A_95 step %scan3A_96  : i32 {
      %get3A = arith.index_cast %scan3A_106 : i32 to index
      %get3A_107 = arith.constant 0 : index
      %get3A_108 = tpu.vector_load %arg6[%get3A, %get3A_107] {strides = array<i32>} : memref<320x128xf32, #tpu.memory_space<vmem>>, vector<1x16xf32>,
      %get3A_109 = vector.shape_cast %get3A_108 : vector<1x16xf32> to vector<16xf32>
      %get3A_110 = arith.index_cast %scan3A_106 : i32 to index
      %get3A_111 = arith.constant 0 : index
      %get3A_112 = tpu.vector_load %arg7[%get3A_110, %get3A_111] {strides = array<i32>} : memref<320x128xf32, #tpu.memory_space<vmem>>, vector<1x16xf32>,
      %get3A_113 = vector.shape_cast %get3A_112 : vector<1x16xf32> to vector<16xf32>
      %add3A_114 = arith.addf %get3A_109, %get3A_113 : vector<16xf32>
      %swap3A = arith.index_cast %scan3A_106 : i32 to index
      %swap3A_115 = arith.constant 0 : index
      %swap3A_116 = tpu.vector_load %arg6[%swap3A, %swap3A_115] {strides = array<i32>} : memref<320x128xf32, #tpu.memory_space<vmem>>, vector<1x16xf32>,
      %swap3A_117 = vector.shape_cast %swap3A_116 : vector<1x16xf32> to vector<16xf32>
      %swap3A_118 = vector.shape_cast %add3A_114 : vector<16xf32> to vector<1x16xf32>
      tpu.vector_store %arg6[%swap3A, %swap3A_115], %swap3A_118 {strides = array<i32>} : memref<320x128xf32, #tpu.memory_space<vmem>>, vector<1x16xf32>,
      %get3A_119 = arith.index_cast %scan3A_106 : i32 to index
      %get3A_120 = arith.constant 16 : index
      %get3A_121 = tpu.vector_load %arg6[%get3A_119, %get3A_120] {strides = array<i32>} : memref<320x128xf32, #tpu.memory_space<vmem>>, vector<1x16xf32>,
      %get3A_122 = vector.shape_cast %get3A_121 : vector<1x16xf32> to vector<16xf32>
      %get3A_123 = arith.index_cast %scan3A_106 : i32 to index
      %get3A_124 = arith.constant 16 : index
      %get3A_125 = tpu.vector_load %arg7[%get3A_123, %get3A_124] {strides = array<i32>} : memref<320x128xf32, #tpu.memory_space<vmem>>, vector<1x16xf32>,
      %get3A_126 = vector.shape_cast %get3A_125 : vector<1x16xf32> to vector<16xf32>
      %add3A_127 = arith.addf %get3A_122, %get3A_126 : vector<16xf32>
      %swap3A_128 = arith.index_cast %scan3A_106 : i32 to index
      %swap3A_129 = arith.constant 16 : index
      %swap3A_130 = tpu.vector_load %arg6[%swap3A_128, %swap3A_129] {strides = array<i32>} : memref<320x128xf32, #tpu.memory_space<vmem>>, vector<1x16xf32>,
      %swap3A_131 = vector.shape_cast %swap3A_130 : vector<1x16xf32> to vector<16xf32>
      %swap3A_132 = vector.shape_cast %add3A_127 : vector<16xf32> to vector<1x16xf32>
      tpu.vector_store %arg6[%swap3A_128, %swap3A_129], %swap3A_132 {strides = array<i32>} : memref<320x128xf32, #tpu.memory_space<vmem>>, vector<1x16xf32>,
      %get3A_133 = arith.index_cast %scan3A_106 : i32 to index
      %get3A_134 = arith.constant 32 : index
      %get3A_135 = tpu.vector_load %arg6[%get3A_133, %get3A_134] {strides = array<i32>} : memref<320x128xf32, #tpu.memory_space<vmem>>, vector<1x16xf32>,
      %get3A_136 = vector.shape_cast %get3A_135 : vector<1x16xf32> to vector<16xf32>
      %get3A_137 = arith.index_cast %scan3A_106 : i32 to index
      %get3A_138 = arith.constant 32 : index
      %get3A_139 = tpu.vector_load %arg7[%get3A_137, %get3A_138] {strides = array<i32>} : memref<320x128xf32, #tpu.memory_space<vmem>>, vector<1x16xf32>,
      %get3A_140 = vector.shape_cast %get3A_139 : vector<1x16xf32> to vector<16xf32>
      %add3A_141 = arith.addf %get3A_136, %get3A_140 : vector<16xf32>
      %swap3A_142 = arith.index_cast %scan3A_106 : i32 to index
      %swap3A_143 = arith.constant 32 : index
      %swap3A_144 = tpu.vector_load %arg6[%swap3A_142, %swap3A_143] {strides = array<i32>} : memref<320x128xf32, #tpu.memory_space<vmem>>, vector<1x16xf32>,
      %swap3A_145 = vector.shape_cast %swap3A_144 : vector<1x16xf32> to vector<16xf32>
      %swap3A_146 = vector.shape_cast %add3A_141 : vector<16xf32> to vector<1x16xf32>
      tpu.vector_store %arg6[%swap3A_142, %swap3A_143], %swap3A_146 {strides = array<i32>} : memref<320x128xf32, #tpu.memory_space<vmem>>, vector<1x16xf32>,
      %get3A_147 = arith.index_cast %scan3A_106 : i32 to index
      %get3A_148 = arith.constant 48 : index
      %get3A_149 = tpu.vector_load %arg6[%get3A_147, %get3A_148] {strides = array<i32>} : memref<320x128xf32, #tpu.memory_space<vmem>>, vector<1x16xf32>,
      %get3A_150 = vector.shape_cast %get3A_149 : vector<1x16xf32> to vector<16xf32>
      %get3A_151 = arith.index_cast %scan3A_106 : i32 to index
      %get3A_152 = arith.constant 48 : index
      %get3A_153 = tpu.vector_load %arg7[%get3A_151, %get3A_152] {strides = array<i32>} : memref<320x128xf32, #tpu.memory_space<vmem>>, vector<1x16xf32>,
      %get3A_154 = vector.shape_cast %get3A_153 : vector<1x16xf32> to vector<16xf32>
      %add3A_155 = arith.addf %get3A_150, %get3A_154 : vector<16xf32>
      %swap3A_156 = arith.index_cast %scan3A_106 : i32 to index
      %swap3A_157 = arith.constant 48 : index
      %swap3A_158 = tpu.vector_load %arg6[%swap3A_156, %swap3A_157] {strides = array<i32>} : memref<320x128xf32, #tpu.memory_space<vmem>>, vector<1x16xf32>,
      %swap3A_159 = vector.shape_cast %swap3A_158 : vector<1x16xf32> to vector<16xf32>
      %swap3A_160 = vector.shape_cast %add3A_155 : vector<16xf32> to vector<1x16xf32>
      tpu.vector_store %arg6[%swap3A_156, %swap3A_157], %swap3A_160 {strides = array<i32>} : memref<320x128xf32, #tpu.memory_space<vmem>>, vector<1x16xf32>,
      %get3A_161 = arith.index_cast %scan3A_106 : i32 to index
      %get3A_162 = arith.constant 64 : index
      %get3A_163 = tpu.vector_load %arg6[%get3A_161, %get3A_162] {strides = array<i32>} : memref<320x128xf32, #tpu.memory_space<vmem>>, vector<1x16xf32>,
      %get3A_164 = vector.shape_cast %get3A_163 : vector<1x16xf32> to vector<16xf32>
      %get3A_165 = arith.index_cast %scan3A_106 : i32 to index
      %get3A_166 = arith.constant 64 : index
      %get3A_167 = tpu.vector_load %arg7[%get3A_165, %get3A_166] {strides = array<i32>} : memref<320x128xf32, #tpu.memory_space<vmem>>, vector<1x16xf32>,
      %get3A_168 = vector.shape_cast %get3A_167 : vector<1x16xf32> to vector<16xf32>
      %add3A_169 = arith.addf %get3A_164, %get3A_168 : vector<16xf32>
      %swap3A_170 = arith.index_cast %scan3A_106 : i32 to index
      %swap3A_171 = arith.constant 64 : index
      %swap3A_172 = tpu.vector_load %arg6[%swap3A_170, %swap3A_171] {strides = array<i32>} : memref<320x128xf32, #tpu.memory_space<vmem>>, vector<1x16xf32>,
      %swap3A_173 = vector.shape_cast %swap3A_172 : vector<1x16xf32> to vector<16xf32>
      %swap3A_174 = vector.shape_cast %add3A_169 : vector<16xf32> to vector<1x16xf32>
      tpu.vector_store %arg6[%swap3A_170, %swap3A_171], %swap3A_174 {strides = array<i32>} : memref<320x128xf32, #tpu.memory_space<vmem>>, vector<1x16xf32>,
      %get3A_175 = arith.index_cast %scan3A_106 : i32 to index
      %get3A_176 = arith.constant 80 : index
      %get3A_177 = tpu.vector_load %arg6[%get3A_175, %get3A_176] {strides = array<i32>} : memref<320x128xf32, #tpu.memory_space<vmem>>, vector<1x16xf32>,
      %get3A_178 = vector.shape_cast %get3A_177 : vector<1x16xf32> to vector<16xf32>
      %get3A_179 = arith.index_cast %scan3A_106 : i32 to index
      %get3A_180 = arith.constant 80 : index
      %get3A_181 = tpu.vector_load %arg7[%get3A_179, %get3A_180] {strides = array<i32>} : memref<320x128xf32, #tpu.memory_space<vmem>>, vector<1x16xf32>,
      %get3A_182 = vector.shape_cast %get3A_181 : vector<1x16xf32> to vector<16xf32>
      %add3A_183 = arith.addf %get3A_178, %get3A_182 : vector<16xf32>
      %swap3A_184 = arith.index_cast %scan3A_106 : i32 to index
      %swap3A_185 = arith.constant 80 : index
      %swap3A_186 = tpu.vector_load %arg6[%swap3A_184, %swap3A_185] {strides = array<i32>} : memref<320x128xf32, #tpu.memory_space<vmem>>, vector<1x16xf32>,
      %swap3A_187 = vector.shape_cast %swap3A_186 : vector<1x16xf32> to vector<16xf32>
      %swap3A_188 = vector.shape_cast %add3A_183 : vector<16xf32> to vector<1x16xf32>
      tpu.vector_store %arg6[%swap3A_184, %swap3A_185], %swap3A_188 {strides = array<i32>} : memref<320x128xf32, #tpu.memory_space<vmem>>, vector<1x16xf32>,
      %get3A_189 = arith.index_cast %scan3A_106 : i32 to index
      %get3A_190 = arith.constant 96 : index
      %get3A_191 = tpu.vector_load %arg6[%get3A_189, %get3A_190] {strides = array<i32>} : memref<320x128xf32, #tpu.memory_space<vmem>>, vector<1x16xf32>,
      %get3A_192 = vector.shape_cast %get3A_191 : vector<1x16xf32> to vector<16xf32>
      %get3A_193 = arith.index_cast %scan3A_106 : i32 to index
      %get3A_194 = arith.constant 96 : index
      %get3A_195 = tpu.vector_load %arg7[%get3A_193, %get3A_194] {strides = array<i32>} : memref<320x128xf32, #tpu.memory_space<vmem>>, vector<1x16xf32>,
      %get3A_196 = vector.shape_cast %get3A_195 : vector<1x16xf32> to vector<16xf32>
      %add3A_197 = arith.addf %get3A_192, %get3A_196 : vector<16xf32>
      %swap3A_198 = arith.index_cast %scan3A_106 : i32 to index
      %swap3A_199 = arith.constant 96 : index
      %swap3A_200 = tpu.vector_load %arg6[%swap3A_198, %swap3A_199] {strides = array<i32>} : memref<320x128xf32, #tpu.memory_space<vmem>>, vector<1x16xf32>,
      %swap3A_201 = vector.shape_cast %swap3A_200 : vector<1x16xf32> to vector<16xf32>
      %swap3A_202 = vector.shape_cast %add3A_197 : vector<16xf32> to vector<1x16xf32>
      tpu.vector_store %arg6[%swap3A_198, %swap3A_199], %swap3A_202 {strides = array<i32>} : memref<320x128xf32, #tpu.memory_space<vmem>>, vector<1x16xf32>,
      %get3A_203 = arith.index_cast %scan3A_106 : i32 to index
      %get3A_204 = arith.constant 112 : index
      %get3A_205 = tpu.vector_load %arg6[%get3A_203, %get3A_204] {strides = array<i32>} : memref<320x128xf32, #tpu.memory_space<vmem>>, vector<1x16xf32>,
      %get3A_206 = vector.shape_cast %get3A_205 : vector<1x16xf32> to vector<16xf32>
      %get3A_207 = arith.index_cast %scan3A_106 : i32 to index
      %get3A_208 = arith.constant 112 : index
      %get3A_209 = tpu.vector_load %arg7[%get3A_207, %get3A_208] {strides = array<i32>} : memref<320x128xf32, #tpu.memory_space<vmem>>, vector<1x16xf32>,
      %get3A_210 = vector.shape_cast %get3A_209 : vector<1x16xf32> to vector<16xf32>
      %add3A_211 = arith.addf %get3A_206, %get3A_210 : vector<16xf32>
      %swap3A_212 = arith.index_cast %scan3A_106 : i32 to index
      %swap3A_213 = arith.constant 112 : index
      %swap3A_214 = tpu.vector_load %arg6[%swap3A_212, %swap3A_213] {strides = array<i32>} : memref<320x128xf32, #tpu.memory_space<vmem>>, vector<1x16xf32>,
      %swap3A_215 = vector.shape_cast %swap3A_214 : vector<1x16xf32> to vector<16xf32>
      %swap3A_216 = vector.shape_cast %add3A_211 : vector<16xf32> to vector<1x16xf32>
      tpu.vector_store %arg6[%swap3A_212, %swap3A_213], %swap3A_216 {strides = array<i32>} : memref<320x128xf32, #tpu.memory_space<vmem>>, vector<1x16xf32>,
    }
    %scan3A_97 = arith.constant 320 : i32
    %scan3A_98 = arith.constant 0 : i32
    %scan3A_99 = arith.constant 0 : i32
    %scan3A_100 = arith.constant 320 : i32
    %scan3A_101 = arith.addi %scan3A_99, %scan3A_100 : i32
    %scan3A_102 = arith.constant 1 : i32
    scf.for %scan3A_106 = %scan3A_99 to %scan3A_101 step %scan3A_102  : i32 {
      %mul3A_107 = arith.constant 320 : i32
      %mul3A_108 = arith.muli %add3A, %mul3A_107 : i32
      %add3A_109 = arith.addi %mul3A_108, %scan3A_106 : i32
      %lt3A = arith.constant 10000 : i32
      %lt3A_110 = arith.cmpi slt, %add3A_109, %lt3A : i32
      %jit3A = arith.constant 1.000000e+00 : f32
      %jit3A_111 = arith.constant 0.000000e+00 : f32
      %select_n3A = arith.select %lt3A_110, %jit3A, %jit3A_111 : f32
      %get3A = arith.index_cast %scan3A_106 : i32 to index
      %get3A_112 = arith.constant 0 : index
      %get3A_113 = tpu.vector_load %arg6[%get3A, %get3A_112] {strides = array<i32>} : memref<320x128xf32, #tpu.memory_space<vmem>>, vector<1x16xf32>,
      %get3A_114 = vector.shape_cast %get3A_113 : vector<1x16xf32> to vector<16xf32>
      %mul3A_115 = vector.broadcast %select_n3A : f32 to vector<16xf32>
      %mul3A_116 = arith.mulf %get3A_114, %mul3A_115 : vector<16xf32>
      %swap3A = arith.index_cast %scan3A_106 : i32 to index
      %swap3A_117 = arith.constant 0 : index
      %swap3A_118 = tpu.vector_load %arg6[%swap3A, %swap3A_117] {strides = array<i32>} : memref<320x128xf32, #tpu.memory_space<vmem>>, vector<1x16xf32>,
      %swap3A_119 = vector.shape_cast %swap3A_118 : vector<1x16xf32> to vector<16xf32>
      %swap3A_120 = vector.shape_cast %mul3A_116 : vector<16xf32> to vector<1x16xf32>
      tpu.vector_store %arg6[%swap3A, %swap3A_117], %swap3A_120 {strides = array<i32>} : memref<320x128xf32, #tpu.memory_space<vmem>>, vector<1x16xf32>,
      %get3A_121 = arith.index_cast %scan3A_106 : i32 to index
      %get3A_122 = arith.constant 16 : index
      %get3A_123 = tpu.vector_load %arg6[%get3A_121, %get3A_122] {strides = array<i32>} : memref<320x128xf32, #tpu.memory_space<vmem>>, vector<1x16xf32>,
      %get3A_124 = vector.shape_cast %get3A_123 : vector<1x16xf32> to vector<16xf32>
      %mul3A_125 = vector.broadcast %select_n3A : f32 to vector<16xf32>
      %mul3A_126 = arith.mulf %get3A_124, %mul3A_125 : vector<16xf32>
      %swap3A_127 = arith.index_cast %scan3A_106 : i32 to index
      %swap3A_128 = arith.constant 16 : index
      %swap3A_129 = tpu.vector_load %arg6[%swap3A_127, %swap3A_128] {strides = array<i32>} : memref<320x128xf32, #tpu.memory_space<vmem>>, vector<1x16xf32>,
      %swap3A_130 = vector.shape_cast %swap3A_129 : vector<1x16xf32> to vector<16xf32>
      %swap3A_131 = vector.shape_cast %mul3A_126 : vector<16xf32> to vector<1x16xf32>
      tpu.vector_store %arg6[%swap3A_127, %swap3A_128], %swap3A_131 {strides = array<i32>} : memref<320x128xf32, #tpu.memory_space<vmem>>, vector<1x16xf32>,
      %get3A_132 = arith.index_cast %scan3A_106 : i32 to index
      %get3A_133 = arith.constant 32 : index
      %get3A_134 = tpu.vector_load %arg6[%get3A_132, %get3A_133] {strides = array<i32>} : memref<320x128xf32, #tpu.memory_space<vmem>>, vector<1x16xf32>,
      %get3A_135 = vector.shape_cast %get3A_134 : vector<1x16xf32> to vector<16xf32>
      %mul3A_136 = vector.broadcast %select_n3A : f32 to vector<16xf32>
      %mul3A_137 = arith.mulf %get3A_135, %mul3A_136 : vector<16xf32>
      %swap3A_138 = arith.index_cast %scan3A_106 : i32 to index
      %swap3A_139 = arith.constant 32 : index
      %swap3A_140 = tpu.vector_load %arg6[%swap3A_138, %swap3A_139] {strides = array<i32>} : memref<320x128xf32, #tpu.memory_space<vmem>>, vector<1x16xf32>,
      %swap3A_141 = vector.shape_cast %swap3A_140 : vector<1x16xf32> to vector<16xf32>
      %swap3A_142 = vector.shape_cast %mul3A_137 : vector<16xf32> to vector<1x16xf32>
      tpu.vector_store %arg6[%swap3A_138, %swap3A_139], %swap3A_142 {strides = array<i32>} : memref<320x128xf32, #tpu.memory_space<vmem>>, vector<1x16xf32>,
      %get3A_143 = arith.index_cast %scan3A_106 : i32 to index
      %get3A_144 = arith.constant 48 : index
      %get3A_145 = tpu.vector_load %arg6[%get3A_143, %get3A_144] {strides = array<i32>} : memref<320x128xf32, #tpu.memory_space<vmem>>, vector<1x16xf32>,
      %get3A_146 = vector.shape_cast %get3A_145 : vector<1x16xf32> to vector<16xf32>
      %mul3A_147 = vector.broadcast %select_n3A : f32 to vector<16xf32>
      %mul3A_148 = arith.mulf %get3A_146, %mul3A_147 : vector<16xf32>
      %swap3A_149 = arith.index_cast %scan3A_106 : i32 to index
      %swap3A_150 = arith.constant 48 : index
      %swap3A_151 = tpu.vector_load %arg6[%swap3A_149, %swap3A_150] {strides = array<i32>} : memref<320x128xf32, #tpu.memory_space<vmem>>, vector<1x16xf32>,
      %swap3A_152 = vector.shape_cast %swap3A_151 : vector<1x16xf32> to vector<16xf32>
      %swap3A_153 = vector.shape_cast %mul3A_148 : vector<16xf32> to vector<1x16xf32>
      tpu.vector_store %arg6[%swap3A_149, %swap3A_150], %swap3A_153 {strides = array<i32>} : memref<320x128xf32, #tpu.memory_space<vmem>>, vector<1x16xf32>,
      %get3A_154 = arith.index_cast %scan3A_106 : i32 to index
      %get3A_155 = arith.constant 64 : index
      %get3A_156 = tpu.vector_load %arg6[%get3A_154, %get3A_155] {strides = array<i32>} : memref<320x128xf32, #tpu.memory_space<vmem>>, vector<1x16xf32>,
      %get3A_157 = vector.shape_cast %get3A_156 : vector<1x16xf32> to vector<16xf32>
      %mul3A_158 = vector.broadcast %select_n3A : f32 to vector<16xf32>
      %mul3A_159 = arith.mulf %get3A_157, %mul3A_158 : vector<16xf32>
      %swap3A_160 = arith.index_cast %scan3A_106 : i32 to index
      %swap3A_161 = arith.constant 64 : index
      %swap3A_162 = tpu.vector_load %arg6[%swap3A_160, %swap3A_161] {strides = array<i32>} : memref<320x128xf32, #tpu.memory_space<vmem>>, vector<1x16xf32>,
      %swap3A_163 = vector.shape_cast %swap3A_162 : vector<1x16xf32> to vector<16xf32>
      %swap3A_164 = vector.shape_cast %mul3A_159 : vector<16xf32> to vector<1x16xf32>
      tpu.vector_store %arg6[%swap3A_160, %swap3A_161], %swap3A_164 {strides = array<i32>} : memref<320x128xf32, #tpu.memory_space<vmem>>, vector<1x16xf32>,
      %get3A_165 = arith.index_cast %scan3A_106 : i32 to index
      %get3A_166 = arith.constant 80 : index
      %get3A_167 = tpu.vector_load %arg6[%get3A_165, %get3A_166] {strides = array<i32>} : memref<320x128xf32, #tpu.memory_space<vmem>>, vector<1x16xf32>,
      %get3A_168 = vector.shape_cast %get3A_167 : vector<1x16xf32> to vector<16xf32>
      %mul3A_169 = vector.broadcast %select_n3A : f32 to vector<16xf32>
      %mul3A_170 = arith.mulf %get3A_168, %mul3A_169 : vector<16xf32>
      %swap3A_171 = arith.index_cast %scan3A_106 : i32 to index
      %swap3A_172 = arith.constant 80 : index
      %swap3A_173 = tpu.vector_load %arg6[%swap3A_171, %swap3A_172] {strides = array<i32>} : memref<320x128xf32, #tpu.memory_space<vmem>>, vector<1x16xf32>,
      %swap3A_174 = vector.shape_cast %swap3A_173 : vector<1x16xf32> to vector<16xf32>
      %swap3A_175 = vector.shape_cast %mul3A_170 : vector<16xf32> to vector<1x16xf32>
      tpu.vector_store %arg6[%swap3A_171, %swap3A_172], %swap3A_175 {strides = array<i32>} : memref<320x128xf32, #tpu.memory_space<vmem>>, vector<1x16xf32>,
      %get3A_176 = arith.index_cast %scan3A_106 : i32 to index
      %get3A_177 = arith.constant 96 : index
      %get3A_178 = tpu.vector_load %arg6[%get3A_176, %get3A_177] {strides = array<i32>} : memref<320x128xf32, #tpu.memory_space<vmem>>, vector<1x16xf32>,
      %get3A_179 = vector.shape_cast %get3A_178 : vector<1x16xf32> to vector<16xf32>
      %mul3A_180 = vector.broadcast %select_n3A : f32 to vector<16xf32>
      %mul3A_181 = arith.mulf %get3A_179, %mul3A_180 : vector<16xf32>
      %swap3A_182 = arith.index_cast %scan3A_106 : i32 to index
      %swap3A_183 = arith.constant 96 : index
      %swap3A_184 = tpu.vector_load %arg6[%swap3A_182, %swap3A_183] {strides = array<i32>} : memref<320x128xf32, #tpu.memory_space<vmem>>, vector<1x16xf32>,
      %swap3A_185 = vector.shape_cast %swap3A_184 : vector<1x16xf32> to vector<16xf32>
      %swap3A_186 = vector.shape_cast %mul3A_181 : vector<16xf32> to vector<1x16xf32>
      tpu.vector_store %arg6[%swap3A_182, %swap3A_183], %swap3A_186 {strides = array<i32>} : memref<320x128xf32, #tpu.memory_space<vmem>>, vector<1x16xf32>,
      %get3A_187 = arith.index_cast %scan3A_106 : i32 to index
      %get3A_188 = arith.constant 112 : index
      %get3A_189 = tpu.vector_load %arg6[%get3A_187, %get3A_188] {strides = array<i32>} : memref<320x128xf32, #tpu.memory_space<vmem>>, vector<1x16xf32>,
      %get3A_190 = vector.shape_cast %get3A_189 : vector<1x16xf32> to vector<16xf32>
      %mul3A_191 = vector.broadcast %select_n3A : f32 to vector<16xf32>
      %mul3A_192 = arith.mulf %get3A_190, %mul3A_191 : vector<16xf32>
      %swap3A_193 = arith.index_cast %scan3A_106 : i32 to index
      %swap3A_194 = arith.constant 112 : index
      %swap3A_195 = tpu.vector_load %arg6[%swap3A_193, %swap3A_194] {strides = array<i32>} : memref<320x128xf32, #tpu.memory_space<vmem>>, vector<1x16xf32>,
      %swap3A_196 = vector.shape_cast %swap3A_195 : vector<1x16xf32> to vector<16xf32>
      %swap3A_197 = vector.shape_cast %mul3A_192 : vector<16xf32> to vector<1x16xf32>
      tpu.vector_store %arg6[%swap3A_193, %swap3A_194], %swap3A_197 {strides = array<i32>} : memref<320x128xf32, #tpu.memory_space<vmem>>, vector<1x16xf32>,
    }
    %scan3A_103 = arith.constant 320 : i32
    %mul3A_104 = arith.constant 320 : i32
    %mul3A_105 = arith.muli %add3A, %mul3A_104 : i32
    "tpu.region"() ({
      %run_scoped3A = tpu.sem_alloc : memref<!tpu.dma_semaphore, #tpu.memory_space<semaphore_mem>>
      %dma_start3A_106 = arith.constant 0 : i32
      %dma_start3A_107 = tpu.memref_slice %arg4[%mul3A_105, %dma_start3A_106] : memref<10240x128xf32, #tpu.memory_space<hbm>> -> memref<320x128xf32, #tpu.memory_space<hbm>>
      %dma_start3A_108 = arith.constant 0 : i32
      %dma_start3A_109 = tpu.memref_slice %arg4[%mul3A_105, %dma_start3A_108] : memref<10240x128xf32, #tpu.memory_space<hbm>> -> memref<320x128xf32, #tpu.memory_space<hbm>>
      tpu.enqueue_dma source(%arg6 : memref<320x128xf32, #tpu.memory_space<vmem>>) target(%dma_start3A_109 : memref<320x128xf32, #tpu.memory_space<hbm>>) target_semaphore(%run_scoped3A : memref<!tpu.dma_semaphore, #tpu.memory_space<semaphore_mem>>)
      %dma_wait3A_110 = arith.constant 0 : i32
      %dma_wait3A_111 = tpu.memref_slice %arg4[%mul3A_105, %dma_wait3A_110] : memref<10240x128xf32, #tpu.memory_space<hbm>> -> memref<320x128xf32, #tpu.memory_space<hbm>>
      %dma_wait3A_112 = arith.constant 0 : i32
      %dma_wait3A_113 = tpu.memref_slice %arg4[%mul3A_105, %dma_wait3A_112] : memref<10240x128xf32, #tpu.memory_space<hbm>> -> memref<320x128xf32, #tpu.memory_space<hbm>>
      tpu.wait_dma2 semaphore(%run_scoped3A : memref<!tpu.dma_semaphore, #tpu.memory_space<semaphore_mem>>) src(%arg6 : memref<320x128xf32, #tpu.memory_space<vmem>>) dst(%dma_wait3A_113 : memref<320x128xf32, #tpu.memory_space<hbm>>)
      tpu.yield
    }) : () -> ()
    return
  }
}

#map = affine_map<(d0, d1) -> (0, 0)>
module attributes {stable_mosaic.version = 14 : i64} {
  func.func @_edge_agg(%arg0: i32, %arg1: i32, %arg2: memref<10240x128xf32, #tpu.memory_space<hbm>>, %arg3: memref<2560x128xi32, #tpu.memory_space<hbm>>, %arg4: memref<2560x128xi32, #tpu.memory_space<hbm>>, %arg5: memref<10240x128xf32, #tpu.memory_space<hbm>>, %arg6: memref<160x128xi32, #tpu.memory_space<vmem>>, %arg7: memref<160x128xi32, #tpu.memory_space<vmem>>, %arg8: memref<128x128xf32, #tpu.memory_space<vmem>>, %arg9: memref<128x128xf32, #tpu.memory_space<vmem>>, %arg10: memref<128x128xf32, #tpu.memory_space<vmem>>, %arg11: memref<5120x128xf32, #tpu.memory_space<vmem_shared>>, %arg12: memref<!tpu.dma_semaphore, #tpu.memory_space<semaphore_mem>>, %arg13: memref<!tpu.dma_semaphore, #tpu.memory_space<semaphore_mem>>) attributes {dimension_semantics = [#tpu.dimension_semantics<core_parallel>, #tpu.dimension_semantics<subcore_parallel>], iteration_bounds = array<i64: 2, 16>, scalar_prefetch = 0 : i64, scratch_operands = 8 : i64, tpu.core_type = #tpu.core_type<sc_vector_subcore>, window_params = [{transform_indices = #map}, {transform_indices = #map}, {transform_indices = #map}, {transform_indices = #map}]} {
    %mul3A = arith.constant 160 : i32
    %mul3A_0 = arith.muli %arg1, %mul3A : i32
    "tpu.region"() ({
      %run_scoped3A_68 = tpu.sem_alloc : memref<!tpu.dma_semaphore, #tpu.memory_space<semaphore_mem>>
      %dma_start3A_69 = arith.constant 0 : i32
      %dma_start3A_70 = tpu.memref_slice %arg3[%mul3A_0, %dma_start3A_69] : memref<2560x128xi32, #tpu.memory_space<hbm>> -> memref<160x128xi32, #tpu.memory_space<hbm>>
      %dma_start3A_71 = arith.constant 0 : i32
      %dma_start3A_72 = tpu.memref_slice %arg3[%mul3A_0, %dma_start3A_71] : memref<2560x128xi32, #tpu.memory_space<hbm>> -> memref<160x128xi32, #tpu.memory_space<hbm>>
      tpu.enqueue_dma source(%dma_start3A_72 : memref<160x128xi32, #tpu.memory_space<hbm>>) target(%arg6 : memref<160x128xi32, #tpu.memory_space<vmem>>) target_semaphore(%run_scoped3A_68 : memref<!tpu.dma_semaphore, #tpu.memory_space<semaphore_mem>>)
      %dma_wait3A_73 = arith.constant 0 : i32
      %dma_wait3A_74 = tpu.memref_slice %arg3[%mul3A_0, %dma_wait3A_73] : memref<2560x128xi32, #tpu.memory_space<hbm>> -> memref<160x128xi32, #tpu.memory_space<hbm>>
      %dma_wait3A_75 = arith.constant 0 : i32
      %dma_wait3A_76 = tpu.memref_slice %arg3[%mul3A_0, %dma_wait3A_75] : memref<2560x128xi32, #tpu.memory_space<hbm>> -> memref<160x128xi32, #tpu.memory_space<hbm>>
      tpu.wait_dma2 semaphore(%run_scoped3A_68 : memref<!tpu.dma_semaphore, #tpu.memory_space<semaphore_mem>>) src(%dma_wait3A_76 : memref<160x128xi32, #tpu.memory_space<hbm>>) dst(%arg6 : memref<160x128xi32, #tpu.memory_space<vmem>>)
      tpu.yield
    }) : () -> ()
    %mul3A_1 = arith.constant 160 : i32
    %mul3A_2 = arith.muli %arg1, %mul3A_1 : i32
    "tpu.region"() ({
      %run_scoped3A_68 = tpu.sem_alloc : memref<!tpu.dma_semaphore, #tpu.memory_space<semaphore_mem>>
      %dma_start3A_69 = arith.constant 0 : i32
      %dma_start3A_70 = tpu.memref_slice %arg4[%mul3A_2, %dma_start3A_69] : memref<2560x128xi32, #tpu.memory_space<hbm>> -> memref<160x128xi32, #tpu.memory_space<hbm>>
      %dma_start3A_71 = arith.constant 0 : i32
      %dma_start3A_72 = tpu.memref_slice %arg4[%mul3A_2, %dma_start3A_71] : memref<2560x128xi32, #tpu.memory_space<hbm>> -> memref<160x128xi32, #tpu.memory_space<hbm>>
      tpu.enqueue_dma source(%dma_start3A_72 : memref<160x128xi32, #tpu.memory_space<hbm>>) target(%arg7 : memref<160x128xi32, #tpu.memory_space<vmem>>) target_semaphore(%run_scoped3A_68 : memref<!tpu.dma_semaphore, #tpu.memory_space<semaphore_mem>>)
      %dma_wait3A_73 = arith.constant 0 : i32
      %dma_wait3A_74 = tpu.memref_slice %arg4[%mul3A_2, %dma_wait3A_73] : memref<2560x128xi32, #tpu.memory_space<hbm>> -> memref<160x128xi32, #tpu.memory_space<hbm>>
      %dma_wait3A_75 = arith.constant 0 : i32
      %dma_wait3A_76 = tpu.memref_slice %arg4[%mul3A_2, %dma_wait3A_75] : memref<2560x128xi32, #tpu.memory_space<hbm>> -> memref<160x128xi32, #tpu.memory_space<hbm>>
      tpu.wait_dma2 semaphore(%run_scoped3A_68 : memref<!tpu.dma_semaphore, #tpu.memory_space<semaphore_mem>>) src(%dma_wait3A_76 : memref<160x128xi32, #tpu.memory_space<hbm>>) dst(%arg7 : memref<160x128xi32, #tpu.memory_space<vmem>>)
      tpu.yield
    }) : () -> ()
    %mul3A_3 = arith.constant 5120 : i32
    %mul3A_4 = arith.muli %arg0, %mul3A_3 : i32
    %iota3A = tpu.iota {dimensions = array<i32: 0>} : vector<16xi32>
    %scan3A = arith.constant 0 : i32
    %scan3A_5 = arith.constant 0 : i32
    %scan3A_6 = arith.constant 160 : i32
    %scan3A_7 = arith.addi %scan3A_5, %scan3A_6 : i32
    %scan3A_8 = arith.constant 1 : i32
    scf.for %scan3A_68 = %scan3A_5 to %scan3A_7 step %scan3A_8  : i32 {
      %get3A = arith.index_cast %scan3A_68 : i32 to index
      %get3A_69 = arith.constant 0 : index
      %get3A_70 = tpu.vector_load %arg7[%get3A, %get3A_69] {strides = array<i32>} : memref<160x128xi32, #tpu.memory_space<vmem>>, vector<1x16xi32>,
      %get3A_71 = vector.shape_cast %get3A_70 : vector<1x16xi32> to vector<16xi32>
      %sub3A = vector.broadcast %mul3A_4 : i32 to vector<16xi32>
      %sub3A_72 = arith.subi %get3A_71, %sub3A : vector<16xi32>
      %ge3A = arith.constant 0 : i32
      %ge3A_73 = vector.broadcast %ge3A : i32 to vector<16xi32>
      %ge3A_74 = arith.cmpi sge, %sub3A_72, %ge3A_73 : vector<16xi32>
      %lt3A = arith.constant 5120 : i32
      %lt3A_75 = vector.broadcast %lt3A : i32 to vector<16xi32>
      %lt3A_76 = arith.cmpi slt, %sub3A_72, %lt3A_75 : vector<16xi32>
      %and3A = arith.andi %ge3A_74, %lt3A_76 : vector<16xi1>
      %mul3A_77 = arith.constant 128 : i32
      %mul3A_78 = arith.muli %scan3A_68, %mul3A_77 : i32
      %add3A_79 = arith.constant 0 : i32
      %add3A_80 = arith.addi %mul3A_78, %add3A_79 : i32
      %jit3A = arith.constant 4096 : i32
      %eq3A = arith.constant 0 : i32
      %eq3A_81 = arith.cmpi eq, %jit3A, %eq3A : i32
      %jit3A_82 = arith.constant 1 : i32
      %select_n3A = arith.select %eq3A_81, %jit3A_82, %jit3A : i32
      %rem3A = arith.remsi %add3A_80, %select_n3A : i32
      %ne3A = arith.constant 0 : i32
      %ne3A_83 = arith.cmpi ne, %rem3A, %ne3A : i32
      %lt3A_84 = arith.constant 0 : i32
      %lt3A_85 = arith.cmpi slt, %rem3A, %lt3A_84 : i32
      %lt3A_86 = arith.constant 0 : i32
      %lt3A_87 = arith.cmpi slt, %select_n3A, %lt3A_86 : i32
      %ne3A_88 = arith.xori %lt3A_85, %lt3A_87 : i1
      %and3A_89 = arith.andi %ne3A_88, %ne3A_83 : i1
      %add3A_90 = arith.addi %rem3A, %select_n3A : i32
      %select_n3A_91 = arith.select %and3A_89, %add3A_90, %rem3A : i32
      %add3A_92 = vector.broadcast %select_n3A_91 : i32 to vector<16xi32>
      %add3A_93 = arith.addi %add3A_92, %iota3A : vector<16xi32>
      %select_n3A_94 = arith.select %and3A, %sub3A_72, %add3A_93 : vector<16xi1>, vector<16xi32>
      %swap3A = arith.index_cast %scan3A_68 : i32 to index
      %swap3A_95 = arith.constant 0 : index
      %swap3A_96 = tpu.vector_load %arg7[%swap3A, %swap3A_95] {strides = array<i32>} : memref<160x128xi32, #tpu.memory_space<vmem>>, vector<1x16xi32>,
      %swap3A_97 = vector.shape_cast %swap3A_96 : vector<1x16xi32> to vector<16xi32>
      %swap3A_98 = vector.shape_cast %select_n3A_94 : vector<16xi32> to vector<1x16xi32>
      tpu.vector_store %arg7[%swap3A, %swap3A_95], %swap3A_98 {strides = array<i32>} : memref<160x128xi32, #tpu.memory_space<vmem>>, vector<1x16xi32>,
      %get3A_99 = arith.index_cast %scan3A_68 : i32 to index
      %get3A_100 = arith.constant 0 : index
      %get3A_101 = tpu.vector_load %arg6[%get3A_99, %get3A_100] {strides = array<i32>} : memref<160x128xi32, #tpu.memory_space<vmem>>, vector<1x16xi32>,
      %get3A_102 = vector.shape_cast %get3A_101 : vector<1x16xi32> to vector<16xi32>
      %jit3A_103 = arith.constant 240 : i32
      %eq3A_104 = arith.constant 0 : i32
      %eq3A_105 = arith.cmpi eq, %jit3A_103, %eq3A_104 : i32
      %jit3A_106 = arith.constant 1 : i32
      %select_n3A_107 = arith.select %eq3A_105, %jit3A_106, %jit3A_103 : i32
      %rem3A_108 = vector.broadcast %select_n3A_107 : i32 to vector<16xi32>
      %rem3A_109 = arith.remsi %add3A_93, %rem3A_108 : vector<16xi32>
      %ne3A_110 = arith.constant 0 : i32
      %ne3A_111 = vector.broadcast %ne3A_110 : i32 to vector<16xi32>
      %ne3A_112 = arith.cmpi ne, %rem3A_109, %ne3A_111 : vector<16xi32>
      %lt3A_113 = arith.constant 0 : i32
      %lt3A_114 = vector.broadcast %lt3A_113 : i32 to vector<16xi32>
      %lt3A_115 = arith.cmpi slt, %rem3A_109, %lt3A_114 : vector<16xi32>
      %lt3A_116 = arith.constant 0 : i32
      %lt3A_117 = arith.cmpi slt, %select_n3A_107, %lt3A_116 : i32
      %ne3A_118 = vector.broadcast %lt3A_117 : i1 to vector<16xi1>
      %ne3A_119 = vector.broadcast %ne3A_118 : vector<16xi1> to vector<16xi1>
      %ne3A_120 = arith.xori %lt3A_115, %ne3A_119 : vector<16xi1>
      %and3A_121 = arith.andi %ne3A_120, %ne3A_112 : vector<16xi1>
      %add3A_122 = vector.broadcast %select_n3A_107 : i32 to vector<16xi32>
      %add3A_123 = arith.addi %rem3A_109, %add3A_122 : vector<16xi32>
      %select_n3A_124 = arith.select %and3A_121, %add3A_123, %rem3A_109 : vector<16xi1>, vector<16xi32>
      %add3A_125 = arith.constant 10000 : i32
      %add3A_126 = vector.broadcast %add3A_125 : i32 to vector<16xi32>
      %add3A_127 = arith.addi %add3A_126, %select_n3A_124 : vector<16xi32>
      %select_n3A_128 = arith.select %and3A, %get3A_102, %add3A_127 : vector<16xi1>, vector<16xi32>
      %swap3A_129 = arith.index_cast %scan3A_68 : i32 to index
      %swap3A_130 = arith.constant 0 : index
      %swap3A_131 = tpu.vector_load %arg6[%swap3A_129, %swap3A_130] {strides = array<i32>} : memref<160x128xi32, #tpu.memory_space<vmem>>, vector<1x16xi32>,
      %swap3A_132 = vector.shape_cast %swap3A_131 : vector<1x16xi32> to vector<16xi32>
      %swap3A_133 = vector.shape_cast %select_n3A_128 : vector<16xi32> to vector<1x16xi32>
      tpu.vector_store %arg6[%swap3A_129, %swap3A_130], %swap3A_133 {strides = array<i32>} : memref<160x128xi32, #tpu.memory_space<vmem>>, vector<1x16xi32>,
      %get3A_134 = arith.index_cast %scan3A_68 : i32 to index
      %get3A_135 = arith.constant 16 : index
      %get3A_136 = tpu.vector_load %arg7[%get3A_134, %get3A_135] {strides = array<i32>} : memref<160x128xi32, #tpu.memory_space<vmem>>, vector<1x16xi32>,
      %get3A_137 = vector.shape_cast %get3A_136 : vector<1x16xi32> to vector<16xi32>
      %sub3A_138 = vector.broadcast %mul3A_4 : i32 to vector<16xi32>
      %sub3A_139 = arith.subi %get3A_137, %sub3A_138 : vector<16xi32>
      %ge3A_140 = arith.constant 0 : i32
      %ge3A_141 = vector.broadcast %ge3A_140 : i32 to vector<16xi32>
      %ge3A_142 = arith.cmpi sge, %sub3A_139, %ge3A_141 : vector<16xi32>
      %lt3A_143 = arith.constant 5120 : i32
      %lt3A_144 = vector.broadcast %lt3A_143 : i32 to vector<16xi32>
      %lt3A_145 = arith.cmpi slt, %sub3A_139, %lt3A_144 : vector<16xi32>
      %and3A_146 = arith.andi %ge3A_142, %lt3A_145 : vector<16xi1>
      %mul3A_147 = arith.constant 128 : i32
      %mul3A_148 = arith.muli %scan3A_68, %mul3A_147 : i32
      %add3A_149 = arith.constant 16 : i32
      %add3A_150 = arith.addi %mul3A_148, %add3A_149 : i32
      %jit3A_151 = arith.constant 4096 : i32
      %eq3A_152 = arith.constant 0 : i32
      %eq3A_153 = arith.cmpi eq, %jit3A_151, %eq3A_152 : i32
      %jit3A_154 = arith.constant 1 : i32
      %select_n3A_155 = arith.select %eq3A_153, %jit3A_154, %jit3A_151 : i32
      %rem3A_156 = arith.remsi %add3A_150, %select_n3A_155 : i32
      %ne3A_157 = arith.constant 0 : i32
      %ne3A_158 = arith.cmpi ne, %rem3A_156, %ne3A_157 : i32
      %lt3A_159 = arith.constant 0 : i32
      %lt3A_160 = arith.cmpi slt, %rem3A_156, %lt3A_159 : i32
      %lt3A_161 = arith.constant 0 : i32
      %lt3A_162 = arith.cmpi slt, %select_n3A_155, %lt3A_161 : i32
      %ne3A_163 = arith.xori %lt3A_160, %lt3A_162 : i1
      %and3A_164 = arith.andi %ne3A_163, %ne3A_158 : i1
      %add3A_165 = arith.addi %rem3A_156, %select_n3A_155 : i32
      %select_n3A_166 = arith.select %and3A_164, %add3A_165, %rem3A_156 : i32
      %add3A_167 = vector.broadcast %select_n3A_166 : i32 to vector<16xi32>
      %add3A_168 = arith.addi %add3A_167, %iota3A : vector<16xi32>
      %select_n3A_169 = arith.select %and3A_146, %sub3A_139, %add3A_168 : vector<16xi1>, vector<16xi32>
      %swap3A_170 = arith.index_cast %scan3A_68 : i32 to index
      %swap3A_171 = arith.constant 16 : index
      %swap3A_172 = tpu.vector_load %arg7[%swap3A_170, %swap3A_171] {strides = array<i32>} : memref<160x128xi32, #tpu.memory_space<vmem>>, vector<1x16xi32>,
      %swap3A_173 = vector.shape_cast %swap3A_172 : vector<1x16xi32> to vector<16xi32>
      %swap3A_174 = vector.shape_cast %select_n3A_169 : vector<16xi32> to vector<1x16xi32>
      tpu.vector_store %arg7[%swap3A_170, %swap3A_171], %swap3A_174 {strides = array<i32>} : memref<160x128xi32, #tpu.memory_space<vmem>>, vector<1x16xi32>,
      %get3A_175 = arith.index_cast %scan3A_68 : i32 to index
      %get3A_176 = arith.constant 16 : index
      %get3A_177 = tpu.vector_load %arg6[%get3A_175, %get3A_176] {strides = array<i32>} : memref<160x128xi32, #tpu.memory_space<vmem>>, vector<1x16xi32>,
      %get3A_178 = vector.shape_cast %get3A_177 : vector<1x16xi32> to vector<16xi32>
      %jit3A_179 = arith.constant 240 : i32
      %eq3A_180 = arith.constant 0 : i32
      %eq3A_181 = arith.cmpi eq, %jit3A_179, %eq3A_180 : i32
      %jit3A_182 = arith.constant 1 : i32
      %select_n3A_183 = arith.select %eq3A_181, %jit3A_182, %jit3A_179 : i32
      %rem3A_184 = vector.broadcast %select_n3A_183 : i32 to vector<16xi32>
      %rem3A_185 = arith.remsi %add3A_168, %rem3A_184 : vector<16xi32>
      %ne3A_186 = arith.constant 0 : i32
      %ne3A_187 = vector.broadcast %ne3A_186 : i32 to vector<16xi32>
      %ne3A_188 = arith.cmpi ne, %rem3A_185, %ne3A_187 : vector<16xi32>
      %lt3A_189 = arith.constant 0 : i32
      %lt3A_190 = vector.broadcast %lt3A_189 : i32 to vector<16xi32>
      %lt3A_191 = arith.cmpi slt, %rem3A_185, %lt3A_190 : vector<16xi32>
      %lt3A_192 = arith.constant 0 : i32
      %lt3A_193 = arith.cmpi slt, %select_n3A_183, %lt3A_192 : i32
      %ne3A_194 = vector.broadcast %lt3A_193 : i1 to vector<16xi1>
      %ne3A_195 = vector.broadcast %ne3A_194 : vector<16xi1> to vector<16xi1>
      %ne3A_196 = arith.xori %lt3A_191, %ne3A_195 : vector<16xi1>
      %and3A_197 = arith.andi %ne3A_196, %ne3A_188 : vector<16xi1>
      %add3A_198 = vector.broadcast %select_n3A_183 : i32 to vector<16xi32>
      %add3A_199 = arith.addi %rem3A_185, %add3A_198 : vector<16xi32>
      %select_n3A_200 = arith.select %and3A_197, %add3A_199, %rem3A_185 : vector<16xi1>, vector<16xi32>
      %add3A_201 = arith.constant 10000 : i32
      %add3A_202 = vector.broadcast %add3A_201 : i32 to vector<16xi32>
      %add3A_203 = arith.addi %add3A_202, %select_n3A_200 : vector<16xi32>
      %select_n3A_204 = arith.select %and3A_146, %get3A_178, %add3A_203 : vector<16xi1>, vector<16xi32>
      %swap3A_205 = arith.index_cast %scan3A_68 : i32 to index
      %swap3A_206 = arith.constant 16 : index
      %swap3A_207 = tpu.vector_load %arg6[%swap3A_205, %swap3A_206] {strides = array<i32>} : memref<160x128xi32, #tpu.memory_space<vmem>>, vector<1x16xi32>,
      %swap3A_208 = vector.shape_cast %swap3A_207 : vector<1x16xi32> to vector<16xi32>
      %swap3A_209 = vector.shape_cast %select_n3A_204 : vector<16xi32> to vector<1x16xi32>
      tpu.vector_store %arg6[%swap3A_205, %swap3A_206], %swap3A_209 {strides = array<i32>} : memref<160x128xi32, #tpu.memory_space<vmem>>, vector<1x16xi32>,
      %get3A_210 = arith.index_cast %scan3A_68 : i32 to index
      %get3A_211 = arith.constant 32 : index
      %get3A_212 = tpu.vector_load %arg7[%get3A_210, %get3A_211] {strides = array<i32>} : memref<160x128xi32, #tpu.memory_space<vmem>>, vector<1x16xi32>,
      %get3A_213 = vector.shape_cast %get3A_212 : vector<1x16xi32> to vector<16xi32>
      %sub3A_214 = vector.broadcast %mul3A_4 : i32 to vector<16xi32>
      %sub3A_215 = arith.subi %get3A_213, %sub3A_214 : vector<16xi32>
      %ge3A_216 = arith.constant 0 : i32
      %ge3A_217 = vector.broadcast %ge3A_216 : i32 to vector<16xi32>
      %ge3A_218 = arith.cmpi sge, %sub3A_215, %ge3A_217 : vector<16xi32>
      %lt3A_219 = arith.constant 5120 : i32
      %lt3A_220 = vector.broadcast %lt3A_219 : i32 to vector<16xi32>
      %lt3A_221 = arith.cmpi slt, %sub3A_215, %lt3A_220 : vector<16xi32>
      %and3A_222 = arith.andi %ge3A_218, %lt3A_221 : vector<16xi1>
      %mul3A_223 = arith.constant 128 : i32
      %mul3A_224 = arith.muli %scan3A_68, %mul3A_223 : i32
      %add3A_225 = arith.constant 32 : i32
      %add3A_226 = arith.addi %mul3A_224, %add3A_225 : i32
      %jit3A_227 = arith.constant 4096 : i32
      %eq3A_228 = arith.constant 0 : i32
      %eq3A_229 = arith.cmpi eq, %jit3A_227, %eq3A_228 : i32
      %jit3A_230 = arith.constant 1 : i32
      %select_n3A_231 = arith.select %eq3A_229, %jit3A_230, %jit3A_227 : i32
      %rem3A_232 = arith.remsi %add3A_226, %select_n3A_231 : i32
      %ne3A_233 = arith.constant 0 : i32
      %ne3A_234 = arith.cmpi ne, %rem3A_232, %ne3A_233 : i32
      %lt3A_235 = arith.constant 0 : i32
      %lt3A_236 = arith.cmpi slt, %rem3A_232, %lt3A_235 : i32
      %lt3A_237 = arith.constant 0 : i32
      %lt3A_238 = arith.cmpi slt, %select_n3A_231, %lt3A_237 : i32
      %ne3A_239 = arith.xori %lt3A_236, %lt3A_238 : i1
      %and3A_240 = arith.andi %ne3A_239, %ne3A_234 : i1
      %add3A_241 = arith.addi %rem3A_232, %select_n3A_231 : i32
      %select_n3A_242 = arith.select %and3A_240, %add3A_241, %rem3A_232 : i32
      %add3A_243 = vector.broadcast %select_n3A_242 : i32 to vector<16xi32>
      %add3A_244 = arith.addi %add3A_243, %iota3A : vector<16xi32>
      %select_n3A_245 = arith.select %and3A_222, %sub3A_215, %add3A_244 : vector<16xi1>, vector<16xi32>
      %swap3A_246 = arith.index_cast %scan3A_68 : i32 to index
      %swap3A_247 = arith.constant 32 : index
      %swap3A_248 = tpu.vector_load %arg7[%swap3A_246, %swap3A_247] {strides = array<i32>} : memref<160x128xi32, #tpu.memory_space<vmem>>, vector<1x16xi32>,
      %swap3A_249 = vector.shape_cast %swap3A_248 : vector<1x16xi32> to vector<16xi32>
      %swap3A_250 = vector.shape_cast %select_n3A_245 : vector<16xi32> to vector<1x16xi32>
      tpu.vector_store %arg7[%swap3A_246, %swap3A_247], %swap3A_250 {strides = array<i32>} : memref<160x128xi32, #tpu.memory_space<vmem>>, vector<1x16xi32>,
      %get3A_251 = arith.index_cast %scan3A_68 : i32 to index
      %get3A_252 = arith.constant 32 : index
      %get3A_253 = tpu.vector_load %arg6[%get3A_251, %get3A_252] {strides = array<i32>} : memref<160x128xi32, #tpu.memory_space<vmem>>, vector<1x16xi32>,
      %get3A_254 = vector.shape_cast %get3A_253 : vector<1x16xi32> to vector<16xi32>
      %jit3A_255 = arith.constant 240 : i32
      %eq3A_256 = arith.constant 0 : i32
      %eq3A_257 = arith.cmpi eq, %jit3A_255, %eq3A_256 : i32
      %jit3A_258 = arith.constant 1 : i32
      %select_n3A_259 = arith.select %eq3A_257, %jit3A_258, %jit3A_255 : i32
      %rem3A_260 = vector.broadcast %select_n3A_259 : i32 to vector<16xi32>
      %rem3A_261 = arith.remsi %add3A_244, %rem3A_260 : vector<16xi32>
      %ne3A_262 = arith.constant 0 : i32
      %ne3A_263 = vector.broadcast %ne3A_262 : i32 to vector<16xi32>
      %ne3A_264 = arith.cmpi ne, %rem3A_261, %ne3A_263 : vector<16xi32>
      %lt3A_265 = arith.constant 0 : i32
      %lt3A_266 = vector.broadcast %lt3A_265 : i32 to vector<16xi32>
      %lt3A_267 = arith.cmpi slt, %rem3A_261, %lt3A_266 : vector<16xi32>
      %lt3A_268 = arith.constant 0 : i32
      %lt3A_269 = arith.cmpi slt, %select_n3A_259, %lt3A_268 : i32
      %ne3A_270 = vector.broadcast %lt3A_269 : i1 to vector<16xi1>
      %ne3A_271 = vector.broadcast %ne3A_270 : vector<16xi1> to vector<16xi1>
      %ne3A_272 = arith.xori %lt3A_267, %ne3A_271 : vector<16xi1>
      %and3A_273 = arith.andi %ne3A_272, %ne3A_264 : vector<16xi1>
      %add3A_274 = vector.broadcast %select_n3A_259 : i32 to vector<16xi32>
      %add3A_275 = arith.addi %rem3A_261, %add3A_274 : vector<16xi32>
      %select_n3A_276 = arith.select %and3A_273, %add3A_275, %rem3A_261 : vector<16xi1>, vector<16xi32>
      %add3A_277 = arith.constant 10000 : i32
      %add3A_278 = vector.broadcast %add3A_277 : i32 to vector<16xi32>
      %add3A_279 = arith.addi %add3A_278, %select_n3A_276 : vector<16xi32>
      %select_n3A_280 = arith.select %and3A_222, %get3A_254, %add3A_279 : vector<16xi1>, vector<16xi32>
      %swap3A_281 = arith.index_cast %scan3A_68 : i32 to index
      %swap3A_282 = arith.constant 32 : index
      %swap3A_283 = tpu.vector_load %arg6[%swap3A_281, %swap3A_282] {strides = array<i32>} : memref<160x128xi32, #tpu.memory_space<vmem>>, vector<1x16xi32>,
      %swap3A_284 = vector.shape_cast %swap3A_283 : vector<1x16xi32> to vector<16xi32>
      %swap3A_285 = vector.shape_cast %select_n3A_280 : vector<16xi32> to vector<1x16xi32>
      tpu.vector_store %arg6[%swap3A_281, %swap3A_282], %swap3A_285 {strides = array<i32>} : memref<160x128xi32, #tpu.memory_space<vmem>>, vector<1x16xi32>,
      %get3A_286 = arith.index_cast %scan3A_68 : i32 to index
      %get3A_287 = arith.constant 48 : index
      %get3A_288 = tpu.vector_load %arg7[%get3A_286, %get3A_287] {strides = array<i32>} : memref<160x128xi32, #tpu.memory_space<vmem>>, vector<1x16xi32>,
      %get3A_289 = vector.shape_cast %get3A_288 : vector<1x16xi32> to vector<16xi32>
      %sub3A_290 = vector.broadcast %mul3A_4 : i32 to vector<16xi32>
      %sub3A_291 = arith.subi %get3A_289, %sub3A_290 : vector<16xi32>
      %ge3A_292 = arith.constant 0 : i32
      %ge3A_293 = vector.broadcast %ge3A_292 : i32 to vector<16xi32>
      %ge3A_294 = arith.cmpi sge, %sub3A_291, %ge3A_293 : vector<16xi32>
      %lt3A_295 = arith.constant 5120 : i32
      %lt3A_296 = vector.broadcast %lt3A_295 : i32 to vector<16xi32>
      %lt3A_297 = arith.cmpi slt, %sub3A_291, %lt3A_296 : vector<16xi32>
      %and3A_298 = arith.andi %ge3A_294, %lt3A_297 : vector<16xi1>
      %mul3A_299 = arith.constant 128 : i32
      %mul3A_300 = arith.muli %scan3A_68, %mul3A_299 : i32
      %add3A_301 = arith.constant 48 : i32
      %add3A_302 = arith.addi %mul3A_300, %add3A_301 : i32
      %jit3A_303 = arith.constant 4096 : i32
      %eq3A_304 = arith.constant 0 : i32
      %eq3A_305 = arith.cmpi eq, %jit3A_303, %eq3A_304 : i32
      %jit3A_306 = arith.constant 1 : i32
      %select_n3A_307 = arith.select %eq3A_305, %jit3A_306, %jit3A_303 : i32
      %rem3A_308 = arith.remsi %add3A_302, %select_n3A_307 : i32
      %ne3A_309 = arith.constant 0 : i32
      %ne3A_310 = arith.cmpi ne, %rem3A_308, %ne3A_309 : i32
      %lt3A_311 = arith.constant 0 : i32
      %lt3A_312 = arith.cmpi slt, %rem3A_308, %lt3A_311 : i32
      %lt3A_313 = arith.constant 0 : i32
      %lt3A_314 = arith.cmpi slt, %select_n3A_307, %lt3A_313 : i32
      %ne3A_315 = arith.xori %lt3A_312, %lt3A_314 : i1
      %and3A_316 = arith.andi %ne3A_315, %ne3A_310 : i1
      %add3A_317 = arith.addi %rem3A_308, %select_n3A_307 : i32
      %select_n3A_318 = arith.select %and3A_316, %add3A_317, %rem3A_308 : i32
      %add3A_319 = vector.broadcast %select_n3A_318 : i32 to vector<16xi32>
      %add3A_320 = arith.addi %add3A_319, %iota3A : vector<16xi32>
      %select_n3A_321 = arith.select %and3A_298, %sub3A_291, %add3A_320 : vector<16xi1>, vector<16xi32>
      %swap3A_322 = arith.index_cast %scan3A_68 : i32 to index
      %swap3A_323 = arith.constant 48 : index
      %swap3A_324 = tpu.vector_load %arg7[%swap3A_322, %swap3A_323] {strides = array<i32>} : memref<160x128xi32, #tpu.memory_space<vmem>>, vector<1x16xi32>,
      %swap3A_325 = vector.shape_cast %swap3A_324 : vector<1x16xi32> to vector<16xi32>
      %swap3A_326 = vector.shape_cast %select_n3A_321 : vector<16xi32> to vector<1x16xi32>
      tpu.vector_store %arg7[%swap3A_322, %swap3A_323], %swap3A_326 {strides = array<i32>} : memref<160x128xi32, #tpu.memory_space<vmem>>, vector<1x16xi32>,
      %get3A_327 = arith.index_cast %scan3A_68 : i32 to index
      %get3A_328 = arith.constant 48 : index
      %get3A_329 = tpu.vector_load %arg6[%get3A_327, %get3A_328] {strides = array<i32>} : memref<160x128xi32, #tpu.memory_space<vmem>>, vector<1x16xi32>,
      %get3A_330 = vector.shape_cast %get3A_329 : vector<1x16xi32> to vector<16xi32>
      %jit3A_331 = arith.constant 240 : i32
      %eq3A_332 = arith.constant 0 : i32
      %eq3A_333 = arith.cmpi eq, %jit3A_331, %eq3A_332 : i32
      %jit3A_334 = arith.constant 1 : i32
      %select_n3A_335 = arith.select %eq3A_333, %jit3A_334, %jit3A_331 : i32
      %rem3A_336 = vector.broadcast %select_n3A_335 : i32 to vector<16xi32>
      %rem3A_337 = arith.remsi %add3A_320, %rem3A_336 : vector<16xi32>
      %ne3A_338 = arith.constant 0 : i32
      %ne3A_339 = vector.broadcast %ne3A_338 : i32 to vector<16xi32>
      %ne3A_340 = arith.cmpi ne, %rem3A_337, %ne3A_339 : vector<16xi32>
      %lt3A_341 = arith.constant 0 : i32
      %lt3A_342 = vector.broadcast %lt3A_341 : i32 to vector<16xi32>
      %lt3A_343 = arith.cmpi slt, %rem3A_337, %lt3A_342 : vector<16xi32>
      %lt3A_344 = arith.constant 0 : i32
      %lt3A_345 = arith.cmpi slt, %select_n3A_335, %lt3A_344 : i32
      %ne3A_346 = vector.broadcast %lt3A_345 : i1 to vector<16xi1>
      %ne3A_347 = vector.broadcast %ne3A_346 : vector<16xi1> to vector<16xi1>
      %ne3A_348 = arith.xori %lt3A_343, %ne3A_347 : vector<16xi1>
      %and3A_349 = arith.andi %ne3A_348, %ne3A_340 : vector<16xi1>
      %add3A_350 = vector.broadcast %select_n3A_335 : i32 to vector<16xi32>
      %add3A_351 = arith.addi %rem3A_337, %add3A_350 : vector<16xi32>
      %select_n3A_352 = arith.select %and3A_349, %add3A_351, %rem3A_337 : vector<16xi1>, vector<16xi32>
      %add3A_353 = arith.constant 10000 : i32
      %add3A_354 = vector.broadcast %add3A_353 : i32 to vector<16xi32>
      %add3A_355 = arith.addi %add3A_354, %select_n3A_352 : vector<16xi32>
      %select_n3A_356 = arith.select %and3A_298, %get3A_330, %add3A_355 : vector<16xi1>, vector<16xi32>
      %swap3A_357 = arith.index_cast %scan3A_68 : i32 to index
      %swap3A_358 = arith.constant 48 : index
      %swap3A_359 = tpu.vector_load %arg6[%swap3A_357, %swap3A_358] {strides = array<i32>} : memref<160x128xi32, #tpu.memory_space<vmem>>, vector<1x16xi32>,
      %swap3A_360 = vector.shape_cast %swap3A_359 : vector<1x16xi32> to vector<16xi32>
      %swap3A_361 = vector.shape_cast %select_n3A_356 : vector<16xi32> to vector<1x16xi32>
      tpu.vector_store %arg6[%swap3A_357, %swap3A_358], %swap3A_361 {strides = array<i32>} : memref<160x128xi32, #tpu.memory_space<vmem>>, vector<1x16xi32>,
      %get3A_362 = arith.index_cast %scan3A_68 : i32 to index
      %get3A_363 = arith.constant 64 : index
      %get3A_364 = tpu.vector_load %arg7[%get3A_362, %get3A_363] {strides = array<i32>} : memref<160x128xi32, #tpu.memory_space<vmem>>, vector<1x16xi32>,
      %get3A_365 = vector.shape_cast %get3A_364 : vector<1x16xi32> to vector<16xi32>
      %sub3A_366 = vector.broadcast %mul3A_4 : i32 to vector<16xi32>
      %sub3A_367 = arith.subi %get3A_365, %sub3A_366 : vector<16xi32>
      %ge3A_368 = arith.constant 0 : i32
      %ge3A_369 = vector.broadcast %ge3A_368 : i32 to vector<16xi32>
      %ge3A_370 = arith.cmpi sge, %sub3A_367, %ge3A_369 : vector<16xi32>
      %lt3A_371 = arith.constant 5120 : i32
      %lt3A_372 = vector.broadcast %lt3A_371 : i32 to vector<16xi32>
      %lt3A_373 = arith.cmpi slt, %sub3A_367, %lt3A_372 : vector<16xi32>
      %and3A_374 = arith.andi %ge3A_370, %lt3A_373 : vector<16xi1>
      %mul3A_375 = arith.constant 128 : i32
      %mul3A_376 = arith.muli %scan3A_68, %mul3A_375 : i32
      %add3A_377 = arith.constant 64 : i32
      %add3A_378 = arith.addi %mul3A_376, %add3A_377 : i32
      %jit3A_379 = arith.constant 4096 : i32
      %eq3A_380 = arith.constant 0 : i32
      %eq3A_381 = arith.cmpi eq, %jit3A_379, %eq3A_380 : i32
      %jit3A_382 = arith.constant 1 : i32
      %select_n3A_383 = arith.select %eq3A_381, %jit3A_382, %jit3A_379 : i32
      %rem3A_384 = arith.remsi %add3A_378, %select_n3A_383 : i32
      %ne3A_385 = arith.constant 0 : i32
      %ne3A_386 = arith.cmpi ne, %rem3A_384, %ne3A_385 : i32
      %lt3A_387 = arith.constant 0 : i32
      %lt3A_388 = arith.cmpi slt, %rem3A_384, %lt3A_387 : i32
      %lt3A_389 = arith.constant 0 : i32
      %lt3A_390 = arith.cmpi slt, %select_n3A_383, %lt3A_389 : i32
      %ne3A_391 = arith.xori %lt3A_388, %lt3A_390 : i1
      %and3A_392 = arith.andi %ne3A_391, %ne3A_386 : i1
      %add3A_393 = arith.addi %rem3A_384, %select_n3A_383 : i32
      %select_n3A_394 = arith.select %and3A_392, %add3A_393, %rem3A_384 : i32
      %add3A_395 = vector.broadcast %select_n3A_394 : i32 to vector<16xi32>
      %add3A_396 = arith.addi %add3A_395, %iota3A : vector<16xi32>
      %select_n3A_397 = arith.select %and3A_374, %sub3A_367, %add3A_396 : vector<16xi1>, vector<16xi32>
      %swap3A_398 = arith.index_cast %scan3A_68 : i32 to index
      %swap3A_399 = arith.constant 64 : index
      %swap3A_400 = tpu.vector_load %arg7[%swap3A_398, %swap3A_399] {strides = array<i32>} : memref<160x128xi32, #tpu.memory_space<vmem>>, vector<1x16xi32>,
      %swap3A_401 = vector.shape_cast %swap3A_400 : vector<1x16xi32> to vector<16xi32>
      %swap3A_402 = vector.shape_cast %select_n3A_397 : vector<16xi32> to vector<1x16xi32>
      tpu.vector_store %arg7[%swap3A_398, %swap3A_399], %swap3A_402 {strides = array<i32>} : memref<160x128xi32, #tpu.memory_space<vmem>>, vector<1x16xi32>,
      %get3A_403 = arith.index_cast %scan3A_68 : i32 to index
      %get3A_404 = arith.constant 64 : index
      %get3A_405 = tpu.vector_load %arg6[%get3A_403, %get3A_404] {strides = array<i32>} : memref<160x128xi32, #tpu.memory_space<vmem>>, vector<1x16xi32>,
      %get3A_406 = vector.shape_cast %get3A_405 : vector<1x16xi32> to vector<16xi32>
      %jit3A_407 = arith.constant 240 : i32
      %eq3A_408 = arith.constant 0 : i32
      %eq3A_409 = arith.cmpi eq, %jit3A_407, %eq3A_408 : i32
      %jit3A_410 = arith.constant 1 : i32
      %select_n3A_411 = arith.select %eq3A_409, %jit3A_410, %jit3A_407 : i32
      %rem3A_412 = vector.broadcast %select_n3A_411 : i32 to vector<16xi32>
      %rem3A_413 = arith.remsi %add3A_396, %rem3A_412 : vector<16xi32>
      %ne3A_414 = arith.constant 0 : i32
      %ne3A_415 = vector.broadcast %ne3A_414 : i32 to vector<16xi32>
      %ne3A_416 = arith.cmpi ne, %rem3A_413, %ne3A_415 : vector<16xi32>
      %lt3A_417 = arith.constant 0 : i32
      %lt3A_418 = vector.broadcast %lt3A_417 : i32 to vector<16xi32>
      %lt3A_419 = arith.cmpi slt, %rem3A_413, %lt3A_418 : vector<16xi32>
      %lt3A_420 = arith.constant 0 : i32
      %lt3A_421 = arith.cmpi slt, %select_n3A_411, %lt3A_420 : i32
      %ne3A_422 = vector.broadcast %lt3A_421 : i1 to vector<16xi1>
      %ne3A_423 = vector.broadcast %ne3A_422 : vector<16xi1> to vector<16xi1>
      %ne3A_424 = arith.xori %lt3A_419, %ne3A_423 : vector<16xi1>
      %and3A_425 = arith.andi %ne3A_424, %ne3A_416 : vector<16xi1>
      %add3A_426 = vector.broadcast %select_n3A_411 : i32 to vector<16xi32>
      %add3A_427 = arith.addi %rem3A_413, %add3A_426 : vector<16xi32>
      %select_n3A_428 = arith.select %and3A_425, %add3A_427, %rem3A_413 : vector<16xi1>, vector<16xi32>
      %add3A_429 = arith.constant 10000 : i32
      %add3A_430 = vector.broadcast %add3A_429 : i32 to vector<16xi32>
      %add3A_431 = arith.addi %add3A_430, %select_n3A_428 : vector<16xi32>
      %select_n3A_432 = arith.select %and3A_374, %get3A_406, %add3A_431 : vector<16xi1>, vector<16xi32>
      %swap3A_433 = arith.index_cast %scan3A_68 : i32 to index
      %swap3A_434 = arith.constant 64 : index
      %swap3A_435 = tpu.vector_load %arg6[%swap3A_433, %swap3A_434] {strides = array<i32>} : memref<160x128xi32, #tpu.memory_space<vmem>>, vector<1x16xi32>,
      %swap3A_436 = vector.shape_cast %swap3A_435 : vector<1x16xi32> to vector<16xi32>
      %swap3A_437 = vector.shape_cast %select_n3A_432 : vector<16xi32> to vector<1x16xi32>
      tpu.vector_store %arg6[%swap3A_433, %swap3A_434], %swap3A_437 {strides = array<i32>} : memref<160x128xi32, #tpu.memory_space<vmem>>, vector<1x16xi32>,
      %get3A_438 = arith.index_cast %scan3A_68 : i32 to index
      %get3A_439 = arith.constant 80 : index
      %get3A_440 = tpu.vector_load %arg7[%get3A_438, %get3A_439] {strides = array<i32>} : memref<160x128xi32, #tpu.memory_space<vmem>>, vector<1x16xi32>,
      %get3A_441 = vector.shape_cast %get3A_440 : vector<1x16xi32> to vector<16xi32>
      %sub3A_442 = vector.broadcast %mul3A_4 : i32 to vector<16xi32>
      %sub3A_443 = arith.subi %get3A_441, %sub3A_442 : vector<16xi32>
      %ge3A_444 = arith.constant 0 : i32
      %ge3A_445 = vector.broadcast %ge3A_444 : i32 to vector<16xi32>
      %ge3A_446 = arith.cmpi sge, %sub3A_443, %ge3A_445 : vector<16xi32>
      %lt3A_447 = arith.constant 5120 : i32
      %lt3A_448 = vector.broadcast %lt3A_447 : i32 to vector<16xi32>
      %lt3A_449 = arith.cmpi slt, %sub3A_443, %lt3A_448 : vector<16xi32>
      %and3A_450 = arith.andi %ge3A_446, %lt3A_449 : vector<16xi1>
      %mul3A_451 = arith.constant 128 : i32
      %mul3A_452 = arith.muli %scan3A_68, %mul3A_451 : i32
      %add3A_453 = arith.constant 80 : i32
      %add3A_454 = arith.addi %mul3A_452, %add3A_453 : i32
      %jit3A_455 = arith.constant 4096 : i32
      %eq3A_456 = arith.constant 0 : i32
      %eq3A_457 = arith.cmpi eq, %jit3A_455, %eq3A_456 : i32
      %jit3A_458 = arith.constant 1 : i32
      %select_n3A_459 = arith.select %eq3A_457, %jit3A_458, %jit3A_455 : i32
      %rem3A_460 = arith.remsi %add3A_454, %select_n3A_459 : i32
      %ne3A_461 = arith.constant 0 : i32
      %ne3A_462 = arith.cmpi ne, %rem3A_460, %ne3A_461 : i32
      %lt3A_463 = arith.constant 0 : i32
      %lt3A_464 = arith.cmpi slt, %rem3A_460, %lt3A_463 : i32
      %lt3A_465 = arith.constant 0 : i32
      %lt3A_466 = arith.cmpi slt, %select_n3A_459, %lt3A_465 : i32
      %ne3A_467 = arith.xori %lt3A_464, %lt3A_466 : i1
      %and3A_468 = arith.andi %ne3A_467, %ne3A_462 : i1
      %add3A_469 = arith.addi %rem3A_460, %select_n3A_459 : i32
      %select_n3A_470 = arith.select %and3A_468, %add3A_469, %rem3A_460 : i32
      %add3A_471 = vector.broadcast %select_n3A_470 : i32 to vector<16xi32>
      %add3A_472 = arith.addi %add3A_471, %iota3A : vector<16xi32>
      %select_n3A_473 = arith.select %and3A_450, %sub3A_443, %add3A_472 : vector<16xi1>, vector<16xi32>
      %swap3A_474 = arith.index_cast %scan3A_68 : i32 to index
      %swap3A_475 = arith.constant 80 : index
      %swap3A_476 = tpu.vector_load %arg7[%swap3A_474, %swap3A_475] {strides = array<i32>} : memref<160x128xi32, #tpu.memory_space<vmem>>, vector<1x16xi32>,
      %swap3A_477 = vector.shape_cast %swap3A_476 : vector<1x16xi32> to vector<16xi32>
      %swap3A_478 = vector.shape_cast %select_n3A_473 : vector<16xi32> to vector<1x16xi32>
      tpu.vector_store %arg7[%swap3A_474, %swap3A_475], %swap3A_478 {strides = array<i32>} : memref<160x128xi32, #tpu.memory_space<vmem>>, vector<1x16xi32>,
      %get3A_479 = arith.index_cast %scan3A_68 : i32 to index
      %get3A_480 = arith.constant 80 : index
      %get3A_481 = tpu.vector_load %arg6[%get3A_479, %get3A_480] {strides = array<i32>} : memref<160x128xi32, #tpu.memory_space<vmem>>, vector<1x16xi32>,
      %get3A_482 = vector.shape_cast %get3A_481 : vector<1x16xi32> to vector<16xi32>
      %jit3A_483 = arith.constant 240 : i32
      %eq3A_484 = arith.constant 0 : i32
      %eq3A_485 = arith.cmpi eq, %jit3A_483, %eq3A_484 : i32
      %jit3A_486 = arith.constant 1 : i32
      %select_n3A_487 = arith.select %eq3A_485, %jit3A_486, %jit3A_483 : i32
      %rem3A_488 = vector.broadcast %select_n3A_487 : i32 to vector<16xi32>
      %rem3A_489 = arith.remsi %add3A_472, %rem3A_488 : vector<16xi32>
      %ne3A_490 = arith.constant 0 : i32
      %ne3A_491 = vector.broadcast %ne3A_490 : i32 to vector<16xi32>
      %ne3A_492 = arith.cmpi ne, %rem3A_489, %ne3A_491 : vector<16xi32>
      %lt3A_493 = arith.constant 0 : i32
      %lt3A_494 = vector.broadcast %lt3A_493 : i32 to vector<16xi32>
      %lt3A_495 = arith.cmpi slt, %rem3A_489, %lt3A_494 : vector<16xi32>
      %lt3A_496 = arith.constant 0 : i32
      %lt3A_497 = arith.cmpi slt, %select_n3A_487, %lt3A_496 : i32
      %ne3A_498 = vector.broadcast %lt3A_497 : i1 to vector<16xi1>
      %ne3A_499 = vector.broadcast %ne3A_498 : vector<16xi1> to vector<16xi1>
      %ne3A_500 = arith.xori %lt3A_495, %ne3A_499 : vector<16xi1>
      %and3A_501 = arith.andi %ne3A_500, %ne3A_492 : vector<16xi1>
      %add3A_502 = vector.broadcast %select_n3A_487 : i32 to vector<16xi32>
      %add3A_503 = arith.addi %rem3A_489, %add3A_502 : vector<16xi32>
      %select_n3A_504 = arith.select %and3A_501, %add3A_503, %rem3A_489 : vector<16xi1>, vector<16xi32>
      %add3A_505 = arith.constant 10000 : i32
      %add3A_506 = vector.broadcast %add3A_505 : i32 to vector<16xi32>
      %add3A_507 = arith.addi %add3A_506, %select_n3A_504 : vector<16xi32>
      %select_n3A_508 = arith.select %and3A_450, %get3A_482, %add3A_507 : vector<16xi1>, vector<16xi32>
      %swap3A_509 = arith.index_cast %scan3A_68 : i32 to index
      %swap3A_510 = arith.constant 80 : index
      %swap3A_511 = tpu.vector_load %arg6[%swap3A_509, %swap3A_510] {strides = array<i32>} : memref<160x128xi32, #tpu.memory_space<vmem>>, vector<1x16xi32>,
      %swap3A_512 = vector.shape_cast %swap3A_511 : vector<1x16xi32> to vector<16xi32>
      %swap3A_513 = vector.shape_cast %select_n3A_508 : vector<16xi32> to vector<1x16xi32>
      tpu.vector_store %arg6[%swap3A_509, %swap3A_510], %swap3A_513 {strides = array<i32>} : memref<160x128xi32, #tpu.memory_space<vmem>>, vector<1x16xi32>,
      %get3A_514 = arith.index_cast %scan3A_68 : i32 to index
      %get3A_515 = arith.constant 96 : index
      %get3A_516 = tpu.vector_load %arg7[%get3A_514, %get3A_515] {strides = array<i32>} : memref<160x128xi32, #tpu.memory_space<vmem>>, vector<1x16xi32>,
      %get3A_517 = vector.shape_cast %get3A_516 : vector<1x16xi32> to vector<16xi32>
      %sub3A_518 = vector.broadcast %mul3A_4 : i32 to vector<16xi32>
      %sub3A_519 = arith.subi %get3A_517, %sub3A_518 : vector<16xi32>
      %ge3A_520 = arith.constant 0 : i32
      %ge3A_521 = vector.broadcast %ge3A_520 : i32 to vector<16xi32>
      %ge3A_522 = arith.cmpi sge, %sub3A_519, %ge3A_521 : vector<16xi32>
      %lt3A_523 = arith.constant 5120 : i32
      %lt3A_524 = vector.broadcast %lt3A_523 : i32 to vector<16xi32>
      %lt3A_525 = arith.cmpi slt, %sub3A_519, %lt3A_524 : vector<16xi32>
      %and3A_526 = arith.andi %ge3A_522, %lt3A_525 : vector<16xi1>
      %mul3A_527 = arith.constant 128 : i32
      %mul3A_528 = arith.muli %scan3A_68, %mul3A_527 : i32
      %add3A_529 = arith.constant 96 : i32
      %add3A_530 = arith.addi %mul3A_528, %add3A_529 : i32
      %jit3A_531 = arith.constant 4096 : i32
      %eq3A_532 = arith.constant 0 : i32
      %eq3A_533 = arith.cmpi eq, %jit3A_531, %eq3A_532 : i32
      %jit3A_534 = arith.constant 1 : i32
      %select_n3A_535 = arith.select %eq3A_533, %jit3A_534, %jit3A_531 : i32
      %rem3A_536 = arith.remsi %add3A_530, %select_n3A_535 : i32
      %ne3A_537 = arith.constant 0 : i32
      %ne3A_538 = arith.cmpi ne, %rem3A_536, %ne3A_537 : i32
      %lt3A_539 = arith.constant 0 : i32
      %lt3A_540 = arith.cmpi slt, %rem3A_536, %lt3A_539 : i32
      %lt3A_541 = arith.constant 0 : i32
      %lt3A_542 = arith.cmpi slt, %select_n3A_535, %lt3A_541 : i32
      %ne3A_543 = arith.xori %lt3A_540, %lt3A_542 : i1
      %and3A_544 = arith.andi %ne3A_543, %ne3A_538 : i1
      %add3A_545 = arith.addi %rem3A_536, %select_n3A_535 : i32
      %select_n3A_546 = arith.select %and3A_544, %add3A_545, %rem3A_536 : i32
      %add3A_547 = vector.broadcast %select_n3A_546 : i32 to vector<16xi32>
      %add3A_548 = arith.addi %add3A_547, %iota3A : vector<16xi32>
      %select_n3A_549 = arith.select %and3A_526, %sub3A_519, %add3A_548 : vector<16xi1>, vector<16xi32>
      %swap3A_550 = arith.index_cast %scan3A_68 : i32 to index
      %swap3A_551 = arith.constant 96 : index
      %swap3A_552 = tpu.vector_load %arg7[%swap3A_550, %swap3A_551] {strides = array<i32>} : memref<160x128xi32, #tpu.memory_space<vmem>>, vector<1x16xi32>,
      %swap3A_553 = vector.shape_cast %swap3A_552 : vector<1x16xi32> to vector<16xi32>
      %swap3A_554 = vector.shape_cast %select_n3A_549 : vector<16xi32> to vector<1x16xi32>
      tpu.vector_store %arg7[%swap3A_550, %swap3A_551], %swap3A_554 {strides = array<i32>} : memref<160x128xi32, #tpu.memory_space<vmem>>, vector<1x16xi32>,
      %get3A_555 = arith.index_cast %scan3A_68 : i32 to index
      %get3A_556 = arith.constant 96 : index
      %get3A_557 = tpu.vector_load %arg6[%get3A_555, %get3A_556] {strides = array<i32>} : memref<160x128xi32, #tpu.memory_space<vmem>>, vector<1x16xi32>,
      %get3A_558 = vector.shape_cast %get3A_557 : vector<1x16xi32> to vector<16xi32>
      %jit3A_559 = arith.constant 240 : i32
      %eq3A_560 = arith.constant 0 : i32
      %eq3A_561 = arith.cmpi eq, %jit3A_559, %eq3A_560 : i32
      %jit3A_562 = arith.constant 1 : i32
      %select_n3A_563 = arith.select %eq3A_561, %jit3A_562, %jit3A_559 : i32
      %rem3A_564 = vector.broadcast %select_n3A_563 : i32 to vector<16xi32>
      %rem3A_565 = arith.remsi %add3A_548, %rem3A_564 : vector<16xi32>
      %ne3A_566 = arith.constant 0 : i32
      %ne3A_567 = vector.broadcast %ne3A_566 : i32 to vector<16xi32>
      %ne3A_568 = arith.cmpi ne, %rem3A_565, %ne3A_567 : vector<16xi32>
      %lt3A_569 = arith.constant 0 : i32
      %lt3A_570 = vector.broadcast %lt3A_569 : i32 to vector<16xi32>
      %lt3A_571 = arith.cmpi slt, %rem3A_565, %lt3A_570 : vector<16xi32>
      %lt3A_572 = arith.constant 0 : i32
      %lt3A_573 = arith.cmpi slt, %select_n3A_563, %lt3A_572 : i32
      %ne3A_574 = vector.broadcast %lt3A_573 : i1 to vector<16xi1>
      %ne3A_575 = vector.broadcast %ne3A_574 : vector<16xi1> to vector<16xi1>
      %ne3A_576 = arith.xori %lt3A_571, %ne3A_575 : vector<16xi1>
      %and3A_577 = arith.andi %ne3A_576, %ne3A_568 : vector<16xi1>
      %add3A_578 = vector.broadcast %select_n3A_563 : i32 to vector<16xi32>
      %add3A_579 = arith.addi %rem3A_565, %add3A_578 : vector<16xi32>
      %select_n3A_580 = arith.select %and3A_577, %add3A_579, %rem3A_565 : vector<16xi1>, vector<16xi32>
      %add3A_581 = arith.constant 10000 : i32
      %add3A_582 = vector.broadcast %add3A_581 : i32 to vector<16xi32>
      %add3A_583 = arith.addi %add3A_582, %select_n3A_580 : vector<16xi32>
      %select_n3A_584 = arith.select %and3A_526, %get3A_558, %add3A_583 : vector<16xi1>, vector<16xi32>
      %swap3A_585 = arith.index_cast %scan3A_68 : i32 to index
      %swap3A_586 = arith.constant 96 : index
      %swap3A_587 = tpu.vector_load %arg6[%swap3A_585, %swap3A_586] {strides = array<i32>} : memref<160x128xi32, #tpu.memory_space<vmem>>, vector<1x16xi32>,
      %swap3A_588 = vector.shape_cast %swap3A_587 : vector<1x16xi32> to vector<16xi32>
      %swap3A_589 = vector.shape_cast %select_n3A_584 : vector<16xi32> to vector<1x16xi32>
      tpu.vector_store %arg6[%swap3A_585, %swap3A_586], %swap3A_589 {strides = array<i32>} : memref<160x128xi32, #tpu.memory_space<vmem>>, vector<1x16xi32>,
      %get3A_590 = arith.index_cast %scan3A_68 : i32 to index
      %get3A_591 = arith.constant 112 : index
      %get3A_592 = tpu.vector_load %arg7[%get3A_590, %get3A_591] {strides = array<i32>} : memref<160x128xi32, #tpu.memory_space<vmem>>, vector<1x16xi32>,
      %get3A_593 = vector.shape_cast %get3A_592 : vector<1x16xi32> to vector<16xi32>
      %sub3A_594 = vector.broadcast %mul3A_4 : i32 to vector<16xi32>
      %sub3A_595 = arith.subi %get3A_593, %sub3A_594 : vector<16xi32>
      %ge3A_596 = arith.constant 0 : i32
      %ge3A_597 = vector.broadcast %ge3A_596 : i32 to vector<16xi32>
      %ge3A_598 = arith.cmpi sge, %sub3A_595, %ge3A_597 : vector<16xi32>
      %lt3A_599 = arith.constant 5120 : i32
      %lt3A_600 = vector.broadcast %lt3A_599 : i32 to vector<16xi32>
      %lt3A_601 = arith.cmpi slt, %sub3A_595, %lt3A_600 : vector<16xi32>
      %and3A_602 = arith.andi %ge3A_598, %lt3A_601 : vector<16xi1>
      %mul3A_603 = arith.constant 128 : i32
      %mul3A_604 = arith.muli %scan3A_68, %mul3A_603 : i32
      %add3A_605 = arith.constant 112 : i32
      %add3A_606 = arith.addi %mul3A_604, %add3A_605 : i32
      %jit3A_607 = arith.constant 4096 : i32
      %eq3A_608 = arith.constant 0 : i32
      %eq3A_609 = arith.cmpi eq, %jit3A_607, %eq3A_608 : i32
      %jit3A_610 = arith.constant 1 : i32
      %select_n3A_611 = arith.select %eq3A_609, %jit3A_610, %jit3A_607 : i32
      %rem3A_612 = arith.remsi %add3A_606, %select_n3A_611 : i32
      %ne3A_613 = arith.constant 0 : i32
      %ne3A_614 = arith.cmpi ne, %rem3A_612, %ne3A_613 : i32
      %lt3A_615 = arith.constant 0 : i32
      %lt3A_616 = arith.cmpi slt, %rem3A_612, %lt3A_615 : i32
      %lt3A_617 = arith.constant 0 : i32
      %lt3A_618 = arith.cmpi slt, %select_n3A_611, %lt3A_617 : i32
      %ne3A_619 = arith.xori %lt3A_616, %lt3A_618 : i1
      %and3A_620 = arith.andi %ne3A_619, %ne3A_614 : i1
      %add3A_621 = arith.addi %rem3A_612, %select_n3A_611 : i32
      %select_n3A_622 = arith.select %and3A_620, %add3A_621, %rem3A_612 : i32
      %add3A_623 = vector.broadcast %select_n3A_622 : i32 to vector<16xi32>
      %add3A_624 = arith.addi %add3A_623, %iota3A : vector<16xi32>
      %select_n3A_625 = arith.select %and3A_602, %sub3A_595, %add3A_624 : vector<16xi1>, vector<16xi32>
      %swap3A_626 = arith.index_cast %scan3A_68 : i32 to index
      %swap3A_627 = arith.constant 112 : index
      %swap3A_628 = tpu.vector_load %arg7[%swap3A_626, %swap3A_627] {strides = array<i32>} : memref<160x128xi32, #tpu.memory_space<vmem>>, vector<1x16xi32>,
      %swap3A_629 = vector.shape_cast %swap3A_628 : vector<1x16xi32> to vector<16xi32>
      %swap3A_630 = vector.shape_cast %select_n3A_625 : vector<16xi32> to vector<1x16xi32>
      tpu.vector_store %arg7[%swap3A_626, %swap3A_627], %swap3A_630 {strides = array<i32>} : memref<160x128xi32, #tpu.memory_space<vmem>>, vector<1x16xi32>,
      %get3A_631 = arith.index_cast %scan3A_68 : i32 to index
      %get3A_632 = arith.constant 112 : index
      %get3A_633 = tpu.vector_load %arg6[%get3A_631, %get3A_632] {strides = array<i32>} : memref<160x128xi32, #tpu.memory_space<vmem>>, vector<1x16xi32>,
      %get3A_634 = vector.shape_cast %get3A_633 : vector<1x16xi32> to vector<16xi32>
      %jit3A_635 = arith.constant 240 : i32
      %eq3A_636 = arith.constant 0 : i32
      %eq3A_637 = arith.cmpi eq, %jit3A_635, %eq3A_636 : i32
      %jit3A_638 = arith.constant 1 : i32
      %select_n3A_639 = arith.select %eq3A_637, %jit3A_638, %jit3A_635 : i32
      %rem3A_640 = vector.broadcast %select_n3A_639 : i32 to vector<16xi32>
      %rem3A_641 = arith.remsi %add3A_624, %rem3A_640 : vector<16xi32>
      %ne3A_642 = arith.constant 0 : i32
      %ne3A_643 = vector.broadcast %ne3A_642 : i32 to vector<16xi32>
      %ne3A_644 = arith.cmpi ne, %rem3A_641, %ne3A_643 : vector<16xi32>
      %lt3A_645 = arith.constant 0 : i32
      %lt3A_646 = vector.broadcast %lt3A_645 : i32 to vector<16xi32>
      %lt3A_647 = arith.cmpi slt, %rem3A_641, %lt3A_646 : vector<16xi32>
      %lt3A_648 = arith.constant 0 : i32
      %lt3A_649 = arith.cmpi slt, %select_n3A_639, %lt3A_648 : i32
      %ne3A_650 = vector.broadcast %lt3A_649 : i1 to vector<16xi1>
      %ne3A_651 = vector.broadcast %ne3A_650 : vector<16xi1> to vector<16xi1>
      %ne3A_652 = arith.xori %lt3A_647, %ne3A_651 : vector<16xi1>
      %and3A_653 = arith.andi %ne3A_652, %ne3A_644 : vector<16xi1>
      %add3A_654 = vector.broadcast %select_n3A_639 : i32 to vector<16xi32>
      %add3A_655 = arith.addi %rem3A_641, %add3A_654 : vector<16xi32>
      %select_n3A_656 = arith.select %and3A_653, %add3A_655, %rem3A_641 : vector<16xi1>, vector<16xi32>
      %add3A_657 = arith.constant 10000 : i32
      %add3A_658 = vector.broadcast %add3A_657 : i32 to vector<16xi32>
      %add3A_659 = arith.addi %add3A_658, %select_n3A_656 : vector<16xi32>
      %select_n3A_660 = arith.select %and3A_602, %get3A_634, %add3A_659 : vector<16xi1>, vector<16xi32>
      %swap3A_661 = arith.index_cast %scan3A_68 : i32 to index
      %swap3A_662 = arith.constant 112 : index
      %swap3A_663 = tpu.vector_load %arg6[%swap3A_661, %swap3A_662] {strides = array<i32>} : memref<160x128xi32, #tpu.memory_space<vmem>>, vector<1x16xi32>,
      %swap3A_664 = vector.shape_cast %swap3A_663 : vector<1x16xi32> to vector<16xi32>
      %swap3A_665 = vector.shape_cast %select_n3A_660 : vector<16xi32> to vector<1x16xi32>
      tpu.vector_store %arg6[%swap3A_661, %swap3A_662], %swap3A_665 {strides = array<i32>} : memref<160x128xi32, #tpu.memory_space<vmem>>, vector<1x16xi32>,
    }
    %scan3A_9 = arith.constant 160 : i32
    %scan3A_10 = arith.constant 0 : i32
    %scan3A_11 = arith.constant 0 : i32
    %scan3A_12 = arith.constant 128 : i32
    %scan3A_13 = arith.addi %scan3A_11, %scan3A_12 : i32
    %scan3A_14 = arith.constant 1 : i32
    scf.for %scan3A_68 = %scan3A_11 to %scan3A_13 step %scan3A_14  : i32 {
      %broadcast_in_dim3A = arith.constant 0.000000e+00 : f32
      %broadcast_in_dim3A_69 = vector.broadcast %broadcast_in_dim3A : f32 to vector<16xf32>
      %swap3A = arith.index_cast %scan3A_68 : i32 to index
      %swap3A_70 = arith.constant 0 : index
      %swap3A_71 = tpu.vector_load %arg10[%swap3A, %swap3A_70] {strides = array<i32>} : memref<128x128xf32, #tpu.memory_space<vmem>>, vector<1x16xf32>,
      %swap3A_72 = vector.shape_cast %swap3A_71 : vector<1x16xf32> to vector<16xf32>
      %swap3A_73 = vector.shape_cast %broadcast_in_dim3A_69 : vector<16xf32> to vector<1x16xf32>
      tpu.vector_store %arg10[%swap3A, %swap3A_70], %swap3A_73 {strides = array<i32>} : memref<128x128xf32, #tpu.memory_space<vmem>>, vector<1x16xf32>,
      %broadcast_in_dim3A_74 = arith.constant 0.000000e+00 : f32
      %broadcast_in_dim3A_75 = vector.broadcast %broadcast_in_dim3A_74 : f32 to vector<16xf32>
      %swap3A_76 = arith.index_cast %scan3A_68 : i32 to index
      %swap3A_77 = arith.constant 16 : index
      %swap3A_78 = tpu.vector_load %arg10[%swap3A_76, %swap3A_77] {strides = array<i32>} : memref<128x128xf32, #tpu.memory_space<vmem>>, vector<1x16xf32>,
      %swap3A_79 = vector.shape_cast %swap3A_78 : vector<1x16xf32> to vector<16xf32>
      %swap3A_80 = vector.shape_cast %broadcast_in_dim3A_75 : vector<16xf32> to vector<1x16xf32>
      tpu.vector_store %arg10[%swap3A_76, %swap3A_77], %swap3A_80 {strides = array<i32>} : memref<128x128xf32, #tpu.memory_space<vmem>>, vector<1x16xf32>,
      %broadcast_in_dim3A_81 = arith.constant 0.000000e+00 : f32
      %broadcast_in_dim3A_82 = vector.broadcast %broadcast_in_dim3A_81 : f32 to vector<16xf32>
      %swap3A_83 = arith.index_cast %scan3A_68 : i32 to index
      %swap3A_84 = arith.constant 32 : index
      %swap3A_85 = tpu.vector_load %arg10[%swap3A_83, %swap3A_84] {strides = array<i32>} : memref<128x128xf32, #tpu.memory_space<vmem>>, vector<1x16xf32>,
      %swap3A_86 = vector.shape_cast %swap3A_85 : vector<1x16xf32> to vector<16xf32>
      %swap3A_87 = vector.shape_cast %broadcast_in_dim3A_82 : vector<16xf32> to vector<1x16xf32>
      tpu.vector_store %arg10[%swap3A_83, %swap3A_84], %swap3A_87 {strides = array<i32>} : memref<128x128xf32, #tpu.memory_space<vmem>>, vector<1x16xf32>,
      %broadcast_in_dim3A_88 = arith.constant 0.000000e+00 : f32
      %broadcast_in_dim3A_89 = vector.broadcast %broadcast_in_dim3A_88 : f32 to vector<16xf32>
      %swap3A_90 = arith.index_cast %scan3A_68 : i32 to index
      %swap3A_91 = arith.constant 48 : index
      %swap3A_92 = tpu.vector_load %arg10[%swap3A_90, %swap3A_91] {strides = array<i32>} : memref<128x128xf32, #tpu.memory_space<vmem>>, vector<1x16xf32>,
      %swap3A_93 = vector.shape_cast %swap3A_92 : vector<1x16xf32> to vector<16xf32>
      %swap3A_94 = vector.shape_cast %broadcast_in_dim3A_89 : vector<16xf32> to vector<1x16xf32>
      tpu.vector_store %arg10[%swap3A_90, %swap3A_91], %swap3A_94 {strides = array<i32>} : memref<128x128xf32, #tpu.memory_space<vmem>>, vector<1x16xf32>,
      %broadcast_in_dim3A_95 = arith.constant 0.000000e+00 : f32
      %broadcast_in_dim3A_96 = vector.broadcast %broadcast_in_dim3A_95 : f32 to vector<16xf32>
      %swap3A_97 = arith.index_cast %scan3A_68 : i32 to index
      %swap3A_98 = arith.constant 64 : index
      %swap3A_99 = tpu.vector_load %arg10[%swap3A_97, %swap3A_98] {strides = array<i32>} : memref<128x128xf32, #tpu.memory_space<vmem>>, vector<1x16xf32>,
      %swap3A_100 = vector.shape_cast %swap3A_99 : vector<1x16xf32> to vector<16xf32>
      %swap3A_101 = vector.shape_cast %broadcast_in_dim3A_96 : vector<16xf32> to vector<1x16xf32>
      tpu.vector_store %arg10[%swap3A_97, %swap3A_98], %swap3A_101 {strides = array<i32>} : memref<128x128xf32, #tpu.memory_space<vmem>>, vector<1x16xf32>,
      %broadcast_in_dim3A_102 = arith.constant 0.000000e+00 : f32
      %broadcast_in_dim3A_103 = vector.broadcast %broadcast_in_dim3A_102 : f32 to vector<16xf32>
      %swap3A_104 = arith.index_cast %scan3A_68 : i32 to index
      %swap3A_105 = arith.constant 80 : index
      %swap3A_106 = tpu.vector_load %arg10[%swap3A_104, %swap3A_105] {strides = array<i32>} : memref<128x128xf32, #tpu.memory_space<vmem>>, vector<1x16xf32>,
      %swap3A_107 = vector.shape_cast %swap3A_106 : vector<1x16xf32> to vector<16xf32>
      %swap3A_108 = vector.shape_cast %broadcast_in_dim3A_103 : vector<16xf32> to vector<1x16xf32>
      tpu.vector_store %arg10[%swap3A_104, %swap3A_105], %swap3A_108 {strides = array<i32>} : memref<128x128xf32, #tpu.memory_space<vmem>>, vector<1x16xf32>,
      %broadcast_in_dim3A_109 = arith.constant 0.000000e+00 : f32
      %broadcast_in_dim3A_110 = vector.broadcast %broadcast_in_dim3A_109 : f32 to vector<16xf32>
      %swap3A_111 = arith.index_cast %scan3A_68 : i32 to index
      %swap3A_112 = arith.constant 96 : index
      %swap3A_113 = tpu.vector_load %arg10[%swap3A_111, %swap3A_112] {strides = array<i32>} : memref<128x128xf32, #tpu.memory_space<vmem>>, vector<1x16xf32>,
      %swap3A_114 = vector.shape_cast %swap3A_113 : vector<1x16xf32> to vector<16xf32>
      %swap3A_115 = vector.shape_cast %broadcast_in_dim3A_110 : vector<16xf32> to vector<1x16xf32>
      tpu.vector_store %arg10[%swap3A_111, %swap3A_112], %swap3A_115 {strides = array<i32>} : memref<128x128xf32, #tpu.memory_space<vmem>>, vector<1x16xf32>,
      %broadcast_in_dim3A_116 = arith.constant 0.000000e+00 : f32
      %broadcast_in_dim3A_117 = vector.broadcast %broadcast_in_dim3A_116 : f32 to vector<16xf32>
      %swap3A_118 = arith.index_cast %scan3A_68 : i32 to index
      %swap3A_119 = arith.constant 112 : index
      %swap3A_120 = tpu.vector_load %arg10[%swap3A_118, %swap3A_119] {strides = array<i32>} : memref<128x128xf32, #tpu.memory_space<vmem>>, vector<1x16xf32>,
      %swap3A_121 = vector.shape_cast %swap3A_120 : vector<1x16xf32> to vector<16xf32>
      %swap3A_122 = vector.shape_cast %broadcast_in_dim3A_117 : vector<16xf32> to vector<1x16xf32>
      tpu.vector_store %arg10[%swap3A_118, %swap3A_119], %swap3A_122 {strides = array<i32>} : memref<128x128xf32, #tpu.memory_space<vmem>>, vector<1x16xf32>,
    }
    %scan3A_15 = arith.constant 128 : i32
    %mul3A_16 = arith.constant 320 : i32
    %mul3A_17 = arith.muli %arg1, %mul3A_16 : i32
    %add3A = arith.constant 0 : i32
    %add3A_18 = arith.addi %mul3A_17, %add3A : i32
    "tpu.region"() ({
      %run_scoped3A_68 = tpu.sem_alloc : memref<!tpu.dma_semaphore, #tpu.memory_space<semaphore_mem>>
      %dma_start3A_69 = arith.constant 0 : i32
      %dma_start3A_70 = tpu.memref_slice %arg11[%add3A_18, %dma_start3A_69] : memref<5120x128xf32, #tpu.memory_space<vmem_shared>> -> memref<128x128xf32, #tpu.memory_space<vmem_shared>>
      %dma_start3A_71 = arith.constant 0 : i32
      %dma_start3A_72 = tpu.memref_slice %arg11[%add3A_18, %dma_start3A_71] : memref<5120x128xf32, #tpu.memory_space<vmem_shared>> -> memref<128x128xf32, #tpu.memory_space<vmem_shared>>
      tpu.enqueue_dma source(%arg10 : memref<128x128xf32, #tpu.memory_space<vmem>>) target(%dma_start3A_72 : memref<128x128xf32, #tpu.memory_space<vmem_shared>>) target_semaphore(%run_scoped3A_68 : memref<!tpu.dma_semaphore, #tpu.memory_space<semaphore_mem>>)
      %dma_wait3A_73 = arith.constant 0 : i32
      %dma_wait3A_74 = tpu.memref_slice %arg11[%add3A_18, %dma_wait3A_73] : memref<5120x128xf32, #tpu.memory_space<vmem_shared>> -> memref<128x128xf32, #tpu.memory_space<vmem_shared>>
      %dma_wait3A_75 = arith.constant 0 : i32
      %dma_wait3A_76 = tpu.memref_slice %arg11[%add3A_18, %dma_wait3A_75] : memref<5120x128xf32, #tpu.memory_space<vmem_shared>> -> memref<128x128xf32, #tpu.memory_space<vmem_shared>>
      tpu.wait_dma2 semaphore(%run_scoped3A_68 : memref<!tpu.dma_semaphore, #tpu.memory_space<semaphore_mem>>) src(%arg10 : memref<128x128xf32, #tpu.memory_space<vmem>>) dst(%dma_wait3A_76 : memref<128x128xf32, #tpu.memory_space<vmem_shared>>)
      tpu.yield
    }) : () -> ()
    %mul3A_19 = arith.constant 320 : i32
    %mul3A_20 = arith.muli %arg1, %mul3A_19 : i32
    %add3A_21 = arith.constant 128 : i32
    %add3A_22 = arith.addi %mul3A_20, %add3A_21 : i32
    "tpu.region"() ({
      %run_scoped3A_68 = tpu.sem_alloc : memref<!tpu.dma_semaphore, #tpu.memory_space<semaphore_mem>>
      %dma_start3A_69 = arith.constant 0 : i32
      %dma_start3A_70 = tpu.memref_slice %arg11[%add3A_22, %dma_start3A_69] : memref<5120x128xf32, #tpu.memory_space<vmem_shared>> -> memref<128x128xf32, #tpu.memory_space<vmem_shared>>
      %dma_start3A_71 = arith.constant 0 : i32
      %dma_start3A_72 = tpu.memref_slice %arg11[%add3A_22, %dma_start3A_71] : memref<5120x128xf32, #tpu.memory_space<vmem_shared>> -> memref<128x128xf32, #tpu.memory_space<vmem_shared>>
      tpu.enqueue_dma source(%arg10 : memref<128x128xf32, #tpu.memory_space<vmem>>) target(%dma_start3A_72 : memref<128x128xf32, #tpu.memory_space<vmem_shared>>) target_semaphore(%run_scoped3A_68 : memref<!tpu.dma_semaphore, #tpu.memory_space<semaphore_mem>>)
      %dma_wait3A_73 = arith.constant 0 : i32
      %dma_wait3A_74 = tpu.memref_slice %arg11[%add3A_22, %dma_wait3A_73] : memref<5120x128xf32, #tpu.memory_space<vmem_shared>> -> memref<128x128xf32, #tpu.memory_space<vmem_shared>>
      %dma_wait3A_75 = arith.constant 0 : i32
      %dma_wait3A_76 = tpu.memref_slice %arg11[%add3A_22, %dma_wait3A_75] : memref<5120x128xf32, #tpu.memory_space<vmem_shared>> -> memref<128x128xf32, #tpu.memory_space<vmem_shared>>
      tpu.wait_dma2 semaphore(%run_scoped3A_68 : memref<!tpu.dma_semaphore, #tpu.memory_space<semaphore_mem>>) src(%arg10 : memref<128x128xf32, #tpu.memory_space<vmem>>) dst(%dma_wait3A_76 : memref<128x128xf32, #tpu.memory_space<vmem_shared>>)
      tpu.yield
    }) : () -> ()
    %mul3A_23 = arith.constant 320 : i32
    %mul3A_24 = arith.muli %arg1, %mul3A_23 : i32
    %add3A_25 = arith.constant 256 : i32
    %add3A_26 = arith.addi %mul3A_24, %add3A_25 : i32
    "tpu.region"() ({
      %run_scoped3A_68 = tpu.sem_alloc : memref<!tpu.dma_semaphore, #tpu.memory_space<semaphore_mem>>
      %dma_start3A_69 = arith.constant 0 : i32
      %dma_start3A_70 = arith.constant 0 : i32
      %dma_start3A_71 = tpu.memref_slice %arg10[%dma_start3A_69, %dma_start3A_70] : memref<128x128xf32, #tpu.memory_space<vmem>> -> memref<64x128xf32, #tpu.memory_space<vmem>>
      %dma_start3A_72 = arith.constant 0 : i32
      %dma_start3A_73 = tpu.memref_slice %arg11[%add3A_26, %dma_start3A_72] : memref<5120x128xf32, #tpu.memory_space<vmem_shared>> -> memref<64x128xf32, #tpu.memory_space<vmem_shared>>
      %dma_start3A_74 = arith.constant 0 : i32
      %dma_start3A_75 = tpu.memref_slice %arg11[%add3A_26, %dma_start3A_74] : memref<5120x128xf32, #tpu.memory_space<vmem_shared>> -> memref<64x128xf32, #tpu.memory_space<vmem_shared>>
      %dma_start3A_76 = arith.constant 0 : i32
      %dma_start3A_77 = arith.constant 0 : i32
      %dma_start3A_78 = tpu.memref_slice %arg10[%dma_start3A_76, %dma_start3A_77] : memref<128x128xf32, #tpu.memory_space<vmem>> -> memref<64x128xf32, #tpu.memory_space<vmem>>
      tpu.enqueue_dma source(%dma_start3A_78 : memref<64x128xf32, #tpu.memory_space<vmem>>) target(%dma_start3A_75 : memref<64x128xf32, #tpu.memory_space<vmem_shared>>) target_semaphore(%run_scoped3A_68 : memref<!tpu.dma_semaphore, #tpu.memory_space<semaphore_mem>>)
      %dma_wait3A_79 = arith.constant 0 : i32
      %dma_wait3A_80 = arith.constant 0 : i32
      %dma_wait3A_81 = tpu.memref_slice %arg10[%dma_wait3A_79, %dma_wait3A_80] : memref<128x128xf32, #tpu.memory_space<vmem>> -> memref<64x128xf32, #tpu.memory_space<vmem>>
      %dma_wait3A_82 = arith.constant 0 : i32
      %dma_wait3A_83 = tpu.memref_slice %arg11[%add3A_26, %dma_wait3A_82] : memref<5120x128xf32, #tpu.memory_space<vmem_shared>> -> memref<64x128xf32, #tpu.memory_space<vmem_shared>>
      %dma_wait3A_84 = arith.constant 0 : i32
      %dma_wait3A_85 = tpu.memref_slice %arg11[%add3A_26, %dma_wait3A_84] : memref<5120x128xf32, #tpu.memory_space<vmem_shared>> -> memref<64x128xf32, #tpu.memory_space<vmem_shared>>
      %dma_wait3A_86 = arith.constant 0 : i32
      %dma_wait3A_87 = arith.constant 0 : i32
      %dma_wait3A_88 = tpu.memref_slice %arg10[%dma_wait3A_86, %dma_wait3A_87] : memref<128x128xf32, #tpu.memory_space<vmem>> -> memref<64x128xf32, #tpu.memory_space<vmem>>
      tpu.wait_dma2 semaphore(%run_scoped3A_68 : memref<!tpu.dma_semaphore, #tpu.memory_space<semaphore_mem>>) src(%dma_wait3A_88 : memref<64x128xf32, #tpu.memory_space<vmem>>) dst(%dma_wait3A_85 : memref<64x128xf32, #tpu.memory_space<vmem_shared>>)
      tpu.yield
    }) : () -> ()
    %barrier3A = arith.constant 0 : index
    tpu.barrier barrier_id(%barrier3A)
    %dma_start3A = arith.constant 0 : i32
    %dma_start3A_27 = arith.constant 0 : i32
    %dma_start3A_28 = tpu.memref_slice %arg6[%dma_start3A, %dma_start3A_27] : memref<160x128xi32, #tpu.memory_space<vmem>> -> memref<1x128xi32, #tpu.memory_space<vmem>>
    %dma_start3A_29 = tpu.memref_squeeze %dma_start3A_28 : memref<1x128xi32, #tpu.memory_space<vmem>> -> memref<128xi32, #tpu.memory_space<vmem>>
    %dma_start3A_30 = arith.constant 0 : i32
    %dma_start3A_31 = arith.constant 0 : i32
    %dma_start3A_32 = tpu.memref_slice %arg2[%dma_start3A_30, %dma_start3A_31] : memref<10240x128xf32, #tpu.memory_space<hbm>> -> memref<10240x128xf32, #tpu.memory_space<hbm>>
    tpu.enqueue_indirect_dma source(%dma_start3A_32 : memref<10240x128xf32, #tpu.memory_space<hbm>>) target(%arg8 : memref<128x128xf32, #tpu.memory_space<vmem>>) offsets(%dma_start3A_29 : memref<128xi32, #tpu.memory_space<vmem>>) semaphore(%arg12 : memref<!tpu.dma_semaphore, #tpu.memory_space<semaphore_mem>>)
    %scan3A_33 = arith.constant 0 : i32
    %scan3A_34 = arith.constant 0 : i32
    %scan3A_35 = arith.constant 79 : i32
    %scan3A_36 = arith.addi %scan3A_34, %scan3A_35 : i32
    %scan3A_37 = arith.constant 1 : i32
    scf.for %scan3A_68 = %scan3A_34 to %scan3A_36 step %scan3A_37  : i32 {
      %mul3A_69 = arith.constant 2 : i32
      %mul3A_70 = arith.muli %mul3A_69, %scan3A_68 : i32
      %add3A_71 = arith.constant 1 : i32
      %add3A_72 = arith.addi %mul3A_70, %add3A_71 : i32
      %dma_start3A_73 = arith.constant 0 : i32
      %dma_start3A_74 = tpu.memref_slice %arg6[%add3A_72, %dma_start3A_73] : memref<160x128xi32, #tpu.memory_space<vmem>> -> memref<1x128xi32, #tpu.memory_space<vmem>>
      %dma_start3A_75 = tpu.memref_squeeze %dma_start3A_74 : memref<1x128xi32, #tpu.memory_space<vmem>> -> memref<128xi32, #tpu.memory_space<vmem>>
      %dma_start3A_76 = arith.constant 0 : i32
      %dma_start3A_77 = arith.constant 0 : i32
      %dma_start3A_78 = tpu.memref_slice %arg2[%dma_start3A_76, %dma_start3A_77] : memref<10240x128xf32, #tpu.memory_space<hbm>> -> memref<10240x128xf32, #tpu.memory_space<hbm>>
      tpu.enqueue_indirect_dma source(%dma_start3A_78 : memref<10240x128xf32, #tpu.memory_space<hbm>>) target(%arg9 : memref<128x128xf32, #tpu.memory_space<vmem>>) offsets(%dma_start3A_75 : memref<128xi32, #tpu.memory_space<vmem>>) semaphore(%arg13 : memref<!tpu.dma_semaphore, #tpu.memory_space<semaphore_mem>>)
      %dma_wait3A_79 = arith.constant 0 : i32
      %dma_wait3A_80 = tpu.memref_slice %arg6[%mul3A_70, %dma_wait3A_79] : memref<160x128xi32, #tpu.memory_space<vmem>> -> memref<1x128xi32, #tpu.memory_space<vmem>>
      %dma_wait3A_81 = tpu.memref_squeeze %dma_wait3A_80 : memref<1x128xi32, #tpu.memory_space<vmem>> -> memref<128xi32, #tpu.memory_space<vmem>>
      %dma_wait3A_82 = arith.constant 0 : i32
      %dma_wait3A_83 = arith.constant 0 : i32
      %dma_wait3A_84 = tpu.memref_slice %arg2[%dma_wait3A_82, %dma_wait3A_83] : memref<10240x128xf32, #tpu.memory_space<hbm>> -> memref<10240x128xf32, #tpu.memory_space<hbm>>
      tpu.wait_indirect_dma semaphore(%arg12 : memref<!tpu.dma_semaphore, #tpu.memory_space<semaphore_mem>>) src(%dma_wait3A_84 : memref<10240x128xf32, #tpu.memory_space<hbm>>) dst(%arg8 : memref<128x128xf32, #tpu.memory_space<vmem>>)
      "tpu.region"() ({
        %run_scoped3A_103 = tpu.sem_alloc : memref<!tpu.dma_semaphore, #tpu.memory_space<semaphore_mem>>
        %dma_start3A_104 = arith.constant 0 : i32
        %dma_start3A_105 = tpu.memref_slice %arg7[%mul3A_70, %dma_start3A_104] : memref<160x128xi32, #tpu.memory_space<vmem>> -> memref<1x128xi32, #tpu.memory_space<vmem>>
        %dma_start3A_106 = tpu.memref_squeeze %dma_start3A_105 : memref<1x128xi32, #tpu.memory_space<vmem>> -> memref<128xi32, #tpu.memory_space<vmem>>
        %dma_start3A_107 = arith.constant 0 : i32
        %dma_start3A_108 = arith.constant 0 : i32
        %dma_start3A_109 = tpu.memref_slice %arg11[%dma_start3A_107, %dma_start3A_108] : memref<5120x128xf32, #tpu.memory_space<vmem_shared>> -> memref<5120x128xf32, #tpu.memory_space<vmem_shared>>
        tpu.enqueue_indirect_dma source(%arg8 : memref<128x128xf32, #tpu.memory_space<vmem>>) target(%dma_start3A_109 : memref<5120x128xf32, #tpu.memory_space<vmem_shared>>) offsets(%dma_start3A_106 : memref<128xi32, #tpu.memory_space<vmem>>) semaphore(%run_scoped3A_103 : memref<!tpu.dma_semaphore, #tpu.memory_space<semaphore_mem>>) {add = true}
        %dma_wait3A_110 = arith.constant 0 : i32
        %dma_wait3A_111 = tpu.memref_slice %arg7[%mul3A_70, %dma_wait3A_110] : memref<160x128xi32, #tpu.memory_space<vmem>> -> memref<1x128xi32, #tpu.memory_space<vmem>>
        %dma_wait3A_112 = tpu.memref_squeeze %dma_wait3A_111 : memref<1x128xi32, #tpu.memory_space<vmem>> -> memref<128xi32, #tpu.memory_space<vmem>>
        %dma_wait3A_113 = arith.constant 0 : i32
        %dma_wait3A_114 = arith.constant 0 : i32
        %dma_wait3A_115 = tpu.memref_slice %arg11[%dma_wait3A_113, %dma_wait3A_114] : memref<5120x128xf32, #tpu.memory_space<vmem_shared>> -> memref<5120x128xf32, #tpu.memory_space<vmem_shared>>
        tpu.wait_indirect_dma semaphore(%run_scoped3A_103 : memref<!tpu.dma_semaphore, #tpu.memory_space<semaphore_mem>>) src(%arg8 : memref<128x128xf32, #tpu.memory_space<vmem>>) dst(%dma_wait3A_115 : memref<5120x128xf32, #tpu.memory_space<vmem_shared>>)
        tpu.yield
      }) : () -> ()
      %add3A_85 = arith.constant 2 : i32
      %add3A_86 = arith.addi %mul3A_70, %add3A_85 : i32
      %dma_start3A_87 = arith.constant 0 : i32
      %dma_start3A_88 = tpu.memref_slice %arg6[%add3A_86, %dma_start3A_87] : memref<160x128xi32, #tpu.memory_space<vmem>> -> memref<1x128xi32, #tpu.memory_space<vmem>>
      %dma_start3A_89 = tpu.memref_squeeze %dma_start3A_88 : memref<1x128xi32, #tpu.memory_space<vmem>> -> memref<128xi32, #tpu.memory_space<vmem>>
      %dma_start3A_90 = arith.constant 0 : i32
      %dma_start3A_91 = arith.constant 0 : i32
      %dma_start3A_92 = tpu.memref_slice %arg2[%dma_start3A_90, %dma_start3A_91] : memref<10240x128xf32, #tpu.memory_space<hbm>> -> memref<10240x128xf32, #tpu.memory_space<hbm>>
      tpu.enqueue_indirect_dma source(%dma_start3A_92 : memref<10240x128xf32, #tpu.memory_space<hbm>>) target(%arg8 : memref<128x128xf32, #tpu.memory_space<vmem>>) offsets(%dma_start3A_89 : memref<128xi32, #tpu.memory_space<vmem>>) semaphore(%arg12 : memref<!tpu.dma_semaphore, #tpu.memory_space<semaphore_mem>>)
      %add3A_93 = arith.constant 1 : i32
      %add3A_94 = arith.addi %mul3A_70, %add3A_93 : i32
      %dma_wait3A_95 = arith.constant 0 : i32
      %dma_wait3A_96 = tpu.memref_slice %arg6[%add3A_94, %dma_wait3A_95] : memref<160x128xi32, #tpu.memory_space<vmem>> -> memref<1x128xi32, #tpu.memory_space<vmem>>
      %dma_wait3A_97 = tpu.memref_squeeze %dma_wait3A_96 : memref<1x128xi32, #tpu.memory_space<vmem>> -> memref<128xi32, #tpu.memory_space<vmem>>
      %dma_wait3A_98 = arith.constant 0 : i32
      %dma_wait3A_99 = arith.constant 0 : i32
      %dma_wait3A_100 = tpu.memref_slice %arg2[%dma_wait3A_98, %dma_wait3A_99] : memref<10240x128xf32, #tpu.memory_space<hbm>> -> memref<10240x128xf32, #tpu.memory_space<hbm>>
      tpu.wait_indirect_dma semaphore(%arg13 : memref<!tpu.dma_semaphore, #tpu.memory_space<semaphore_mem>>) src(%dma_wait3A_100 : memref<10240x128xf32, #tpu.memory_space<hbm>>) dst(%arg9 : memref<128x128xf32, #tpu.memory_space<vmem>>)
      %add3A_101 = arith.constant 1 : i32
      %add3A_102 = arith.addi %mul3A_70, %add3A_101 : i32
      "tpu.region"() ({
        %run_scoped3A_103 = tpu.sem_alloc : memref<!tpu.dma_semaphore, #tpu.memory_space<semaphore_mem>>
        %dma_start3A_104 = arith.constant 0 : i32
        %dma_start3A_105 = tpu.memref_slice %arg7[%add3A_102, %dma_start3A_104] : memref<160x128xi32, #tpu.memory_space<vmem>> -> memref<1x128xi32, #tpu.memory_space<vmem>>
        %dma_start3A_106 = tpu.memref_squeeze %dma_start3A_105 : memref<1x128xi32, #tpu.memory_space<vmem>> -> memref<128xi32, #tpu.memory_space<vmem>>
        %dma_start3A_107 = arith.constant 0 : i32
        %dma_start3A_108 = arith.constant 0 : i32
        %dma_start3A_109 = tpu.memref_slice %arg11[%dma_start3A_107, %dma_start3A_108] : memref<5120x128xf32, #tpu.memory_space<vmem_shared>> -> memref<5120x128xf32, #tpu.memory_space<vmem_shared>>
        tpu.enqueue_indirect_dma source(%arg9 : memref<128x128xf32, #tpu.memory_space<vmem>>) target(%dma_start3A_109 : memref<5120x128xf32, #tpu.memory_space<vmem_shared>>) offsets(%dma_start3A_106 : memref<128xi32, #tpu.memory_space<vmem>>) semaphore(%run_scoped3A_103 : memref<!tpu.dma_semaphore, #tpu.memory_space<semaphore_mem>>) {add = true}
        %dma_wait3A_110 = arith.constant 0 : i32
        %dma_wait3A_111 = tpu.memref_slice %arg7[%add3A_102, %dma_wait3A_110] : memref<160x128xi32, #tpu.memory_space<vmem>> -> memref<1x128xi32, #tpu.memory_space<vmem>>
        %dma_wait3A_112 = tpu.memref_squeeze %dma_wait3A_111 : memref<1x128xi32, #tpu.memory_space<vmem>> -> memref<128xi32, #tpu.memory_space<vmem>>
        %dma_wait3A_113 = arith.constant 0 : i32
        %dma_wait3A_114 = arith.constant 0 : i32
        %dma_wait3A_115 = tpu.memref_slice %arg11[%dma_wait3A_113, %dma_wait3A_114] : memref<5120x128xf32, #tpu.memory_space<vmem_shared>> -> memref<5120x128xf32, #tpu.memory_space<vmem_shared>>
        tpu.wait_indirect_dma semaphore(%run_scoped3A_103 : memref<!tpu.dma_semaphore, #tpu.memory_space<semaphore_mem>>) src(%arg9 : memref<128x128xf32, #tpu.memory_space<vmem>>) dst(%dma_wait3A_115 : memref<5120x128xf32, #tpu.memory_space<vmem_shared>>)
        tpu.yield
      }) : () -> ()
    }
    %scan3A_38 = arith.constant 79 : i32
    %dma_start3A_39 = arith.constant 159 : i32
    %dma_start3A_40 = arith.constant 0 : i32
    %dma_start3A_41 = tpu.memref_slice %arg6[%dma_start3A_39, %dma_start3A_40] : memref<160x128xi32, #tpu.memory_space<vmem>> -> memref<1x128xi32, #tpu.memory_space<vmem>>
    %dma_start3A_42 = tpu.memref_squeeze %dma_start3A_41 : memref<1x128xi32, #tpu.memory_space<vmem>> -> memref<128xi32, #tpu.memory_space<vmem>>
    %dma_start3A_43 = arith.constant 0 : i32
    %dma_start3A_44 = arith.constant 0 : i32
    %dma_start3A_45 = tpu.memref_slice %arg2[%dma_start3A_43, %dma_start3A_44] : memref<10240x128xf32, #tpu.memory_space<hbm>> -> memref<10240x128xf32, #tpu.memory_space<hbm>>
    tpu.enqueue_indirect_dma source(%dma_start3A_45 : memref<10240x128xf32, #tpu.memory_space<hbm>>) target(%arg9 : memref<128x128xf32, #tpu.memory_space<vmem>>) offsets(%dma_start3A_42 : memref<128xi32, #tpu.memory_space<vmem>>) semaphore(%arg13 : memref<!tpu.dma_semaphore, #tpu.memory_space<semaphore_mem>>)
    %dma_wait3A = arith.constant 158 : i32
    %dma_wait3A_46 = arith.constant 0 : i32
    %dma_wait3A_47 = tpu.memref_slice %arg6[%dma_wait3A, %dma_wait3A_46] : memref<160x128xi32, #tpu.memory_space<vmem>> -> memref<1x128xi32, #tpu.memory_space<vmem>>
    %dma_wait3A_48 = tpu.memref_squeeze %dma_wait3A_47 : memref<1x128xi32, #tpu.memory_space<vmem>> -> memref<128xi32, #tpu.memory_space<vmem>>
    %dma_wait3A_49 = arith.constant 0 : i32
    %dma_wait3A_50 = arith.constant 0 : i32
    %dma_wait3A_51 = tpu.memref_slice %arg2[%dma_wait3A_49, %dma_wait3A_50] : memref<10240x128xf32, #tpu.memory_space<hbm>> -> memref<10240x128xf32, #tpu.memory_space<hbm>>
    tpu.wait_indirect_dma semaphore(%arg12 : memref<!tpu.dma_semaphore, #tpu.memory_space<semaphore_mem>>) src(%dma_wait3A_51 : memref<10240x128xf32, #tpu.memory_space<hbm>>) dst(%arg8 : memref<128x128xf32, #tpu.memory_space<vmem>>)
    %run_scoped3A = arith.constant 158 : i32
    "tpu.region"() ({
      %run_scoped3A_68 = tpu.sem_alloc : memref<!tpu.dma_semaphore, #tpu.memory_space<semaphore_mem>>
      %dma_start3A_69 = arith.constant 0 : i32
      %dma_start3A_70 = tpu.memref_slice %arg7[%run_scoped3A, %dma_start3A_69] : memref<160x128xi32, #tpu.memory_space<vmem>> -> memref<1x128xi32, #tpu.memory_space<vmem>>
      %dma_start3A_71 = tpu.memref_squeeze %dma_start3A_70 : memref<1x128xi32, #tpu.memory_space<vmem>> -> memref<128xi32, #tpu.memory_space<vmem>>
      %dma_start3A_72 = arith.constant 0 : i32
      %dma_start3A_73 = arith.constant 0 : i32
      %dma_start3A_74 = tpu.memref_slice %arg11[%dma_start3A_72, %dma_start3A_73] : memref<5120x128xf32, #tpu.memory_space<vmem_shared>> -> memref<5120x128xf32, #tpu.memory_space<vmem_shared>>
      tpu.enqueue_indirect_dma source(%arg8 : memref<128x128xf32, #tpu.memory_space<vmem>>) target(%dma_start3A_74 : memref<5120x128xf32, #tpu.memory_space<vmem_shared>>) offsets(%dma_start3A_71 : memref<128xi32, #tpu.memory_space<vmem>>) semaphore(%run_scoped3A_68 : memref<!tpu.dma_semaphore, #tpu.memory_space<semaphore_mem>>) {add = true}
      %dma_wait3A_75 = arith.constant 0 : i32
      %dma_wait3A_76 = tpu.memref_slice %arg7[%run_scoped3A, %dma_wait3A_75] : memref<160x128xi32, #tpu.memory_space<vmem>> -> memref<1x128xi32, #tpu.memory_space<vmem>>
      %dma_wait3A_77 = tpu.memref_squeeze %dma_wait3A_76 : memref<1x128xi32, #tpu.memory_space<vmem>> -> memref<128xi32, #tpu.memory_space<vmem>>
      %dma_wait3A_78 = arith.constant 0 : i32
      %dma_wait3A_79 = arith.constant 0 : i32
      %dma_wait3A_80 = tpu.memref_slice %arg11[%dma_wait3A_78, %dma_wait3A_79] : memref<5120x128xf32, #tpu.memory_space<vmem_shared>> -> memref<5120x128xf32, #tpu.memory_space<vmem_shared>>
      tpu.wait_indirect_dma semaphore(%run_scoped3A_68 : memref<!tpu.dma_semaphore, #tpu.memory_space<semaphore_mem>>) src(%arg8 : memref<128x128xf32, #tpu.memory_space<vmem>>) dst(%dma_wait3A_80 : memref<5120x128xf32, #tpu.memory_space<vmem_shared>>)
      tpu.yield
    }) : () -> ()
    %dma_wait3A_52 = arith.constant 159 : i32
    %dma_wait3A_53 = arith.constant 0 : i32
    %dma_wait3A_54 = tpu.memref_slice %arg6[%dma_wait3A_52, %dma_wait3A_53] : memref<160x128xi32, #tpu.memory_space<vmem>> -> memref<1x128xi32, #tpu.memory_space<vmem>>
    %dma_wait3A_55 = tpu.memref_squeeze %dma_wait3A_54 : memref<1x128xi32, #tpu.memory_space<vmem>> -> memref<128xi32, #tpu.memory_space<vmem>>
    %dma_wait3A_56 = arith.constant 0 : i32
    %dma_wait3A_57 = arith.constant 0 : i32
    %dma_wait3A_58 = tpu.memref_slice %arg2[%dma_wait3A_56, %dma_wait3A_57] : memref<10240x128xf32, #tpu.memory_space<hbm>> -> memref<10240x128xf32, #tpu.memory_space<hbm>>
    tpu.wait_indirect_dma semaphore(%arg13 : memref<!tpu.dma_semaphore, #tpu.memory_space<semaphore_mem>>) src(%dma_wait3A_58 : memref<10240x128xf32, #tpu.memory_space<hbm>>) dst(%arg9 : memref<128x128xf32, #tpu.memory_space<vmem>>)
    %run_scoped3A_59 = arith.constant 159 : i32
    "tpu.region"() ({
      %run_scoped3A_68 = tpu.sem_alloc : memref<!tpu.dma_semaphore, #tpu.memory_space<semaphore_mem>>
      %dma_start3A_69 = arith.constant 0 : i32
      %dma_start3A_70 = tpu.memref_slice %arg7[%run_scoped3A_59, %dma_start3A_69] : memref<160x128xi32, #tpu.memory_space<vmem>> -> memref<1x128xi32, #tpu.memory_space<vmem>>
      %dma_start3A_71 = tpu.memref_squeeze %dma_start3A_70 : memref<1x128xi32, #tpu.memory_space<vmem>> -> memref<128xi32, #tpu.memory_space<vmem>>
      %dma_start3A_72 = arith.constant 0 : i32
      %dma_start3A_73 = arith.constant 0 : i32
      %dma_start3A_74 = tpu.memref_slice %arg11[%dma_start3A_72, %dma_start3A_73] : memref<5120x128xf32, #tpu.memory_space<vmem_shared>> -> memref<5120x128xf32, #tpu.memory_space<vmem_shared>>
      tpu.enqueue_indirect_dma source(%arg9 : memref<128x128xf32, #tpu.memory_space<vmem>>) target(%dma_start3A_74 : memref<5120x128xf32, #tpu.memory_space<vmem_shared>>) offsets(%dma_start3A_71 : memref<128xi32, #tpu.memory_space<vmem>>) semaphore(%run_scoped3A_68 : memref<!tpu.dma_semaphore, #tpu.memory_space<semaphore_mem>>) {add = true}
      %dma_wait3A_75 = arith.constant 0 : i32
      %dma_wait3A_76 = tpu.memref_slice %arg7[%run_scoped3A_59, %dma_wait3A_75] : memref<160x128xi32, #tpu.memory_space<vmem>> -> memref<1x128xi32, #tpu.memory_space<vmem>>
      %dma_wait3A_77 = tpu.memref_squeeze %dma_wait3A_76 : memref<1x128xi32, #tpu.memory_space<vmem>> -> memref<128xi32, #tpu.memory_space<vmem>>
      %dma_wait3A_78 = arith.constant 0 : i32
      %dma_wait3A_79 = arith.constant 0 : i32
      %dma_wait3A_80 = tpu.memref_slice %arg11[%dma_wait3A_78, %dma_wait3A_79] : memref<5120x128xf32, #tpu.memory_space<vmem_shared>> -> memref<5120x128xf32, #tpu.memory_space<vmem_shared>>
      tpu.wait_indirect_dma semaphore(%run_scoped3A_68 : memref<!tpu.dma_semaphore, #tpu.memory_space<semaphore_mem>>) src(%arg9 : memref<128x128xf32, #tpu.memory_space<vmem>>) dst(%dma_wait3A_80 : memref<5120x128xf32, #tpu.memory_space<vmem_shared>>)
      tpu.yield
    }) : () -> ()
    %barrier3A_60 = arith.constant 0 : index
    tpu.barrier barrier_id(%barrier3A_60)
    %mul3A_61 = arith.constant 320 : i32
    %mul3A_62 = arith.muli %arg1, %mul3A_61 : i32
    %mul3A_63 = arith.constant 5120 : i32
    %mul3A_64 = arith.muli %arg0, %mul3A_63 : i32
    %mul3A_65 = arith.constant 320 : i32
    %mul3A_66 = arith.muli %arg1, %mul3A_65 : i32
    %add3A_67 = arith.addi %mul3A_64, %mul3A_66 : i32
    "tpu.region"() ({
      %run_scoped3A_68 = tpu.sem_alloc : memref<!tpu.dma_semaphore, #tpu.memory_space<semaphore_mem>>
      %dma_start3A_69 = arith.constant 0 : i32
      %dma_start3A_70 = tpu.memref_slice %arg5[%add3A_67, %dma_start3A_69] : memref<10240x128xf32, #tpu.memory_space<hbm>> -> memref<320x128xf32, #tpu.memory_space<hbm>>
      %dma_start3A_71 = arith.constant 0 : i32
      %dma_start3A_72 = tpu.memref_slice %arg11[%mul3A_62, %dma_start3A_71] : memref<5120x128xf32, #tpu.memory_space<vmem_shared>> -> memref<320x128xf32, #tpu.memory_space<vmem_shared>>
      tpu.enqueue_dma source(%dma_start3A_72 : memref<320x128xf32, #tpu.memory_space<vmem_shared>>) target(%dma_start3A_70 : memref<320x128xf32, #tpu.memory_space<hbm>>) target_semaphore(%run_scoped3A_68 : memref<!tpu.dma_semaphore, #tpu.memory_space<semaphore_mem>>)
      %dma_wait3A_73 = arith.constant 0 : i32
      %dma_wait3A_74 = tpu.memref_slice %arg5[%add3A_67, %dma_wait3A_73] : memref<10240x128xf32, #tpu.memory_space<hbm>> -> memref<320x128xf32, #tpu.memory_space<hbm>>
      %dma_wait3A_75 = arith.constant 0 : i32
      %dma_wait3A_76 = tpu.memref_slice %arg11[%mul3A_62, %dma_wait3A_75] : memref<5120x128xf32, #tpu.memory_space<vmem_shared>> -> memref<320x128xf32, #tpu.memory_space<vmem_shared>>
      tpu.wait_dma2 semaphore(%run_scoped3A_68 : memref<!tpu.dma_semaphore, #tpu.memory_space<semaphore_mem>>) src(%dma_wait3A_76 : memref<320x128xf32, #tpu.memory_space<vmem_shared>>) dst(%dma_wait3A_74 : memref<320x128xf32, #tpu.memory_space<hbm>>)
      tpu.yield
    }) : () -> ()
    return
  }
}

module attributes {stable_mosaic.version = 14 : i64} {
  func.func @_mlp_body(%arg0: i32, %arg1: memref<1280x128xf32, #tpu.memory_space<vmem>>, %arg2: memref<1280x128xf32, #tpu.memory_space<vmem>>, %arg3: memref<128x128xf32, #tpu.memory_space<vmem>>, %arg4: memref<1x128xf32, #tpu.memory_space<vmem>>, %arg5: memref<128x128xf32, #tpu.memory_space<vmem>>, %arg6: memref<1x128xf32, #tpu.memory_space<vmem>>, %arg7: memref<1280x128xf32, #tpu.memory_space<vmem>>) attributes {dimension_semantics = [#tpu.dimension_semantics<arbitrary>], iteration_bounds = array<i64: 8>, scalar_prefetch = 0 : i64, scratch_operands = 0 : i64, tpu.core_type = #tpu.core_type<tc>, window_params = [{transform_indices = @transform_0, window_bounds = array<i64: 1280, 128>}, {transform_indices = @transform_1, window_bounds = array<i64: 1280, 128>}, {pipeline_mode = #tpu.pipeline_mode<synchronous>, transform_indices = @transform_2, window_bounds = array<i64: 128, 128>}, {pipeline_mode = #tpu.pipeline_mode<synchronous>, transform_indices = @transform_3, window_bounds = array<i64: 1, 128>}, {pipeline_mode = #tpu.pipeline_mode<synchronous>, transform_indices = @transform_4, window_bounds = array<i64: 128, 128>}, {pipeline_mode = #tpu.pipeline_mode<synchronous>, transform_indices = @transform_5, window_bounds = array<i64: 1, 128>}, {transform_indices = @transform_6, window_bounds = array<i64: 1280, 128>}]} {
    %get3A = arith.constant 0 : index
    %get3A_0 = arith.constant 0 : index
    %get3A_1 = vector.load %arg1[%get3A, %get3A_0] : memref<1280x128xf32, #tpu.memory_space<vmem>>, vector<1280x128xf32>
    %get3A_2 = arith.constant 0 : index
    %get3A_3 = arith.constant 0 : index
    %get3A_4 = vector.load %arg2[%get3A_2, %get3A_3] : memref<1280x128xf32, #tpu.memory_space<vmem>>, vector<1280x128xf32>
    %add3A = arith.addf %get3A_1, %get3A_4 : vector<1280x128xf32>
    %get3A_5 = arith.constant 0 : index
    %get3A_6 = arith.constant 0 : index
    %get3A_7 = vector.load %arg3[%get3A_5, %get3A_6] : memref<128x128xf32, #tpu.memory_space<vmem>>, vector<128x128xf32>
    %dot_general3A = arith.constant dense<0.000000e+00> : vector<1280x128xf32>
    %dot_general3A_8 = tpu.matmul %add3A, %get3A_7, %dot_general3A {dimension_numbers = #tpu.dot_dimension_numbers<[1], [0], [0], [1], [0, 0, 1, 1], [], []>, transpose_lhs_hint = false} : vector<1280x128xf32>, vector<128x128xf32>, vector<1280x128xf32> -> vector<1280x128xf32>
    %get3A_9 = arith.constant 0 : index
    %get3A_10 = arith.constant 0 : index
    %get3A_11 = vector.load %arg4[%get3A_9, %get3A_10] : memref<1x128xf32, #tpu.memory_space<vmem>>, vector<1x128xf32>
    %add3A_12 = vector.broadcast %get3A_11 : vector<1x128xf32> to vector<1280x128xf32>
    %add3A_13 = arith.addf %dot_general3A_8, %add3A_12 : vector<1280x128xf32>
    %max3A = arith.constant 0.000000e+00 : f32
    %max3A_14 = vector.broadcast %max3A : f32 to vector<1280x128xf32>
    %max3A_15 = arith.maximumf %add3A_13, %max3A_14 : vector<1280x128xf32>
    %get3A_16 = arith.constant 0 : index
    %get3A_17 = arith.constant 0 : index
    %get3A_18 = vector.load %arg5[%get3A_16, %get3A_17] : memref<128x128xf32, #tpu.memory_space<vmem>>, vector<128x128xf32>
    %dot_general3A_19 = arith.constant dense<0.000000e+00> : vector<1280x128xf32>
    %dot_general3A_20 = tpu.matmul %max3A_15, %get3A_18, %dot_general3A_19 {dimension_numbers = #tpu.dot_dimension_numbers<[1], [0], [0], [1], [0, 0, 1, 1], [], []>, transpose_lhs_hint = false} : vector<1280x128xf32>, vector<128x128xf32>, vector<1280x128xf32> -> vector<1280x128xf32>
    %get3A_21 = arith.constant 0 : index
    %get3A_22 = arith.constant 0 : index
    %get3A_23 = vector.load %arg6[%get3A_21, %get3A_22] : memref<1x128xf32, #tpu.memory_space<vmem>>, vector<1x128xf32>
    %add3A_24 = vector.broadcast %get3A_23 : vector<1x128xf32> to vector<1280x128xf32>
    %add3A_25 = arith.addf %dot_general3A_20, %add3A_24 : vector<1280x128xf32>
    %max3A_26 = arith.constant 0.000000e+00 : f32
    %max3A_27 = vector.broadcast %max3A_26 : f32 to vector<1280x128xf32>
    %max3A_28 = arith.maximumf %add3A_25, %max3A_27 : vector<1280x128xf32>
    %iota3A = tpu.iota {dimensions = array<i32: 0>} : vector<1280x128xi32>
    %mul3A = arith.constant 1280 : i32
    %mul3A_29 = arith.muli %arg0, %mul3A : i32
    %add3A_30 = vector.broadcast %mul3A_29 : i32 to vector<1280x128xi32>
    %add3A_31 = arith.addi %iota3A, %add3A_30 : vector<1280x128xi32>
    %lt3A = arith.constant 10000 : i32
    %lt3A_32 = vector.broadcast %lt3A : i32 to vector<1280x128xi32>
    %lt3A_33 = arith.cmpi slt, %add3A_31, %lt3A_32 : vector<1280x128xi32>
    %jit3A = arith.constant 0.000000e+00 : f32
    %broadcast_in_dim3A = vector.broadcast %jit3A : f32 to vector<1280x128xf32>
    %select_n3A = arith.select %lt3A_33, %max3A_28, %broadcast_in_dim3A : vector<1280x128xi1>, vector<1280x128xf32>
    %swap3A = arith.constant 0 : index
    %swap3A_34 = arith.constant 0 : index
    %swap3A_35 = vector.load %arg7[%swap3A, %swap3A_34] : memref<1280x128xf32, #tpu.memory_space<vmem>>, vector<1280x128xf32>
    tpu.vector_store %arg7[%swap3A, %swap3A_34], %select_n3A {strides = array<i32>} : memref<1280x128xf32, #tpu.memory_space<vmem>>, vector<1280x128xf32>,
    return
  }
  func.func @transform_0(%arg0: i32) -> (i32, i32) {
    %c0_i32 = arith.constant 0 : i32
    %c0_i32_0 = arith.constant 0 : i32
    return %arg0, %c0_i32 : i32, i32
  }
  func.func @transform_1(%arg0: i32) -> (i32, i32) {
    %c0_i32 = arith.constant 0 : i32
    %c0_i32_0 = arith.constant 0 : i32
    return %arg0, %c0_i32 : i32, i32
  }
  func.func @transform_2(%arg0: i32) -> (i32, i32) {
    %c0_i32 = arith.constant 0 : i32
    %c0_i32_0 = arith.constant 0 : i32
    %c0_i32_1 = arith.constant 0 : i32
    return %c0_i32, %c0_i32_0 : i32, i32
  }
  func.func @transform_3(%arg0: i32) -> (i32, i32) {
    %c0_i32 = arith.constant 0 : i32
    %c0_i32_0 = arith.constant 0 : i32
    %c0_i32_1 = arith.constant 0 : i32
    return %c0_i32, %c0_i32_0 : i32, i32
  }
  func.func @transform_4(%arg0: i32) -> (i32, i32) {
    %c0_i32 = arith.constant 0 : i32
    %c0_i32_0 = arith.constant 0 : i32
    %c0_i32_1 = arith.constant 0 : i32
    return %c0_i32, %c0_i32_0 : i32, i32
  }
  func.func @transform_5(%arg0: i32) -> (i32, i32) {
    %c0_i32 = arith.constant 0 : i32
    %c0_i32_0 = arith.constant 0 : i32
    %c0_i32_1 = arith.constant 0 : i32
    return %c0_i32, %c0_i32_0 : i32, i32
  }
  func.func @transform_6(%arg0: i32) -> (i32, i32) {
    %c0_i32 = arith.constant 0 : i32
    %c0_i32_0 = arith.constant 0 : i32
    return %arg0, %c0_i32 : i32, i32
  }
}

module attributes {stable_mosaic.version = 14 : i64} {
  func.func @_readout_body(%arg0: i32, %arg1: memref<2000x128xf32, #tpu.memory_space<vmem>>, %arg2: memref<1x1x2000xi32, #tpu.memory_space<vmem>>, %arg3: memref<128x128xf32, #tpu.memory_space<vmem>>, %arg4: memref<1x1xf32, #tpu.memory_space<vmem>>, %arg5: memref<64x128xf32, #tpu.memory_space<vmem>>, %arg6: memref<64x128xf32, #tpu.memory_space<vmem>>, %arg7: memref<64x128xf32, #tpu.memory_space<vmem>>) attributes {dimension_semantics = [#tpu.dimension_semantics<arbitrary>], iteration_bounds = array<i64: 5>, scalar_prefetch = 0 : i64, scratch_operands = 2 : i64, tpu.core_type = #tpu.core_type<tc>, window_params = [{transform_indices = @transform_0, window_bounds = array<i64: 2000, 128>}, {transform_indices = @transform_1, window_bounds = array<i64: 1, 1, 2000>}, {pipeline_mode = #tpu.pipeline_mode<synchronous>, transform_indices = @transform_2, window_bounds = array<i64: 128, 128>}, {pipeline_mode = #tpu.pipeline_mode<synchronous>, transform_indices = @transform_3, window_bounds = array<i64: 1, 1>}, {pipeline_mode = #tpu.pipeline_mode<synchronous>, transform_indices = @transform_4, window_bounds = array<i64: 64, 128>}]} {
    %eq3A = arith.constant 0 : i32
    %eq3A_0 = arith.cmpi eq, %arg0, %eq3A : i32
    %convert_element_type3A = arith.extui %eq3A_0 : i1 to i32
    %cond3A = arith.constant 0 : i32
    %cond3A_1 = arith.cmpi ne, %convert_element_type3A, %cond3A : i32
    scf.if %cond3A_1 {
      %broadcast_in_dim3A_34 = arith.constant 0.000000e+00 : f32
      %broadcast_in_dim3A_35 = vector.broadcast %broadcast_in_dim3A_34 : f32 to vector<64x128xf32>
      %swap3A_36 = arith.constant 0 : index
      %swap3A_37 = arith.constant 0 : index
      %swap3A_38 = vector.load %arg6[%swap3A_36, %swap3A_37] : memref<64x128xf32, #tpu.memory_space<vmem>>, vector<64x128xf32>
      tpu.vector_store %arg6[%swap3A_36, %swap3A_37], %broadcast_in_dim3A_35 {strides = array<i32>} : memref<64x128xf32, #tpu.memory_space<vmem>>, vector<64x128xf32>,
      %broadcast_in_dim3A_39 = arith.constant 0.000000e+00 : f32
      %broadcast_in_dim3A_40 = vector.broadcast %broadcast_in_dim3A_39 : f32 to vector<64x128xf32>
      %swap3A_41 = arith.constant 0 : index
      %swap3A_42 = arith.constant 0 : index
      %swap3A_43 = vector.load %arg7[%swap3A_41, %swap3A_42] : memref<64x128xf32, #tpu.memory_space<vmem>>, vector<64x128xf32>
      tpu.vector_store %arg7[%swap3A_41, %swap3A_42], %broadcast_in_dim3A_40 {strides = array<i32>} : memref<64x128xf32, #tpu.memory_space<vmem>>, vector<64x128xf32>,
    } else {
    }
    %get3A = arith.constant 0 : index
    %get3A_2 = arith.constant 0 : index
    %get3A_3 = vector.load %arg1[%get3A, %get3A_2] : memref<2000x128xf32, #tpu.memory_space<vmem>>, vector<2000x128xf32>
    %get3A_4 = arith.constant 0 : index
    %get3A_5 = arith.constant 0 : index
    %get3A_6 = arith.constant 0 : index
    %get3A_7 = vector.load %arg2[%get3A_4, %get3A_5, %get3A_6] : memref<1x1x2000xi32, #tpu.memory_space<vmem>>, vector<1x1x2000xi32>
    %get3A_8 = vector.shape_cast %get3A_7 : vector<1x1x2000xi32> to vector<1x2000xi32>
    %iota3A = tpu.iota {dimensions = array<i32: 0>} : vector<64x2000xi32>
    %eq3A_9 = vector.broadcast %get3A_8 : vector<1x2000xi32> to vector<64x2000xi32>
    %eq3A_10 = arith.cmpi eq, %iota3A, %eq3A_9 : vector<64x2000xi32>
    %convert_element_type3A_11 = arith.extui %eq3A_10 : vector<64x2000xi1> to vector<64x2000xi32>
    %convert_element_type3A_12 = arith.sitofp %convert_element_type3A_11 : vector<64x2000xi32> to vector<64x2000xf32>
    %get3A_13 = arith.constant 0 : index
    %get3A_14 = arith.constant 0 : index
    %get3A_15 = vector.load %arg6[%get3A_13, %get3A_14] : memref<64x128xf32, #tpu.memory_space<vmem>>, vector<64x128xf32>
    %dot_general3A = arith.constant dense<0.000000e+00> : vector<64x128xf32>
    %dot_general3A_16 = tpu.matmul %convert_element_type3A_12, %get3A_3, %dot_general3A {dimension_numbers = #tpu.dot_dimension_numbers<[1], [0], [0], [1], [0, 0, 1, 1], [], []>, precision = #tpu.contract_precision<fp32>, transpose_lhs_hint = false} : vector<64x2000xf32>, vector<2000x128xf32>, vector<64x128xf32> -> vector<64x128xf32>
    %add3A = arith.addf %get3A_15, %dot_general3A_16 : vector<64x128xf32>
    %swap3A = arith.constant 0 : index
    %swap3A_17 = arith.constant 0 : index
    %swap3A_18 = vector.load %arg6[%swap3A, %swap3A_17] : memref<64x128xf32, #tpu.memory_space<vmem>>, vector<64x128xf32>
    tpu.vector_store %arg6[%swap3A, %swap3A_17], %add3A {strides = array<i32>} : memref<64x128xf32, #tpu.memory_space<vmem>>, vector<64x128xf32>,
    %get3A_19 = arith.constant 0 : index
    %get3A_20 = arith.constant 0 : index
    %get3A_21 = vector.load %arg7[%get3A_19, %get3A_20] : memref<64x128xf32, #tpu.memory_space<vmem>>, vector<64x128xf32>
    %reduce_sum3A = arith.constant dense<0.000000e+00> : vector<64xf32>
    %reduce_sum3A_22 = vector.multi_reduction <add>, %convert_element_type3A_12, %reduce_sum3A [1] : vector<64x2000xf32> to vector<64xf32>
    %broadcast_in_dim3A = vector.shape_cast %reduce_sum3A_22 : vector<64xf32> to vector<64x1xf32>
    %broadcast_in_dim3A_23 = vector.shape_cast %broadcast_in_dim3A : vector<64x1xf32> to vector<64x1xf32>
    %broadcast_in_dim3A_24 = vector.broadcast %broadcast_in_dim3A_23 : vector<64x1xf32> to vector<64x128xf32>
    %add3A_25 = arith.addf %get3A_21, %broadcast_in_dim3A_24 : vector<64x128xf32>
    %swap3A_26 = arith.constant 0 : index
    %swap3A_27 = arith.constant 0 : index
    %swap3A_28 = vector.load %arg7[%swap3A_26, %swap3A_27] : memref<64x128xf32, #tpu.memory_space<vmem>>, vector<64x128xf32>
    tpu.vector_store %arg7[%swap3A_26, %swap3A_27], %add3A_25 {strides = array<i32>} : memref<64x128xf32, #tpu.memory_space<vmem>>, vector<64x128xf32>,
    %eq3A_29 = arith.constant 4 : i32
    %eq3A_30 = arith.cmpi eq, %arg0, %eq3A_29 : i32
    %convert_element_type3A_31 = arith.extui %eq3A_30 : i1 to i32
    %cond3A_32 = arith.constant 0 : i32
    %cond3A_33 = arith.cmpi ne, %convert_element_type3A_31, %cond3A_32 : i32
    scf.if %cond3A_33 {
      %get3A_34 = arith.constant 0 : index
      %get3A_35 = arith.constant 0 : index
      %get3A_36 = vector.load %arg6[%get3A_34, %get3A_35] : memref<64x128xf32, #tpu.memory_space<vmem>>, vector<64x128xf32>
      %get3A_37 = arith.constant 0 : index
      %get3A_38 = arith.constant 0 : index
      %get3A_39 = vector.load %arg7[%get3A_37, %get3A_38] : memref<64x128xf32, #tpu.memory_space<vmem>>, vector<64x128xf32>
      %max3A = arith.constant 1.000000e+00 : f32
      %max3A_40 = vector.broadcast %max3A : f32 to vector<64x128xf32>
      %max3A_41 = arith.maximumf %get3A_39, %max3A_40 : vector<64x128xf32>
      %div3A = arith.divf %get3A_36, %max3A_41 : vector<64x128xf32>
      %get3A_42 = arith.constant 0 : index
      %get3A_43 = arith.constant 0 : index
      %get3A_44 = vector.load %arg3[%get3A_42, %get3A_43] : memref<128x128xf32, #tpu.memory_space<vmem>>, vector<128x128xf32>
      %dot_general3A_45 = arith.constant dense<0.000000e+00> : vector<64x128xf32>
      %dot_general3A_46 = tpu.matmul %div3A, %get3A_44, %dot_general3A_45 {dimension_numbers = #tpu.dot_dimension_numbers<[1], [0], [0], [1], [0, 0, 1, 1], [], []>, transpose_lhs_hint = false} : vector<64x128xf32>, vector<128x128xf32>, vector<64x128xf32> -> vector<64x128xf32>
      %get3A_47 = arith.constant 0 : index
      %get3A_48 = arith.constant 0 : index
      %get3A_49 = vector.load %arg4[%get3A_47, %get3A_48] : memref<1x1xf32, #tpu.memory_space<vmem>>, vector<1x1xf32>
      %add3A_50 = vector.broadcast %get3A_49 : vector<1x1xf32> to vector<64x128xf32>
      %add3A_51 = arith.addf %dot_general3A_46, %add3A_50 : vector<64x128xf32>
      %logistic3A = arith.negf %add3A_51 : vector<64x128xf32>
      %logistic3A_52 = math.exp %logistic3A : vector<64x128xf32>
      %logistic3A_53 = arith.constant 1.000000e+00 : f32
      %logistic3A_54 = vector.broadcast %logistic3A_53 : f32 to vector<64x128xf32>
      %logistic3A_55 = arith.addf %logistic3A_54, %logistic3A_52 : vector<64x128xf32>
      %logistic3A_56 = arith.divf %logistic3A_54, %logistic3A_55 : vector<64x128xf32>
      %swap3A_57 = arith.constant 0 : index
      %swap3A_58 = arith.constant 0 : index
      %swap3A_59 = vector.load %arg5[%swap3A_57, %swap3A_58] : memref<64x128xf32, #tpu.memory_space<vmem>>, vector<64x128xf32>
      tpu.vector_store %arg5[%swap3A_57, %swap3A_58], %logistic3A_56 {strides = array<i32>} : memref<64x128xf32, #tpu.memory_space<vmem>>, vector<64x128xf32>,
    } else {
    }
    return
  }
  func.func @transform_0(%arg0: i32) -> (i32, i32) {
    %c0_i32 = arith.constant 0 : i32
    %c0_i32_0 = arith.constant 0 : i32
    return %arg0, %c0_i32 : i32, i32
  }
  func.func @transform_1(%arg0: i32) -> (i32, i32, i32) {
    %c0_i32 = arith.constant 0 : i32
    %c0_i32_0 = arith.constant 0 : i32
    %c0_i32_1 = arith.constant 0 : i32
    return %arg0, %c0_i32, %c0_i32_0 : i32, i32, i32
  }
  func.func @transform_2(%arg0: i32) -> (i32, i32) {
    %c0_i32 = arith.constant 0 : i32
    %c0_i32_0 = arith.constant 0 : i32
    %c0_i32_1 = arith.constant 0 : i32
    return %c0_i32, %c0_i32_0 : i32, i32
  }
  func.func @transform_3(%arg0: i32) -> (i32, i32) {
    %c0_i32 = arith.constant 0 : i32
    %c0_i32_0 = arith.constant 0 : i32
    %c0_i32_1 = arith.constant 0 : i32
    return %c0_i32, %c0_i32_0 : i32, i32
  }
  func.func @transform_4(%arg0: i32) -> (i32, i32) {
    %c0_i32 = arith.constant 0 : i32
    %c0_i32_0 = arith.constant 0 : i32
    %c0_i32_1 = arith.constant 0 : i32
    return %c0_i32, %c0_i32_0 : i32, i32
  }
}

</mosaic_0001>

<sc_bundles>
// kernel: closed_call.9.cloned.1.call-start
scs
__scs_entry_jumppad:
0x0: {  	(pc) =	sbr.rel $0x88, $3  }
0x1: {  	(tag) =	ssettag $0x0;
	lr =	simm.s32 $0x1  }
0x2: {  	[smem:$0x3F8F] =	sst lr;
	_ =	strace $0xD0000000  }
0x3: {  	_ = 	snop  }
0x4: {  	_ = 	snop  }
0x5: {  	_ = 	snop  }
0x6: {  	_ = 	snop  }
0x7: {  	_ = 	snop  }
__scs_overlays_trampoline_lowered:
0x8: {  	[smem:$0x3F9E] =	sst s0  }
0x9: {  	[smem:$0x3F9F] =	sst s1  }
0xa: {  	[smem:$0x3FA0] =	sst s2  }
0xb: {  	[smem:$0x3FA1] =	sst s3  }
0xc: {  	[smem:$0x3FA2] =	sst s4  }
0xd: {  	[smem:$0x3FA3] =	sst s5  }
0xe: {  	[smem:$0x3FA4] =	sst s6  }
0xf: {  	[smem:$0x3FA5] =	sst s7  }
0x10: {  	[smem:$0x3FA6] =	sst s8  }
0x11: {  	[smem:$0x3FA7] =	sst s9;
	s0 =	simm.s32 @!p0 $0x0  }
0x12: {  	s1 =	sld [smem:$0x3F8D];
	s0 =	simm.s32 @p0 $0x1  }
0x13: {  	[smem:$0x3FA8] =	sst s0;
	s0 =	simm.s32 @!p1 $0x0  }
0x14: {  	s2 =	sld [smem:$0x3F8C];
	s0 =	simm.s32 @p1 $0x1  }
0x15: {  	[smem:$0x3FA9] =	sst s0;
	s0 =	simm.s32 @!p2 $0x0  }
0x16: {  	s3 =	sld [smem:$0x3FDB];
	s0 =	simm.s32 @p2 $0x1  }
0x17: {  	s4 =	simm.s32 $0x1BF5;
	[smem:$0x3FAB] =	sst s0  }
0x18: {  	s0 =	sld [smem:$0x3F8E];
	_ =	swait.ge [sflag:s4], $0x0  }
0x19: {  	s7 =	sld [smem:$0x3F8F]  }
0x1a: {  	s8 =	sadd.s32 $0xFFFFE003, lr  }
0x1b: {  	s9 =	sadd.s32 $0xFFFFFEF7, lr;
	s5 =	simm.s32 $0xFFFFFFFF;
	p2 =	slt.u32 s8, $0xFFFFF086  }
0x1c: {  	p1 =	slt.u32 s9, $0xF7A;
	s5 =	simm.s32 @!p2 $0x0  }
0x1d: {  	s5 =	simm.s32 @p1 $0x1;
	p0 =	seq.s32 s7, s2  }
0x1e: {  	s7 =	smul.u32 @!p0 $0xF7A, s2;
	p2 =	seq.s32 @!p0 s5, $0x0  }
0x1f: {  	s9 =	smul.u32 $0xF7A, s1;
	s8 =	simm.s32 @!p0 $0x1BF5;
	p2 =	por !p2, p0  }
0x20: {  	[sflag:s8] =	ssyncset.s32 @!p0 $0xFFFFF086;
	s6 =	sadd.s32 @!p0 s3, s7;
	s7 =	simm.s32 @!p0 $0x108  }
0x21: {  	s3 =	sadd.s32 s3, s9;
	s6 =	sadd.s32 @!p0 $0x88, s6;
	s7 =	simm.s32 @p2 $0x1082  }
0x22: {  	[simem:s7], [sflag:s8] =	dma.local @!p0 [hbm:s6], $0xF7A  }
0x23: {  	s9 =	sor.u32 $0xD0000000, s2;
	s6 =	simm.s32 $0x108;
	_ =	swait.ge @!p0 [sflag:s8], $0x0  }
0x24: {  	s3 =	sadd.s32 $0x88, s3;
	s6 =	simm.s32 @!p1 $0x1082;
	[sflag:s4] =	ssyncset.s32 $0xFFFFF086  }
0x25: {  	[simem:s6], [sflag:s4] =	dma.local [hbm:s3], $0xF7A  }
0x26: {  	[smem:$0x3F8F] =	sst s1;
	(tag) =	ssettag s2;
	_ =	strace s9  }
0x27: {  	s1 =	sld [smem:$0x3F9F]  }
0x28: {  	s2 =	sld [smem:$0x3FA0]  }
0x29: {  	s4 =	sld [smem:$0x3FA2]  }
0x2a: {  	p0 =	seq.s32 s5, $0x0;
	s5 =	sld [smem:$0x3FA3]  }
0x2b: {  	s6 =	sld [smem:$0x3FA4]  }
0x2c: {  	s7 =	sld [smem:$0x3FA5]  }
0x2d: {  	s3 =	simm.s32 $0x108;
	s8 =	sld [smem:$0x3FA6]  }
0x2e: {  	s3 =	simm.s32 @!p0 $0x1082;
	s9 =	sld [smem:$0x3FA7]  }
0x2f: {  	lr =	sadd.s32 s0, s3;
	s0 =	sld [smem:$0x3F9E]  }
0x30: {  	s3 =	sld [smem:$0x3FA1]  }
0x31: {  	[smem:$0x3FAA] =	sst s10  }
0x32: {  	s10 =	sld [smem:$0x3FA8];
	_ =	sdelay $0x3  }
0x33: {  	p0 =	seq.s32 s10, $0x1;
	s10 =	sld [smem:$0x3FAA];
	_ =	sdelay $0x3  }
0x34: {  	[smem:$0x3FAA] =	sst s10  }
0x35: {  	s10 =	sld [smem:$0x3FA9];
	_ =	sdelay $0x3  }
0x36: {  	p1 =	seq.s32 s10, $0x1;
	s10 =	sld [smem:$0x3FAA];
	_ =	sdelay $0x3  }
0x37: {  	[smem:$0x3FAA] =	sst s10  }
0x38: {  	s10 =	sld [smem:$0x3FAB]  }
0x39: {  	_ = 	snop;
	(pc) =	sbr.ind lr, $3  }
0x3a: {  	_ = 	snop  }
0x3b: {  	_ = 	snop  }
0x3c: {  	p2 =	seq.s32 s10, $0x1;
	s10 =	sld [smem:$0x3FAA]  }
0x3d: {  	_ =	shalt  }
0x3e: {  	_ =	shalt  }
0x3f: {  	_ =	shalt  }
0x40: {  	_ =	shalt  }
0x41: {  	_ =	shalt  }
0x42: {  	_ =	shalt  }
0x43: {  	_ =	shalt  }
0x44: {  	_ =	shalt  }
0x45: {  	_ =	shalt  }
0x46: {  	_ =	shalt  }
0x47: {  	_ =	shalt  }
0x48: {  	_ =	shalt  }
0x49: {  	_ =	shalt  }
0x4a: {  	_ =	shalt  }
0x4b: {  	_ =	shalt  }
0x4c: {  	_ =	shalt  }
0x4d: {  	_ =	shalt  }
0x4e: {  	_ =	shalt  }
0x4f: {  	_ =	shalt  }
0x50: {  	_ =	shalt  }
0x51: {  	_ =	shalt  }
0x52: {  	_ =	shalt  }
0x53: {  	_ =	shalt  }
0x54: {  	_ =	shalt  }
0x55: {  	_ =	shalt  }
0x56: {  	_ =	shalt  }
0x57: {  	_ =	shalt  }
0x58: {  	_ =	shalt  }
0x59: {  	_ =	shalt  }
0x5a: {  	_ =	shalt  }
0x5b: {  	_ =	shalt  }
0x5c: {  	_ =	shalt  }
0x5d: {  	_ =	shalt  }
0x5e: {  	_ =	shalt  }
0x5f: {  	_ =	shalt  }
0x60: {  	_ =	shalt  }
0x61: {  	_ =	shalt  }
0x62: {  	_ =	shalt  }
0x63: {  	_ =	shalt  }
0x64: {  	_ =	shalt  }
0x65: {  	_ =	shalt  }
0x66: {  	_ =	shalt  }
0x67: {  	_ =	shalt  }
0x68: {  	_ =	shalt  }
0x69: {  	_ =	shalt  }
0x6a: {  	_ =	shalt  }
0x6b: {  	_ =	shalt  }
0x6c: {  	_ =	shalt  }
0x6d: {  	_ =	shalt  }
0x6e: {  	_ =	shalt  }
0x6f: {  	_ =	shalt  }
0x70: {  	_ =	shalt  }
0x71: {  	_ =	shalt  }
0x72: {  	_ =	shalt  }
0x73: {  	_ =	shalt  }
0x74: {  	_ =	shalt  }
0x75: {  	_ =	shalt  }
0x76: {  	_ =	shalt  }
0x77: {  	_ =	shalt  }
0x78: {  	_ =	shalt  }
0x79: {  	_ =	shalt  }
0x7a: {  	_ =	shalt  }
0x7b: {  	_ =	shalt  }
0x7c: {  	_ =	shalt  }
0x7d: {  	_ =	shalt  }
0x7e: {  	_ =	shalt  }
0x7f: {  	_ =	shalt  }
0x80: {  	_ =	shalt  }
0x81: {  	_ =	shalt  }
0x82: {  	_ =	shalt  }
0x83: {  	_ =	shalt  }
0x84: {  	_ =	shalt  }
0x85: {  	_ =	shalt  }
0x86: {  	_ =	shalt  }
0x87: {  	_ =	shalt  }
.Lfunc_end0:
.L_simem_size_0:
called_computation_lowered:
.L_overlay_start_0:
0x88: {  	s2 =	sld [smem:$0x3FD9]  }
0x89: {  	s3 =	sld [smem:$0x3FFE];
	_ =	sdelay $0x1  }
0x8a: {  	s1 =	srdreg.scid  }
0x8b: {  	s0 =	sand.u32 $0x1, s1  }
0x8c: {  	s16 =	sshll.u32 s0, $0xA;
	s2 =	sadd.s32 s3, s2  }
0x8d: {  	s2 =	sadd.s32 s2, s16  }
0x8e: {  	[smem:$0x3FB6] =	sst s2  }
0x8f: {  	_ = 	snop  }
0x90: {  	(tm) =	ssettm $0x1  }
0x91: {  	s17 =	sld [smem:$0x3FFB];
	_ =	sdelay $0x3  }
0x92: {  	_ =	strace s17  }
0x93: {  	s2 =	sld [smem:$0x3FFC];
	_ =	sdelay $0x3  }
0x94: {  	_ =	strace s2  }
0x95: {  	s2 =	sld [smem:$0x3FFD];
	_ =	sdelay $0x3  }
0x96: {  	_ =	strace s2  }
0x97: {  	_ =	strace $0x8FFFFFFF  }
0x98: {  	s18 =	sld [smem:$0x3FDB];
	_ =	sdelay $0x1  }
0x99: {  	s19 =	simm.s32 $_scs_section_size  }
0x9a: {  	s4 =	simm.s32 $_size__tile_overlayer_lowered;
	s5 =	simm.s32 $_tile_overlayer_lowered  }
0x9b: {  	s22 =	simm.s32 $0x1BFF;
	s21 =	sshll.u32 s5, $0x1;
	s2 =	sadd.s32 s19, s18  }
0x9c: {  	s6 =	simm.s32 $0x0;
	s20 =	sshll.u32 s4, $0x1;
	s4 =	sadd.s32 s21, s2  }
0x9d: {  	[timem:s6], [sflag:s22] =	dma.local [hbm:s4], s20  }
0x9e: {  	_ =	swait.ge [sflag:s22], s20  }
0x9f: {  	s3 =	ssub.s32 $0x0, s20;
	[sflag:s22] =	ssyncset.done $0x0  }
0xa0: {  	[sflag:s22] =	ssyncadd.s32 s3;
	_ =	sdelay $0x1  }
0xa1: {  	s23 =	simm.s32 $0x1B8B  }
0xa2: {  	_ =	swait.ge [sflag:s23], $0x1  }
0xa3: {  	[sflag:s23] =	ssyncset.done $0x0  }
0xa4: {  	s25 =	simm.s32 $0x1B8E;
	s24 =	sld [smem:$0x3FFE];
	[sflag:s23] =	ssyncadd.s32 $0xFFFFFFFF  }
0xa5: {  	s26 =	simm.s32 $execute0_lowered;
	[smem:$0x3FD2] =	sst s25  }
0xa6: {  	s4 =	sshll.u32 s26, $0x1;
	_ =	strace $0x80000049;
	[dreg:$0x1] =	wrdreg $0xFFFFFFFF  }
0xa7: {  	s28 =	simm.s32 $_size_execute0_lowered;
	s2 =	sadd.s32 s2, s4;
	[dreg:$0x0] =	wrdreg $0x0  }
0xa8: {  	s4 =	sshll.u32 s28, $0x1;
	[dreg:$0x2] =	wrdreg s2  }
0xa9: {  	[dreg:$0x3] =	wrdreg s4  }
0xaa: {  	[dreg:$0x4] =	wrdreg $0xC0  }
0xab: {  	_ =	task [dreg:s6], $0x5FFFF  }
0xac: {  	[dreg:$0x1] =	wrdreg $0xFFFFFFFF  }
0xad: {  	[dreg:$0x0] =	wrdreg $0x60  }
0xae: {  	[dreg:$0x2] =	wrdreg s24  }
0xaf: {  	[dreg:$0x3] =	wrdreg $0x160000  }
0xb0: {  	[dreg:$0x4] =	wrdreg $0x9  }
0xb1: {  	_ =	task.clear_ibuf [dreg:s6], $0x5FFFF;
	_ =	strace $0x90000049  }
0xb2: {  	s29 =	simm.s32 $0x9;
	_ =	strace $0x8000004B  }
0xb3: {  	_ =	swait.ge [sflag:s29], $0x1  }
0xb4: {  	[sflag:s29] =	ssyncadd.s32 $0xFFFFFFFF  }
0xb5: {  	_ =	strace $0x9000004B  }
0xb6: {  	_ =	sfence  }
0xb7: {  	s30 =	sld [smem:$0x0];
	_ =	sdelay $0x2  }
0xb8: {  	s31 =	sshll.u32 s1, $0xD;
	s1 =	sshrl.u32 s1, $0x2  }
0xb9: {  	s3 =	sand.u32 $0x4000, s31;
	s1 =	sadd.s32 s1, s30  }
0xba: {  	s0 =	sor.u32 s3, s0;
	s1 =	sshll.u32 s1, $0x11  }
0xbb: {  	s0 =	sor.u32 s1, s0  }
0xbc: {  	s0 =	sadd.s32 $0x8F2B, s0  }
0xbd: {  	[sflag:s0] =	ssyncadd.remote.s32 $0x1  }
0xbe: {  	_ =	sfence.sel $0xFFFF  }
0xbf: {  	[dreg:$0x0] =	wrdreg $0xFFFFFFFF;
	(pc) =	sbr.abs _section_cstart, $3  }
0xc0: {  	[dreg:$0x1] =	wrdreg $0xFFFFFFFF  }
0xc1: {  	_ =	task.clear_ibuf [dreg:s6], $0x2FFFF;
	_ =	strace $0x9FFFFFFF  }
0xc2: {  	(tm) =	ssettm $0x7FFFFFFF  }
0xc3: {  	_ =	shalt  }
tec
execute0_lowered:
.L_overlay_start_1:
0x0: {  	(tag) =	ssettag $0x1  }
0x1: {  	s5 =	rddreg [dreg:$0x0];
	s0 =	stileid.u32  }
0x2: {  	s1 =	srdreg.scid;
	s2 =	rddreg [dreg:$0x1];
	s3 =	simm.s32 $0x0  }
0x3: {  	s13 =	simm.s32 $0x5000;
	s14 =	simm.s32 $0x12000;
	s15 =	simm.s32 $0x80  }
0x4: {  	s16 =	simm.s32 $0xA000;
	s17 =	simm.s32 $0xE000;
	s18 =	simm.s32 $0x1  }
0x5: {  	s19 =	simm.s32 $0x2;
	s20 =	simm.s32 $0x4F80;
	s6 =	smul.u32 $0xA00, s0  }
0x6: {  	s22 =	simm.s32 $0x9F80;
	s23 =	simm.s32 $0x0;
	s8 =	smul.u32 $0x140, s0  }
0x7: {  	s7 =	sand.u32 $0x1, s1;
	s1 =	rddreg [dreg:$0x2];
	s9 =	smul.u32 $0x28000, s0  }
0x8: {  	[smem:$0x7FF] =	sst s3;
	s4 =	sadd.s32 $0x49400, s5;
	s21 =	smul.u32 $0x1400, s7  }
0x9: {  	_ =	strace $0x8000004A;
	s7 =	ssub.s32 $0x2, s7;
	s10 =	sadd.s32 s6, s5  }
0xa: {  	s31 =	sshrl.u32 s7, $0x1;
	s9 =	sshrl.u32 s9, $0x2;
	s30 =	sadd.s32 s8, s21  }
0xb: {  	s12 =	ssub.s32 s7, s31;
	s7 =	sadd.s32 $0x3F400, s10;
	s6 =	sshll.u32 s30, $0x4  }
0xc: {  	v0 =	vmov s21;
	s21 =	simm.s32 $0x9F00;
	s11 =	sadd.s32 s6, s5;
	s5 =	sadd.s32 s9, s2  }
0xd: {  	s6 =	sadd.s32 $0x35400, s10;
	s8 =	sadd.s32 $0x4000, s5;
	s9 =	sadd.s32 $0x8000, s5  }
0xe: {  	v1 =	vlaneseq.u32;
	v2 =	vimm.f32 $0.0e+00;
	s10 =	sadd.s32 $0x71400, s11;
	s11 =	smax.u32 s12, $0x1;
	s12 =	simm.s32 $0x3  }
.LBB2_1:
0xf: {  	[tilespmem:s3], [sflag:$0x3] =	stream.linear.gather [hbm4b:s6+s3], $0x5000, $0x38;
	v63 =	vld [tilespmem:$0x0]  }
0x10: {  	_ =	swait.ge [sflag:s12], $0x5000  }
0x11: {  	[sflag:s12] =	ssyncset.done $0x0  }
0x12: {  	[sflag:s12] =	ssyncadd.s32 $0xFFFFB000  }
0x13: {  	[tilespmem:s13], [sflag:$0x3] =	stream.linear.gather [hbm4b:s7+s3], $0x5000, $0x38;
	v63 =	vld [tilespmem:$0x0]  }
0x14: {  	_ =	swait.ge [sflag:s12], $0x5000  }
0x15: {  	[sflag:s12] =	ssyncset.done $0x0  }
0x16: {  	s24 =	simm.s32 $0x5040;
	[sflag:s12] =	ssyncadd.s32 $0xFFFFB000  }
0x17: {  	v3 =	vld [tilespmem:s24+$0xFFFFFFC0];
	_ =	sdelay $0x3  }
0x18: {  	s25 =	simm.s32 $0x0  }
0x19: {  	s25 =	sand.u32 $0xF80, s25;
	v3 =	vsub.s32 v3, v0  }
0x1a: {  	v4 =	vor.u32 s25, v1;
	vm0 =	vlt.u32 v3, $0x1400  }
0x1b: {  	v3 =	vsel vm0, v3, v4  }
0x1c: {  	s25 =	simm.s32 $0x40;
	v5 =	vmulhi.u32 $0x1111112, v4;
	[tilespmem:s24+$0xFFFFFFC0] =	vst v3  }
0x1d: {  	v3 =	vld [tilespmem:s25+$0xFFFFFFC0]  }
0x1e: {  	v5 =	vmul.u32 $0xF0, v5;
	_ =	sdelay $0x1  }
0x1f: {  	v4 =	vsub.s32 v4, v5  }
0x20: {  	v4 =	vadd.s32 $0x2710, v4  }
0x21: {  	v3 =	vsel vm0, v3, v4  }
0x22: {  	[tilespmem:s25+$0xFFFFFFC0] =	vst v3  }
0x23: {  	v3 =	vld [tilespmem:s24+$0xFFFFFFD0];
	_ =	sdelay $0x3  }
0x24: {  	s26 =	simm.s32 $0x10  }
0x25: {  	s26 =	sand.u32 $0xF90, s26;
	v3 =	vsub.s32 v3, v0  }
0x26: {  	v4 =	vor.u32 s26, v1;
	vm9 =	vlt.u32 v3, $0x1400  }
0x27: {  	v3 =	vsel vm9, v3, v4  }
0x28: {  	v5 =	vmulhi.u32 $0x1111112, v4;
	[tilespmem:s24+$0xFFFFFFD0] =	vst v3  }
0x29: {  	v3 =	vld [tilespmem:s25+$0xFFFFFFD0]  }
0x2a: {  	v5 =	vmul.u32 $0xF0, v5;
	_ =	sdelay $0x1  }
0x2b: {  	v4 =	vsub.s32 v4, v5  }
0x2c: {  	v4 =	vadd.s32 $0x2710, v4  }
0x2d: {  	v3 =	vsel vm9, v3, v4  }
0x2e: {  	[tilespmem:s25+$0xFFFFFFD0] =	vst v3  }
0x2f: {  	v3 =	vld [tilespmem:s24+$0xFFFFFFE0];
	_ =	sdelay $0x3  }
0x30: {  	s30 =	simm.s32 $0x20  }
0x31: {  	s26 =	sand.u32 $0xFA0, s30;
	v3 =	vsub.s32 v3, v0  }
0x32: {  	v4 =	vor.u32 s26, v1;
	vm10 =	vlt.u32 v3, $0x1400  }
0x33: {  	v3 =	vsel vm10, v3, v4  }
0x34: {  	v5 =	vmulhi.u32 $0x1111112, v4;
	[tilespmem:s24+$0xFFFFFFE0] =	vst v3  }
0x35: {  	v3 =	vld [tilespmem:s25+$0xFFFFFFE0]  }
0x36: {  	v5 =	vmul.u32 $0xF0, v5;
	_ =	sdelay $0x1  }
0x37: {  	v4 =	vsub.s32 v4, v5  }
0x38: {  	v4 =	vadd.s32 $0x2710, v4  }
0x39: {  	v3 =	vsel vm10, v3, v4  }
0x3a: {  	[tilespmem:s25+$0xFFFFFFE0] =	vst v3  }
0x3b: {  	v3 =	vld [tilespmem:s24+$0xFFFFFFF0];
	_ =	sdelay $0x3  }
0x3c: {  	s31 =	simm.s32 $0x30  }
0x3d: {  	s26 =	sand.u32 $0xFB0, s31;
	v3 =	vsub.s32 v3, v0  }
0x3e: {  	v4 =	vor.u32 s26, v1;
	vm11 =	vlt.u32 v3, $0x1400  }
0x3f: {  	v3 =	vsel vm11, v3, v4  }
0x40: {  	v5 =	vmulhi.u32 $0x1111112, v4;
	[tilespmem:s24+$0xFFFFFFF0] =	vst v3  }
0x41: {  	v3 =	vld [tilespmem:s25+$0xFFFFFFF0]  }
0x42: {  	v5 =	vmul.u32 $0xF0, v5;
	_ =	sdelay $0x1  }
0x43: {  	v4 =	vsub.s32 v4, v5  }
0x44: {  	v4 =	vadd.s32 $0x2710, v4  }
0x45: {  	v3 =	vsel vm11, v3, v4  }
0x46: {  	[tilespmem:s25+$0xFFFFFFF0] =	vst v3  }
0x47: {  	v3 =	vld [tilespmem:s24+$0x0];
	_ =	sdelay $0x3  }
0x48: {  	s28 =	simm.s32 $0x40  }
0x49: {  	s26 =	sand.u32 $0xFC0, s28;
	v3 =	vsub.s32 v3, v0  }
0x4a: {  	v4 =	vor.u32 s26, v1;
	vm12 =	vlt.u32 v3, $0x1400  }
0x4b: {  	v3 =	vsel vm12, v3, v4  }
0x4c: {  	v5 =	vmulhi.u32 $0x1111112, v4;
	[tilespmem:s24+$0x0] =	vst v3  }
0x4d: {  	v3 =	vld [tilespmem:s25+$0x0]  }
0x4e: {  	v5 =	vmul.u32 $0xF0, v5;
	_ =	sdelay $0x1  }
0x4f: {  	v4 =	vsub.s32 v4, v5  }
0x50: {  	v4 =	vadd.s32 $0x2710, v4  }
0x51: {  	v3 =	vsel vm12, v3, v4  }
0x52: {  	[tilespmem:s25+$0x0] =	vst v3  }
0x53: {  	v3 =	vld [tilespmem:s24+$0x10];
	_ =	sdelay $0x3  }
0x54: {  	s29 =	simm.s32 $0x50  }
0x55: {  	s26 =	sand.u32 $0xFD0, s29;
	v3 =	vsub.s32 v3, v0  }
0x56: {  	v4 =	vor.u32 s26, v1;
	vm13 =	vlt.u32 v3, $0x1400  }
0x57: {  	v3 =	vsel vm13, v3, v4  }
0x58: {  	v5 =	vmulhi.u32 $0x1111112, v4;
	[tilespmem:s24+$0x10] =	vst v3  }
0x59: {  	v3 =	vld [tilespmem:s25+$0x10]  }
0x5a: {  	v5 =	vmul.u32 $0xF0, v5;
	_ =	sdelay $0x1  }
0x5b: {  	v4 =	vsub.s32 v4, v5  }
0x5c: {  	v4 =	vadd.s32 $0x2710, v4  }
0x5d: {  	v3 =	vsel vm13, v3, v4  }
0x5e: {  	[tilespmem:s25+$0x10] =	vst v3  }
0x5f: {  	v3 =	vld [tilespmem:s24+$0x20];
	_ =	sdelay $0x3  }
0x60: {  	s30 =	simm.s32 $0x60  }
0x61: {  	s26 =	sand.u32 $0xFE0, s30;
	v3 =	vsub.s32 v3, v0  }
0x62: {  	v4 =	vor.u32 s26, v1;
	vm14 =	vlt.u32 v3, $0x1400  }
0x63: {  	v3 =	vsel vm14, v3, v4  }
0x64: {  	v5 =	vmulhi.u32 $0x1111112, v4;
	[tilespmem:s24+$0x20] =	vst v3  }
0x65: {  	v3 =	vld [tilespmem:s25+$0x20]  }
0x66: {  	v5 =	vmul.u32 $0xF0, v5;
	_ =	sdelay $0x1  }
0x67: {  	v4 =	vsub.s32 v4, v5  }
0x68: {  	v4 =	vadd.s32 $0x2710, v4  }
0x69: {  	v3 =	vsel vm14, v3, v4  }
0x6a: {  	[tilespmem:s25+$0x20] =	vst v3  }
0x6b: {  	v3 =	vld [tilespmem:s24+$0x30];
	_ =	sdelay $0x3  }
0x6c: {  	s31 =	simm.s32 $0x70  }
0x6d: {  	s26 =	sand.u32 $0xFF0, s31;
	v3 =	vsub.s32 v3, v0  }
0x6e: {  	v4 =	vor.u32 s26, v1;
	vm15 =	vlt.u32 v3, $0x1400  }
0x6f: {  	v3 =	vsel vm15, v3, v4  }
0x70: {  	v5 =	vmulhi.u32 $0x1111112, v4;
	[tilespmem:s24+$0x30] =	vst v3  }
0x71: {  	v3 =	vld [tilespmem:s25+$0x30]  }
0x72: {  	v5 =	vmul.u32 $0xF0, v5;
	_ =	sdelay $0x1  }
0x73: {  	v4 =	vsub.s32 v4, v5  }
0x74: {  	v4 =	vadd.s32 $0x2710, v4  }
0x75: {  	s26 =	simm.s32 $0xF0;
	v3 =	vsel vm15, v3, v4  }
.LBB2_2:
0x76: {  	p0 =	sne.s32 s26, $0x4FF0;
	[tilespmem:s25+$0x30] =	vst v3;
	s25 =	sadd.s32 $0x80, s25;
	s24 =	sadd.s32 $0x80, s24  }
0x77: {  	s28 =	smov.u32 s26;
	s26 =	sadd.s32 $0x80, s26;
	v3 =	vld [tilespmem:s24+$0xFFFFFFC0];
	_ =	sdelay $0x3  }
0x78: {  	s29 =	sadd.s32 $0xFFFFFF90, s28  }
0x79: {  	s29 =	sand.u32 $0xF80, s29;
	v3 =	vsub.s32 v3, v0  }
0x7a: {  	v4 =	vor.u32 s29, v1;
	vm0 =	vlt.u32 v3, $0x1400  }
0x7b: {  	v5 =	vmulhi.u32 $0x1111112, v4;
	v3 =	vsel vm0, v3, v4  }
0x7c: {  	[tilespmem:s24+$0xFFFFFFC0] =	vst v3  }
0x7d: {  	v5 =	vmul.u32 $0xF0, v5;
	v3 =	vld [tilespmem:s25+$0xFFFFFFC0];
	_ =	sdelay $0x1  }
0x7e: {  	v4 =	vsub.s32 v4, v5;
	_ =	sdelay $0x1  }
0x7f: {  	v4 =	vadd.s32 $0x2710, v4  }
0x80: {  	v3 =	vsel vm0, v3, v4  }
0x81: {  	[tilespmem:s25+$0xFFFFFFC0] =	vst v3  }
0x82: {  	v3 =	vld [tilespmem:s24+$0xFFFFFFD0];
	_ =	sdelay $0x3  }
0x83: {  	s29 =	sadd.s32 $0xFFFFFFA0, s28  }
0x84: {  	s29 =	sand.u32 $0xF90, s29;
	v3 =	vsub.s32 v3, v0  }
0x85: {  	v4 =	vor.u32 s29, v1;
	vm0 =	vlt.u32 v3, $0x1400  }
0x86: {  	v5 =	vmulhi.u32 $0x1111112, v4;
	v3 =	vsel vm0, v3, v4  }
0x87: {  	[tilespmem:s24+$0xFFFFFFD0] =	vst v3  }
0x88: {  	v5 =	vmul.u32 $0xF0, v5;
	v3 =	vld [tilespmem:s25+$0xFFFFFFD0];
	_ =	sdelay $0x1  }
0x89: {  	v4 =	vsub.s32 v4, v5;
	_ =	sdelay $0x1  }
0x8a: {  	v4 =	vadd.s32 $0x2710, v4  }
0x8b: {  	v3 =	vsel vm0, v3, v4  }
0x8c: {  	[tilespmem:s25+$0xFFFFFFD0] =	vst v3  }
0x8d: {  	v3 =	vld [tilespmem:s24+$0xFFFFFFE0];
	_ =	sdelay $0x3  }
0x8e: {  	s29 =	sadd.s32 $0xFFFFFFB0, s28  }
0x8f: {  	s29 =	sand.u32 $0xFA0, s29;
	v3 =	vsub.s32 v3, v0  }
0x90: {  	v4 =	vor.u32 s29, v1;
	vm0 =	vlt.u32 v3, $0x1400  }
0x91: {  	v5 =	vmulhi.u32 $0x1111112, v4;
	v3 =	vsel vm0, v3, v4  }
0x92: {  	[tilespmem:s24+$0xFFFFFFE0] =	vst v3  }
0x93: {  	v5 =	vmul.u32 $0xF0, v5;
	v3 =	vld [tilespmem:s25+$0xFFFFFFE0];
	_ =	sdelay $0x1  }
0x94: {  	v4 =	vsub.s32 v4, v5;
	_ =	sdelay $0x1  }
0x95: {  	v4 =	vadd.s32 $0x2710, v4  }
0x96: {  	v3 =	vsel vm0, v3, v4  }
0x97: {  	[tilespmem:s25+$0xFFFFFFE0] =	vst v3  }
0x98: {  	v3 =	vld [tilespmem:s24+$0xFFFFFFF0];
	_ =	sdelay $0x3  }
0x99: {  	s29 =	sadd.s32 $0xFFFFFFC0, s28  }
0x9a: {  	s29 =	sand.u32 $0xFB0, s29;
	v3 =	vsub.s32 v3, v0  }
0x9b: {  	v4 =	vor.u32 s29, v1;
	vm0 =	vlt.u32 v3, $0x1400  }
0x9c: {  	v5 =	vmulhi.u32 $0x1111112, v4;
	v3 =	vsel vm0, v3, v4  }
0x9d: {  	[tilespmem:s24+$0xFFFFFFF0] =	vst v3  }
0x9e: {  	v5 =	vmul.u32 $0xF0, v5;
	v3 =	vld [tilespmem:s25+$0xFFFFFFF0];
	_ =	sdelay $0x1  }
0x9f: {  	v4 =	vsub.s32 v4, v5;
	_ =	sdelay $0x1  }
0xa0: {  	v4 =	vadd.s32 $0x2710, v4  }
0xa1: {  	v3 =	vsel vm0, v3, v4  }
0xa2: {  	[tilespmem:s25+$0xFFFFFFF0] =	vst v3  }
0xa3: {  	v3 =	vld [tilespmem:s24+$0x0];
	_ =	sdelay $0x3  }
0xa4: {  	s29 =	sadd.s32 $0xFFFFFFD0, s28  }
0xa5: {  	s29 =	sand.u32 $0xFC0, s29;
	v3 =	vsub.s32 v3, v0  }
0xa6: {  	v4 =	vor.u32 s29, v1;
	vm0 =	vlt.u32 v3, $0x1400  }
0xa7: {  	v5 =	vmulhi.u32 $0x1111112, v4;
	v3 =	vsel vm0, v3, v4  }
0xa8: {  	[tilespmem:s24+$0x0] =	vst v3  }
0xa9: {  	v5 =	vmul.u32 $0xF0, v5;
	v3 =	vld [tilespmem:s25+$0x0];
	_ =	sdelay $0x1  }
0xaa: {  	v4 =	vsub.s32 v4, v5;
	_ =	sdelay $0x1  }
0xab: {  	v4 =	vadd.s32 $0x2710, v4  }
0xac: {  	v3 =	vsel vm0, v3, v4  }
0xad: {  	[tilespmem:s25+$0x0] =	vst v3  }
0xae: {  	v3 =	vld [tilespmem:s24+$0x10];
	_ =	sdelay $0x3  }
0xaf: {  	s29 =	sadd.s32 $0xFFFFFFE0, s28  }
0xb0: {  	s29 =	sand.u32 $0xFD0, s29;
	v3 =	vsub.s32 v3, v0  }
0xb1: {  	v4 =	vor.u32 s29, v1;
	vm0 =	vlt.u32 v3, $0x1400  }
0xb2: {  	v5 =	vmulhi.u32 $0x1111112, v4;
	v3 =	vsel vm0, v3, v4  }
0xb3: {  	[tilespmem:s24+$0x10] =	vst v3  }
0xb4: {  	v5 =	vmul.u32 $0xF0, v5;
	v3 =	vld [tilespmem:s25+$0x10];
	_ =	sdelay $0x1  }
0xb5: {  	v4 =	vsub.s32 v4, v5;
	_ =	sdelay $0x1  }
0xb6: {  	v4 =	vadd.s32 $0x2710, v4  }
0xb7: {  	v3 =	vsel vm0, v3, v4  }
0xb8: {  	[tilespmem:s25+$0x10] =	vst v3  }
0xb9: {  	v3 =	vld [tilespmem:s24+$0x20];
	_ =	sdelay $0x3  }
0xba: {  	s29 =	sadd.s32 $0xFFFFFFF0, s28  }
0xbb: {  	s29 =	sand.u32 $0xFE0, s29;
	v3 =	vsub.s32 v3, v0  }
0xbc: {  	v4 =	vor.u32 s29, v1;
	vm0 =	vlt.u32 v3, $0x1400  }
0xbd: {  	v5 =	vmulhi.u32 $0x1111112, v4;
	v3 =	vsel vm0, v3, v4  }
0xbe: {  	[tilespmem:s24+$0x20] =	vst v3  }
0xbf: {  	v5 =	vmul.u32 $0xF0, v5;
	v3 =	vld [tilespmem:s25+$0x20];
	_ =	sdelay $0x1  }
0xc0: {  	v4 =	vsub.s32 v4, v5;
	_ =	sdelay $0x1  }
0xc1: {  	v4 =	vadd.s32 $0x2710, v4  }
0xc2: {  	v3 =	vsel vm0, v3, v4  }
0xc3: {  	[tilespmem:s25+$0x20] =	vst v3  }
0xc4: {  	v3 =	vld [tilespmem:s24+$0x30];
	_ =	sdelay $0x4  }
0xc5: {  	s28 =	sand.u32 $0xFF0, s28;
	v3 =	vsub.s32 v3, v0  }
0xc6: {  	v4 =	vor.u32 s28, v1;
	vm0 =	vlt.u32 v3, $0x1400  }
0xc7: {  	v5 =	vmulhi.u32 $0x1111112, v4;
	v3 =	vsel vm0, v3, v4  }
0xc8: {  	[tilespmem:s24+$0x30] =	vst v3  }
0xc9: {  	v5 =	vmul.u32 $0xF0, v5;
	v3 =	vld [tilespmem:s25+$0x30]  }
.Ltmp0:
0xca: {  	(pc) =	sbr.rel @p0 .LBB2_2-.Ltmp0, $3  }
0xcb: {  	v4 =	vsub.s32 v4, v5;
	_ =	sdelay $0x1  }
0xcc: {  	v4 =	vadd.s32 $0x2710, v4  }
0xcd: {  	v3 =	vsel vm0, v3, v4  }
0xce: {  	[tilespmem:s25+$0x30] =	vst v3;
	s24 =	simm.s32 $0x0;
	s25 =	simm.s32 $0x200  }
.LBB2_4:
0xcf: {  	p0 =	sne.s32 s25, $0xFE00;
	[tilespmem:s24+$0x12070] =	vst v2  }
0xd0: {  	[tilespmem:s24+$0x12000] =	vst v2  }
0xd1: {  	[tilespmem:s24+$0x12010] =	vst v2  }
.Ltmp1:
0xd2: {  	[tilespmem:s24+$0x12020] =	vst v2;
	(pc) =	sbr.rel @p0 .LBB2_4-.Ltmp1, $4  }
0xd3: {  	[tilespmem:s24+$0x12030] =	vst v2  }
0xd4: {  	[tilespmem:s24+$0x12040] =	vst v2  }
0xd5: {  	[tilespmem:s24+$0x12050] =	vst v2  }
0xd6: {  	[tilespmem:s24+$0x12060] =	vst v2;
	s24 =	sshra.s32 s25, $0x2;
	s25 =	sadd.s32 $0x200, s25  }
0xd7: {  	[tilespmem:s24+$0x12070] =	vst v2  }
0xd8: {  	[tilespmem:s24+$0x12000] =	vst v2  }
0xd9: {  	[tilespmem:s24+$0x12010] =	vst v2  }
0xda: {  	[tilespmem:s24+$0x12020] =	vst v2  }
0xdb: {  	[tilespmem:s24+$0x12030] =	vst v2  }
0xdc: {  	[tilespmem:s24+$0x12040] =	vst v2  }
0xdd: {  	[tilespmem:s24+$0x12050] =	vst v2  }
0xde: {  	[tilespmem:s24+$0x12060] =	vst v2  }
0xdf: {  	[spmem:s5] =	stream.linear.scatter [tilespmem:s14], [sflag:$0x3], $0x4000, $0x38;
	v63 =	vld [tilespmem:$0x0]  }
0xe0: {  	_ =	swait.ge [sflag:s12], $0x4000  }
0xe1: {  	[sflag:s12] =	ssyncset.done $0x0  }
0xe2: {  	[sflag:s12] =	ssyncadd.s32 $0xFFFFC000  }
0xe3: {  	[spmem:s8] =	stream.linear.scatter [tilespmem:s14], [sflag:$0x3], $0x4000, $0x38;
	v63 =	vld [tilespmem:$0x0]  }
0xe4: {  	_ =	swait.ge [sflag:s12], $0x4000  }
0xe5: {  	[sflag:s12] =	ssyncset.done $0x0  }
0xe6: {  	[sflag:s12] =	ssyncadd.s32 $0xFFFFC000  }
0xe7: {  	[spmem:s9] =	stream.linear.scatter [tilespmem:s14], [sflag:$0x3], $0x2000, $0x38;
	v63 =	vld [tilespmem:$0x0]  }
0xe8: {  	_ =	swait.ge [sflag:s12], $0x2000  }
0xe9: {  	[sflag:s12] =	ssyncset.done $0x0  }
0xea: {  	[sflag:s12] =	ssyncadd.s32 $0xFFFFE000  }
0xeb: {  	s26 =	simm.s32 $0x0;
	[bflag:$0x0] =	sbarrier.arrive $0xFFFF  }
0xec: {  	[tilespmem:s16], [sflag:$0x1] =	stream.indirect.gather [hbm4b:s4+s15], $0x80, s26, s15, $0xb8;
	v63 =	vld [tilespmem:$0x0]  }
0xed: {  	s28 =	simm.s32 $0x80  }
0xee: {  	[tilespmem:s17], [sflag:$0x2] =	stream.indirect.gather [hbm4b:s4+s15], $0x80, s28, s15, $0xb8;
	v63 =	vld [tilespmem:$0x0]  }
0xef: {  	_ =	swait.ge [sflag:s18], $0x4000  }
0xf0: {  	[sflag:s18] =	ssyncset.done $0x0  }
0xf1: {  	s29 =	simm.s32 $0x5000;
	[sflag:s18] =	ssyncadd.s32 $0xFFFFC000  }
0xf2: {  	[spmem:s2] =	stream.indirect.scatter.add.f32 [tilespmem:s16], [sflag:$0x3], $0x80, s29, s15, $0xb8;
	v63 =	vld [tilespmem:$0x0]  }
0xf3: {  	_ =	swait.ge [sflag:s12], $0x4000  }
0xf4: {  	[sflag:s12] =	ssyncset.done $0x0  }
0xf5: {  	s30 =	simm.s32 $0x100;
	[sflag:s12] =	ssyncadd.s32 $0xFFFFC000  }
0xf6: {  	[tilespmem:s16], [sflag:$0x1] =	stream.indirect.gather [hbm4b:s4+s15], $0x80, s30, s15, $0xb8;
	v63 =	vld [tilespmem:$0x0]  }
0xf7: {  	_ =	swait.ge [sflag:s19], $0x4000  }
0xf8: {  	[sflag:s19] =	ssyncset.done $0x0  }
0xf9: {  	s31 =	simm.s32 $0x5080;
	[sflag:s19] =	ssyncadd.s32 $0xFFFFC000  }
0xfa: {  	[spmem:s2] =	stream.indirect.scatter.add.f32 [tilespmem:s17], [sflag:$0x3], $0x80, s31, s15, $0xb8;
	v63 =	vld [tilespmem:$0x0]  }
0xfb: {  	_ =	swait.ge [sflag:s12], $0x4000  }
0xfc: {  	s25 =	simm.s32 $0x800;
	s24 =	simm.s32 $0x100;
	[sflag:s12] =	ssyncset.done $0x0  }
.LBB2_6:
0xfd: {  	s26 =	sadd.s32 $0x80, s24  }
0xfe: {  	[sflag:s12] =	ssyncadd.s32 $0xFFFFC000;
	s28 =	smov.u32 s25;
	s29 =	sadd.s32 $0x400, s25  }
0xff: {  	[tilespmem:s17], [sflag:$0x2] =	stream.indirect.gather [hbm4b:s4+s15], $0x80, s26, s15, $0xb8;
	v63 =	vld [tilespmem:$0x0]  }
0x100: {  	p0 =	sne.s32 s25, $0x13800;
	_ =	swait.ge [sflag:s18], $0x4000  }
0x101: {  	[sflag:s18] =	ssyncset.done $0x0  }
0x102: {  	s25 =	sadd.s32 $0x5000, s24;
	[sflag:s18] =	ssyncadd.s32 $0xFFFFC000  }
0x103: {  	[spmem:s2] =	stream.indirect.scatter.add.f32 [tilespmem:s16], [sflag:$0x3], $0x80, s25, s15, $0xb8;
	v63 =	vld [tilespmem:$0x0]  }
0x104: {  	_ =	swait.ge [sflag:s12], $0x4000  }
0x105: {  	[sflag:s12] =	ssyncset.done $0x0  }
0x106: {  	s25 =	sadd.s32 $0x100, s24;
	[sflag:s12] =	ssyncadd.s32 $0xFFFFC000  }
0x107: {  	[tilespmem:s16], [sflag:$0x1] =	stream.indirect.gather [hbm4b:s4+s15], $0x80, s25, s15, $0xb8;
	v63 =	vld [tilespmem:$0x0]  }
0x108: {  	_ =	swait.ge [sflag:s19], $0x4000  }
.Ltmp2:
0x109: {  	[sflag:s19] =	ssyncset.done $0x0;
	(pc) =	sbr.rel @p0 .LBB2_6-.Ltmp2, $4  }
0x10a: {  	s24 =	sadd.s32 $0x5080, s24;
	[sflag:s19] =	ssyncadd.s32 $0xFFFFC000  }
0x10b: {  	[spmem:s2] =	stream.indirect.scatter.add.f32 [tilespmem:s17], [sflag:$0x3], $0x80, s24, s15, $0xb8;
	v63 =	vld [tilespmem:$0x0]  }
0x10c: {  	_ =	swait.ge [sflag:s12], $0x4000  }
0x10d: {  	s25 =	smov.u32 s29;
	s24 =	sshra.s32 s28, $0x2;
	[sflag:s12] =	ssyncset.done $0x0  }
0x10e: {  	s25 =	sadd.s32 $0x80, s24;
	[sflag:s12] =	ssyncadd.s32 $0xFFFFC000  }
0x10f: {  	[tilespmem:s17], [sflag:$0x2] =	stream.indirect.gather [hbm4b:s4+s15], $0x80, s25, s15, $0xb8;
	v63 =	vld [tilespmem:$0x0]  }
0x110: {  	_ =	swait.ge [sflag:s18], $0x4000  }
0x111: {  	[sflag:s18] =	ssyncset.done $0x0  }
0x112: {  	s26 =	sadd.s32 $0x5000, s24;
	[sflag:s18] =	ssyncadd.s32 $0xFFFFC000  }
0x113: {  	[spmem:s2] =	stream.indirect.scatter.add.f32 [tilespmem:s16], [sflag:$0x3], $0x80, s26, s15, $0xb8;
	v63 =	vld [tilespmem:$0x0]  }
0x114: {  	_ =	swait.ge [sflag:s12], $0x4000  }
0x115: {  	[sflag:s12] =	ssyncset.done $0x0  }
0x116: {  	s28 =	sadd.s32 $0x100, s24;
	[sflag:s12] =	ssyncadd.s32 $0xFFFFC000  }
0x117: {  	[tilespmem:s16], [sflag:$0x1] =	stream.indirect.gather [hbm4b:s4+s15], $0x80, s28, s15, $0xb8;
	v63 =	vld [tilespmem:$0x0]  }
0x118: {  	_ =	swait.ge [sflag:s19], $0x4000  }
0x119: {  	[sflag:s19] =	ssyncset.done $0x0  }
0x11a: {  	s29 =	sadd.s32 $0x5080, s24;
	[sflag:s19] =	ssyncadd.s32 $0xFFFFC000  }
0x11b: {  	[spmem:s2] =	stream.indirect.scatter.add.f32 [tilespmem:s17], [sflag:$0x3], $0x80, s29, s15, $0xb8;
	v63 =	vld [tilespmem:$0x0]  }
0x11c: {  	_ =	swait.ge [sflag:s12], $0x4000  }
0x11d: {  	[sflag:s12] =	ssyncset.done $0x0  }
0x11e: {  	[sflag:s12] =	ssyncadd.s32 $0xFFFFC000  }
0x11f: {  	[tilespmem:s17], [sflag:$0x2] =	stream.indirect.gather [hbm4b:s4+s15], $0x80, s20, s15, $0xb8;
	v63 =	vld [tilespmem:$0x0]  }
0x120: {  	_ =	swait.ge [sflag:s18], $0x4000  }
0x121: {  	[sflag:s18] =	ssyncset.done $0x0  }
0x122: {  	[sflag:s18] =	ssyncadd.s32 $0xFFFFC000  }
0x123: {  	[spmem:s2] =	stream.indirect.scatter.add.f32 [tilespmem:s16], [sflag:$0x3], $0x80, s21, s15, $0xb8;
	v63 =	vld [tilespmem:$0x0]  }
0x124: {  	_ =	swait.ge [sflag:s12], $0x4000  }
0x125: {  	[sflag:s12] =	ssyncset.done $0x0  }
0x126: {  	[sflag:s12] =	ssyncadd.s32 $0xFFFFC000  }
0x127: {  	_ =	swait.ge [sflag:s19], $0x4000  }
0x128: {  	[sflag:s19] =	ssyncset.done $0x0  }
0x129: {  	[sflag:s19] =	ssyncadd.s32 $0xFFFFC000  }
0x12a: {  	[spmem:s2] =	stream.indirect.scatter.add.f32 [tilespmem:s17], [sflag:$0x3], $0x80, s22, s15, $0xb8;
	v63 =	vld [tilespmem:$0x0]  }
0x12b: {  	_ =	swait.ge [sflag:s12], $0x4000  }
0x12c: {  	s30 =	sshll.u32 s0, $0x6;
	s23 =	sadd.s32 $0x1, s23;
	[sflag:s12] =	ssyncset.done $0x0  }
0x12d: {  	s31 =	sshrl.u32 s5, $0x3;
	p0 =	sne.s32 s23, s11;
	[sflag:s12] =	ssyncadd.s32 $0xFFFFC000  }
.Ltmp3:
0x12e: {  	s24 =	sor.u32 $0x1C03, s30;
	[bflag:$0x0] =	sbarrier.arrive $0xFFFF;
	(pc) =	sbr.rel @p0 .LBB2_1-.Ltmp3, $4  }
0x12f: {  	[hbm:s10], [sflag:s24] =	dma.local [spmem:s31], $0x1400  }
0x130: {  	_ =	swait.ge [sflag:s12], $0x1400  }
0x131: {  	[sflag:s12] =	ssyncset.done $0x0  }
0x132: {  	[sflag:s12] =	ssyncadd.s32 $0xFFFFEC00  }
0x133: {  	_ =	sfence.sel $0x180000  }
0x134: {  	[bflag:$0x0] =	sbarrier.arrive $0xFFFF  }
0x135: {  	p0 =	sne.s32 s0, $0x0;
	_ =	strace $0x9000004A  }
0x136: {  	s0 =	sadd.s32 @!p0 $0x100000, s1;
	[bflag:$0x2] =	sbarrier.arrive $0xFFFF  }
0x137: {  	[sflag:s0] =	ssyncadd.tile.s32 @!p0 $0x1;
	_ =	shalt  }
.Lfunc_end2:
_tile_overlayer_lowered:
.L_overlay_start_2:
0x138: {  	(tag) =	ssettag $0x2  }
0x139: {  	s0 =	rddreg [dreg:$0x0];
	s2 =	stileid.u32  }
0x13a: {  	s1 =	rddreg [dreg:$0x1];
	p0 =	sne.s32 s2, $0x0  }
0x13b: {  	s3 =	rddreg [dreg:$0x2];
	[bflag:$0x3] =	sbarrier.arrive $0xFFFF;
	s2 =	simm.s32 @!p0 $0x1C03  }
0x13c: {  	[timem:s3], [sflag:s2] =	dma.local @!p0 [hbm:s0], s1  }
0x13d: {  	s0 =	simm.s32 @!p0 $0x3  }
0x13e: {  	_ =	swait.ge @!p0 [sflag:s0], s1  }
0x13f: {  	s1 =	ssub.s32 @!p0 $0x0, s1;
	[sflag:s0] =	ssyncset.done @!p0 $0x0  }
0x140: {  	[sflag:s0] =	ssyncadd.s32 @!p0 s1  }
0x141: {  	[bflag:$0x3] =	sbarrier.arrive $0xFFFF  }
0x142: {  	_ =	shalt  }

// kernel: kernel.4.cloned.1.call-start
scs
__scs_entry_jumppad:
0x0: {  	(pc) =	sbr.rel $0x88, $3  }
0x1: {  	(tag) =	ssettag $0x0;
	lr =	simm.s32 $0x1  }
0x2: {  	[smem:$0x3F8F] =	sst lr;
	_ =	strace $0xD0000000  }
0x3: {  	_ = 	snop  }
0x4: {  	_ = 	snop  }
0x5: {  	_ = 	snop  }
0x6: {  	_ = 	snop  }
0x7: {  	_ = 	snop  }
__scs_overlays_trampoline_lowered:
0x8: {  	[smem:$0x3F9E] =	sst s0  }
0x9: {  	[smem:$0x3F9F] =	sst s1  }
0xa: {  	[smem:$0x3FA0] =	sst s2  }
0xb: {  	[smem:$0x3FA1] =	sst s3  }
0xc: {  	[smem:$0x3FA2] =	sst s4  }
0xd: {  	[smem:$0x3FA3] =	sst s5  }
0xe: {  	[smem:$0x3FA4] =	sst s6  }
0xf: {  	[smem:$0x3FA5] =	sst s7  }
0x10: {  	[smem:$0x3FA6] =	sst s8  }
0x11: {  	[smem:$0x3FA7] =	sst s9;
	s0 =	simm.s32 @!p0 $0x0  }
0x12: {  	s1 =	sld [smem:$0x3F8D];
	s0 =	simm.s32 @p0 $0x1  }
0x13: {  	[smem:$0x3FA8] =	sst s0;
	s0 =	simm.s32 @!p1 $0x0  }
0x14: {  	s2 =	sld [smem:$0x3F8C];
	s0 =	simm.s32 @p1 $0x1  }
0x15: {  	[smem:$0x3FA9] =	sst s0;
	s0 =	simm.s32 @!p2 $0x0  }
0x16: {  	s3 =	sld [smem:$0x3FDB];
	s0 =	simm.s32 @p2 $0x1  }
0x17: {  	s4 =	simm.s32 $0x1BF5;
	[smem:$0x3FAB] =	sst s0  }
0x18: {  	s0 =	sld [smem:$0x3F8E];
	_ =	swait.ge [sflag:s4], $0x0  }
0x19: {  	s7 =	sld [smem:$0x3F8F]  }
0x1a: {  	s8 =	sadd.s32 $0xFFFFE003, lr  }
0x1b: {  	s9 =	sadd.s32 $0xFFFFFEF7, lr;
	s5 =	simm.s32 $0xFFFFFFFF;
	p2 =	slt.u32 s8, $0xFFFFF086  }
0x1c: {  	p1 =	slt.u32 s9, $0xF7A;
	s5 =	simm.s32 @!p2 $0x0  }
0x1d: {  	s5 =	simm.s32 @p1 $0x1;
	p0 =	seq.s32 s7, s2  }
0x1e: {  	s7 =	smul.u32 @!p0 $0xF7A, s2;
	p2 =	seq.s32 @!p0 s5, $0x0  }
0x1f: {  	s9 =	smul.u32 $0xF7A, s1;
	s8 =	simm.s32 @!p0 $0x1BF5;
	p2 =	por !p2, p0  }
0x20: {  	[sflag:s8] =	ssyncset.s32 @!p0 $0xFFFFF086;
	s6 =	sadd.s32 @!p0 s3, s7;
	s7 =	simm.s32 @!p0 $0x108  }
0x21: {  	s3 =	sadd.s32 s3, s9;
	s6 =	sadd.s32 @!p0 $0x88, s6;
	s7 =	simm.s32 @p2 $0x1082  }
0x22: {  	[simem:s7], [sflag:s8] =	dma.local @!p0 [hbm:s6], $0xF7A  }
0x23: {  	s9 =	sor.u32 $0xD0000000, s2;
	s6 =	simm.s32 $0x108;
	_ =	swait.ge @!p0 [sflag:s8], $0x0  }
0x24: {  	s3 =	sadd.s32 $0x88, s3;
	s6 =	simm.s32 @!p1 $0x1082;
	[sflag:s4] =	ssyncset.s32 $0xFFFFF086  }
0x25: {  	[simem:s6], [sflag:s4] =	dma.local [hbm:s3], $0xF7A  }
0x26: {  	[smem:$0x3F8F] =	sst s1;
	(tag) =	ssettag s2;
	_ =	strace s9  }
0x27: {  	s1 =	sld [smem:$0x3F9F]  }
0x28: {  	s2 =	sld [smem:$0x3FA0]  }
0x29: {  	s4 =	sld [smem:$0x3FA2]  }
0x2a: {  	p0 =	seq.s32 s5, $0x0;
	s5 =	sld [smem:$0x3FA3]  }
0x2b: {  	s6 =	sld [smem:$0x3FA4]  }
0x2c: {  	s7 =	sld [smem:$0x3FA5]  }
0x2d: {  	s3 =	simm.s32 $0x108;
	s8 =	sld [smem:$0x3FA6]  }
0x2e: {  	s3 =	simm.s32 @!p0 $0x1082;
	s9 =	sld [smem:$0x3FA7]  }
0x2f: {  	lr =	sadd.s32 s0, s3;
	s0 =	sld [smem:$0x3F9E]  }
0x30: {  	s3 =	sld [smem:$0x3FA1]  }
0x31: {  	[smem:$0x3FAA] =	sst s10  }
0x32: {  	s10 =	sld [smem:$0x3FA8];
	_ =	sdelay $0x3  }
0x33: {  	p0 =	seq.s32 s10, $0x1;
	s10 =	sld [smem:$0x3FAA];
	_ =	sdelay $0x3  }
0x34: {  	[smem:$0x3FAA] =	sst s10  }
0x35: {  	s10 =	sld [smem:$0x3FA9];
	_ =	sdelay $0x3  }
0x36: {  	p1 =	seq.s32 s10, $0x1;
	s10 =	sld [smem:$0x3FAA];
	_ =	sdelay $0x3  }
0x37: {  	[smem:$0x3FAA] =	sst s10  }
0x38: {  	s10 =	sld [smem:$0x3FAB]  }
0x39: {  	_ = 	snop;
	(pc) =	sbr.ind lr, $3  }
0x3a: {  	_ = 	snop  }
0x3b: {  	_ = 	snop  }
0x3c: {  	p2 =	seq.s32 s10, $0x1;
	s10 =	sld [smem:$0x3FAA]  }
0x3d: {  	_ =	shalt  }
0x3e: {  	_ =	shalt  }
0x3f: {  	_ =	shalt  }
0x40: {  	_ =	shalt  }
0x41: {  	_ =	shalt  }
0x42: {  	_ =	shalt  }
0x43: {  	_ =	shalt  }
0x44: {  	_ =	shalt  }
0x45: {  	_ =	shalt  }
0x46: {  	_ =	shalt  }
0x47: {  	_ =	shalt  }
0x48: {  	_ =	shalt  }
0x49: {  	_ =	shalt  }
0x4a: {  	_ =	shalt  }
0x4b: {  	_ =	shalt  }
0x4c: {  	_ =	shalt  }
0x4d: {  	_ =	shalt  }
0x4e: {  	_ =	shalt  }
0x4f: {  	_ =	shalt  }
0x50: {  	_ =	shalt  }
0x51: {  	_ =	shalt  }
0x52: {  	_ =	shalt  }
0x53: {  	_ =	shalt  }
0x54: {  	_ =	shalt  }
0x55: {  	_ =	shalt  }
0x56: {  	_ =	shalt  }
0x57: {  	_ =	shalt  }
0x58: {  	_ =	shalt  }
0x59: {  	_ =	shalt  }
0x5a: {  	_ =	shalt  }
0x5b: {  	_ =	shalt  }
0x5c: {  	_ =	shalt  }
0x5d: {  	_ =	shalt  }
0x5e: {  	_ =	shalt  }
0x5f: {  	_ =	shalt  }
0x60: {  	_ =	shalt  }
0x61: {  	_ =	shalt  }
0x62: {  	_ =	shalt  }
0x63: {  	_ =	shalt  }
0x64: {  	_ =	shalt  }
0x65: {  	_ =	shalt  }
0x66: {  	_ =	shalt  }
0x67: {  	_ =	shalt  }
0x68: {  	_ =	shalt  }
0x69: {  	_ =	shalt  }
0x6a: {  	_ =	shalt  }
0x6b: {  	_ =	shalt  }
0x6c: {  	_ =	shalt  }
0x6d: {  	_ =	shalt  }
0x6e: {  	_ =	shalt  }
0x6f: {  	_ =	shalt  }
0x70: {  	_ =	shalt  }
0x71: {  	_ =	shalt  }
0x72: {  	_ =	shalt  }
0x73: {  	_ =	shalt  }
0x74: {  	_ =	shalt  }
0x75: {  	_ =	shalt  }
0x76: {  	_ =	shalt  }
0x77: {  	_ =	shalt  }
0x78: {  	_ =	shalt  }
0x79: {  	_ =	shalt  }
0x7a: {  	_ =	shalt  }
0x7b: {  	_ =	shalt  }
0x7c: {  	_ =	shalt  }
0x7d: {  	_ =	shalt  }
0x7e: {  	_ =	shalt  }
0x7f: {  	_ =	shalt  }
0x80: {  	_ =	shalt  }
0x81: {  	_ =	shalt  }
0x82: {  	_ =	shalt  }
0x83: {  	_ =	shalt  }
0x84: {  	_ =	shalt  }
0x85: {  	_ =	shalt  }
0x86: {  	_ =	shalt  }
0x87: {  	_ =	shalt  }
.Lfunc_end0:
.L_simem_size_0:
called_computation.1_lowered:
.L_overlay_start_0:
0x88: {  	s2 =	sld [smem:$0x3FD9]  }
0x89: {  	s3 =	sld [smem:$0x3FFE];
	_ =	sdelay $0x1  }
0x8a: {  	s1 =	srdreg.scid  }
0x8b: {  	s0 =	sand.u32 $0x1, s1  }
0x8c: {  	s16 =	sshll.u32 s0, $0xA;
	s2 =	sadd.s32 s3, s2  }
0x8d: {  	s2 =	sadd.s32 s2, s16  }
0x8e: {  	[smem:$0x3FB6] =	sst s2  }
0x8f: {  	_ = 	snop  }
0x90: {  	(tm) =	ssettm $0x1  }
0x91: {  	s17 =	sld [smem:$0x3FFB];
	_ =	sdelay $0x3  }
0x92: {  	_ =	strace s17  }
0x93: {  	s2 =	sld [smem:$0x3FFC];
	_ =	sdelay $0x3  }
0x94: {  	_ =	strace s2  }
0x95: {  	s2 =	sld [smem:$0x3FFD];
	_ =	sdelay $0x3  }
0x96: {  	_ =	strace s2  }
0x97: {  	_ =	strace $0x8FFFFFFF  }
0x98: {  	s18 =	sld [smem:$0x3FDB];
	_ =	sdelay $0x1  }
0x99: {  	s19 =	simm.s32 $_scs_section_size  }
0x9a: {  	s4 =	simm.s32 $_size__tile_overlayer_lowered;
	s5 =	simm.s32 $_tile_overlayer_lowered  }
0x9b: {  	s22 =	simm.s32 $0x1BFF;
	s21 =	sshll.u32 s5, $0x1;
	s2 =	sadd.s32 s19, s18  }
0x9c: {  	s6 =	simm.s32 $0x0;
	s20 =	sshll.u32 s4, $0x1;
	s4 =	sadd.s32 s21, s2  }
0x9d: {  	[timem:s6], [sflag:s22] =	dma.local [hbm:s4], s20  }
0x9e: {  	_ =	swait.ge [sflag:s22], s20  }
0x9f: {  	s3 =	ssub.s32 $0x0, s20;
	[sflag:s22] =	ssyncset.done $0x0  }
0xa0: {  	[sflag:s22] =	ssyncadd.s32 s3;
	_ =	sdelay $0x1  }
0xa1: {  	s23 =	simm.s32 $0x1B8B  }
0xa2: {  	_ =	swait.ge [sflag:s23], $0x1  }
0xa3: {  	[sflag:s23] =	ssyncset.done $0x0  }
0xa4: {  	s25 =	simm.s32 $0x1B8E;
	s24 =	sld [smem:$0x3FFE];
	[sflag:s23] =	ssyncadd.s32 $0xFFFFFFFF  }
0xa5: {  	s26 =	simm.s32 $execute0_lowered;
	[smem:$0x3FD2] =	sst s25  }
0xa6: {  	s4 =	sshll.u32 s26, $0x1;
	_ =	strace $0x80000046;
	[dreg:$0x1] =	wrdreg $0xFFFFFFFF  }
0xa7: {  	s28 =	simm.s32 $_size_execute0_lowered;
	s2 =	sadd.s32 s2, s4;
	[dreg:$0x0] =	wrdreg $0x0  }
0xa8: {  	s4 =	sshll.u32 s28, $0x1;
	[dreg:$0x2] =	wrdreg s2  }
0xa9: {  	[dreg:$0x3] =	wrdreg s4  }
0xaa: {  	[dreg:$0x4] =	wrdreg $0xC0  }
0xab: {  	_ =	task [dreg:s6], $0x5FFFF  }
0xac: {  	[dreg:$0x1] =	wrdreg $0xFFFFFFFF  }
0xad: {  	[dreg:$0x0] =	wrdreg $0x60  }
0xae: {  	[dreg:$0x2] =	wrdreg s24  }
0xaf: {  	[dreg:$0x3] =	wrdreg $0x9  }
0xb0: {  	_ =	task.clear_ibuf [dreg:s6], $0x4FFFF;
	_ =	strace $0x90000046  }
0xb1: {  	s29 =	simm.s32 $0x9;
	_ =	strace $0x80000048  }
0xb2: {  	_ =	swait.ge [sflag:s29], $0x1  }
0xb3: {  	[sflag:s29] =	ssyncadd.s32 $0xFFFFFFFF  }
0xb4: {  	_ =	strace $0x90000048  }
0xb5: {  	_ =	sfence  }
0xb6: {  	s30 =	sld [smem:$0x0];
	_ =	sdelay $0x2  }
0xb7: {  	s31 =	sshll.u32 s1, $0xD;
	s1 =	sshrl.u32 s1, $0x2  }
0xb8: {  	s3 =	sand.u32 $0x4000, s31;
	s1 =	sadd.s32 s1, s30  }
0xb9: {  	s0 =	sor.u32 s3, s0;
	s1 =	sshll.u32 s1, $0x11  }
0xba: {  	s0 =	sor.u32 s1, s0  }
0xbb: {  	s0 =	sadd.s32 $0x8F2B, s0  }
0xbc: {  	[sflag:s0] =	ssyncadd.remote.s32 $0x1  }
0xbd: {  	_ =	sfence.sel $0xFFFF  }
0xbe: {  	[dreg:$0x0] =	wrdreg $0xFFFFFFFF;
	(pc) =	sbr.abs _section_cstart, $3  }
0xbf: {  	[dreg:$0x1] =	wrdreg $0xFFFFFFFF  }
0xc0: {  	_ =	task.clear_ibuf [dreg:s6], $0x2FFFF;
	_ =	strace $0x9FFFFFFF  }
0xc1: {  	(tm) =	ssettm $0x7FFFFFFF  }
tec
execute0_lowered:
.L_overlay_start_1:
0x0: {  	(tag) =	ssettag $0x1  }
0x1: {  	s1 =	srdreg.scid;
	s0 =	stileid.u32  }
0x2: {  	s4 =	rddreg [dreg:$0x0];
	s2 =	simm.s32 $0x0;
	s11 =	simm.s32 $0x80  }
0x3: {  	s12 =	simm.s32 $0xDC00;
	s13 =	simm.s32 $0x100;
	s14 =	simm.s32 $0x10400  }
0x4: {  	s15 =	simm.s32 $0x180;
	s16 =	simm.s32 $0x12C00;
	s17 =	simm.s32 $0x1  }
0x5: {  	s18 =	simm.s32 $0x15400;
	s19 =	simm.s32 $0x17C00;
	s20 =	simm.s32 $0x1A400  }
0x6: {  	s21 =	simm.s32 $0x1CC00;
	s22 =	simm.s32 $0x2;
	s23 =	simm.s32 $0x1400  }
0x7: {  	s24 =	simm.s32 $0x0;
	s5 =	sand.u32 $0x1, s1;
	s3 =	sshll.u32 s0, $0x1  }
0x8: {  	s1 =	rddreg [dreg:$0x1];
	s10 =	smul.u32 $0x280, s0;
	s3 =	sor.u32 s5, s3  }
0x9: {  	[smem:$0x7FF] =	sst s2;
	s8 =	ssub.s32 $0x2, s5;
	s6 =	smul.u32 $0x280, s3  }
0xa: {  	_ =	strace $0x80000047;
	s7 =	smul.u32 $0x1400, s3;
	s9 =	sshrl.u32 s8, $0x1  }
0xb: {  	s31 =	smul.u32 $0x140, s5;
	s3 =	sadd.s32 $0x8E00, s4;
	s8 =	ssub.s32 s8, s9  }
0xc: {  	s9 =	simm.s32 $0x50;
	s6 =	sadd.s32 s6, s4;
	s7 =	sadd.s32 s7, s4  }
0xd: {  	s4 =	sadd.s32 $0x3E00, s6;
	s5 =	sadd.s32 $0xD200, s7;
	s6 =	smax.u32 s8, $0x1  }
0xe: {  	v0 =	vimm.f32 $0.0e+00;
	s7 =	sadd.s32 s31, s10;
	s8 =	simm.s32 $0x3;
	s10 =	simm.s32 $0xB400  }
.LBB2_1:
0xf: {  	[tilespmem:s2], [sflag:$0x3] =	stream.linear.gather [hbm4b:s4+s2], $0x1400, $0x38;
	[tilespmem:$0x1F400] =	vst v63  }
0x10: {  	_ =	swait.ge [sflag:s8], $0x1400  }
0x11: {  	[sflag:s8] =	ssyncset.done $0x0  }
0x12: {  	s25 =	simm.s32 $0x0;
	s26 =	simm.s32 $0x200;
	[sflag:s8] =	ssyncadd.s32 $0xFFFFEC00  }
.LBB2_2:
0x13: {  	p0 =	sne.s32 s26, $0x27E00;
	[tilespmem:s25+$0x1470] =	vst v0  }
0x14: {  	[tilespmem:s25+$0x1400] =	vst v0  }
0x15: {  	[tilespmem:s25+$0x1410] =	vst v0  }
.Ltmp0:
0x16: {  	[tilespmem:s25+$0x1420] =	vst v0;
	(pc) =	sbr.rel @p0 .LBB2_2-.Ltmp0, $4  }
0x17: {  	[tilespmem:s25+$0x1430] =	vst v0  }
0x18: {  	[tilespmem:s25+$0x1440] =	vst v0  }
0x19: {  	[tilespmem:s25+$0x1450] =	vst v0  }
0x1a: {  	[tilespmem:s25+$0x1460] =	vst v0;
	s25 =	sshra.s32 s26, $0x2;
	s26 =	sadd.s32 $0x200, s26  }
0x1b: {  	[tilespmem:s25+$0x1470] =	vst v0  }
0x1c: {  	[tilespmem:s25+$0x1400] =	vst v0  }
0x1d: {  	[tilespmem:s25+$0x1410] =	vst v0  }
0x1e: {  	[tilespmem:s25+$0x1420] =	vst v0  }
0x1f: {  	[tilespmem:s25+$0x1430] =	vst v0  }
0x20: {  	[tilespmem:s25+$0x1440] =	vst v0  }
0x21: {  	[tilespmem:s25+$0x1450] =	vst v0  }
0x22: {  	[tilespmem:s25+$0x1460] =	vst v0;
	s25 =	simm.s32 $0x0  }
0x23: {  	[tilespmem:s10], [sflag:$0x1] =	stream.indirect.gather [hbm4b:s3+s9], $0x80, s25, s9, $0xb8;
	[tilespmem:$0x1F400] =	vst v63  }
0x24: {  	_ = 	snop  }
0x25: {  	[tilespmem:s12], [sflag:$0x1] =	stream.indirect.gather [hbm4b:s3+s9], $0x80, s11, s9, $0xb8;
	[tilespmem:$0x1F400] =	vst v63  }
0x26: {  	_ = 	snop  }
0x27: {  	[tilespmem:s14], [sflag:$0x1] =	stream.indirect.gather [hbm4b:s3+s9], $0x80, s13, s9, $0xb8;
	[tilespmem:$0x1F400] =	vst v63  }
0x28: {  	_ = 	snop  }
0x29: {  	[tilespmem:s16], [sflag:$0x1] =	stream.indirect.gather [hbm4b:s3+s9], $0x80, s15, s9, $0xb8;
	[tilespmem:$0x1F400] =	vst v63  }
.LBB2_4:
0x2a: {  	_ =	swait.ge [sflag:s17], $0x2800  }
0x2b: {  	[sflag:s17] =	ssyncset.done $0x0  }
0x2c: {  	[sflag:s17] =	ssyncadd.s32 $0xFFFFD800  }
0x2d: {  	_ =	swait.ge [sflag:s17], $0x2800  }
0x2e: {  	[sflag:s17] =	ssyncset.done $0x0  }
0x2f: {  	[sflag:s17] =	ssyncadd.s32 $0xFFFFD800  }
0x30: {  	_ =	swait.ge [sflag:s17], $0x2800  }
0x31: {  	[sflag:s17] =	ssyncset.done $0x0  }
0x32: {  	[sflag:s17] =	ssyncadd.s32 $0xFFFFD800  }
0x33: {  	s26 =	sshll.u32 s25, $0xA;
	_ =	swait.ge [sflag:s17], $0x2800  }
0x34: {  	s26 =	sand.u32 $0x3FFFFC00, s26;
	[sflag:s17] =	ssyncset.done $0x0  }
0x35: {  	s28 =	sor.u32 $0x200, s26;
	[sflag:s17] =	ssyncadd.s32 $0xFFFFD800  }
0x36: {  	[tilespmem:s18], [sflag:$0x2] =	stream.indirect.gather [hbm4b:s3+s9], $0x80, s28, s9, $0xb8;
	[tilespmem:$0x1F400] =	vst v63  }
0x37: {  	s28 =	sor.u32 $0x280, s26  }
0x38: {  	[tilespmem:s19], [sflag:$0x2] =	stream.indirect.gather [hbm4b:s3+s9], $0x80, s28, s9, $0xb8;
	[tilespmem:$0x1F400] =	vst v63  }
0x39: {  	s28 =	sor.u32 $0x300, s26  }
0x3a: {  	[tilespmem:s20], [sflag:$0x2] =	stream.indirect.gather [hbm4b:s3+s9], $0x80, s28, s9, $0xb8;
	[tilespmem:$0x1F400] =	vst v63  }
0x3b: {  	s28 =	sor.u32 $0x380, s26  }
0x3c: {  	[tilespmem:s21], [sflag:$0x2] =	stream.indirect.gather [hbm4b:s3+s9], $0x80, s28, s9, $0xb8;
	[tilespmem:$0x1F400] =	vst v63  }
0x3d: {  	s28 =	simm.s32 $0x0  }
0x3e: {  	v8 =	vld [tilespmem:s28+$0xB400]  }
0x3f: {  	v12 =	vld [tilespmem:s28+$0xB410]  }
0x40: {  	v6 =	vld [tilespmem:s28+$0xB420]  }
0x41: {  	v5 =	vld [tilespmem:s28+$0xB430]  }
0x42: {  	v4 =	vld [tilespmem:s28+$0xB440]  }
0x43: {  	v3 =	vld [tilespmem:s28+$0xB450]  }
0x44: {  	v2 =	vld [tilespmem:s28+$0xB460]  }
0x45: {  	v1 =	vld [tilespmem:s28+$0xB470]  }
0x46: {  	v13 =	vld [tilespmem:s28+$0x1400]  }
0x47: {  	v14 =	vld [tilespmem:s28+$0x1410]  }
0x48: {  	v11 =	vld [tilespmem:s28+$0x1420]  }
0x49: {  	v10 =	vld [tilespmem:s28+$0x1430]  }
0x4a: {  	v9 =	vld [tilespmem:s28+$0x1440]  }
0x4b: {  	v7 =	vld [tilespmem:s28+$0x1450];
	v13 =	vadd.f32 v8, v13  }
0x4c: {  	s29 =	simm.s32 $0x200;
	v12 =	vadd.f32 v12, v14;
	v8 =	vld [tilespmem:s28+$0x1460]  }
.LBB2_5:
0x4d: {  	s30 =	sshra.s32 s29, $0x2;
	p0 =	sne.s32 s29, $0x27E00;
	[tilespmem:s28+$0x1400] =	vst v13;
	v6 =	vadd.f32 v6, v11;
	v11 =	vld [tilespmem:s28+$0x1470]  }
0x4e: {  	v13 =	vld [tilespmem:s30+$0xB400];
	[tilespmem:s28+$0x1410] =	vst v12;
	v5 =	vadd.f32 v5, v10  }
0x4f: {  	v12 =	vld [tilespmem:s30+$0xB410];
	[tilespmem:s28+$0x1420] =	vst v6;
	v4 =	vadd.f32 v4, v9  }
0x50: {  	v6 =	vld [tilespmem:s30+$0xB420];
	[tilespmem:s28+$0x1430] =	vst v5;
	v3 =	vadd.f32 v3, v7  }
0x51: {  	v5 =	vld [tilespmem:s30+$0xB430];
	[tilespmem:s28+$0x1440] =	vst v4;
	v2 =	vadd.f32 v2, v8  }
0x52: {  	v4 =	vld [tilespmem:s30+$0xB440];
	[tilespmem:s28+$0x1450] =	vst v3;
	v1 =	vadd.f32 v1, v11  }
0x53: {  	v3 =	vld [tilespmem:s30+$0xB450];
	[tilespmem:s28+$0x1460] =	vst v2  }
0x54: {  	v2 =	vld [tilespmem:s30+$0xB460];
	[tilespmem:s28+$0x1470] =	vst v1;
	s28 =	smov.u32 s30  }
0x55: {  	v1 =	vld [tilespmem:s28+$0xB470]  }
0x56: {  	v7 =	vld [tilespmem:s28+$0x1400]  }
0x57: {  	v8 =	vld [tilespmem:s28+$0x1410]  }
.Ltmp1:
0x58: {  	v11 =	vld [tilespmem:s28+$0x1420];
	(pc) =	sbr.rel @p0 .LBB2_5-.Ltmp1, $4  }
0x59: {  	v10 =	vld [tilespmem:s28+$0x1430]  }
0x5a: {  	v9 =	vld [tilespmem:s28+$0x1440]  }
0x5b: {  	v13 =	vadd.f32 v13, v7;
	v7 =	vld [tilespmem:s28+$0x1450]  }
0x5c: {  	s29 =	sadd.s32 $0x200, s29;
	v12 =	vadd.f32 v12, v8;
	v8 =	vld [tilespmem:s28+$0x1460]  }
0x5d: {  	[tilespmem:s28+$0x1400] =	vst v13;
	v6 =	vadd.f32 v6, v11;
	v11 =	vld [tilespmem:s28+$0x1470]  }
0x5e: {  	[tilespmem:s28+$0x1410] =	vst v12;
	v5 =	vadd.f32 v5, v10  }
0x5f: {  	[tilespmem:s28+$0x1420] =	vst v6;
	v4 =	vadd.f32 v4, v9  }
0x60: {  	[tilespmem:s28+$0x1430] =	vst v5;
	v3 =	vadd.f32 v3, v7  }
0x61: {  	[tilespmem:s28+$0x1440] =	vst v4;
	v2 =	vadd.f32 v2, v8  }
0x62: {  	[tilespmem:s28+$0x1450] =	vst v3;
	v1 =	vadd.f32 v1, v11  }
0x63: {  	[tilespmem:s28+$0x1460] =	vst v2  }
0x64: {  	[tilespmem:s28+$0x1470] =	vst v1  }
0x65: {  	_ =	swait.ge [sflag:s22], $0x2800  }
0x66: {  	[sflag:s22] =	ssyncset.done $0x0  }
0x67: {  	[sflag:s22] =	ssyncadd.s32 $0xFFFFD800  }
0x68: {  	_ =	swait.ge [sflag:s22], $0x2800  }
0x69: {  	[sflag:s22] =	ssyncset.done $0x0  }
0x6a: {  	[sflag:s22] =	ssyncadd.s32 $0xFFFFD800  }
0x6b: {  	_ =	swait.ge [sflag:s22], $0x2800  }
0x6c: {  	[sflag:s22] =	ssyncset.done $0x0  }
0x6d: {  	[sflag:s22] =	ssyncadd.s32 $0xFFFFD800  }
0x6e: {  	_ =	swait.ge [sflag:s22], $0x2800  }
0x6f: {  	[sflag:s22] =	ssyncset.done $0x0  }
0x70: {  	s28 =	sadd.s32 $0x400, s26;
	[sflag:s22] =	ssyncadd.s32 $0xFFFFD800  }
0x71: {  	[tilespmem:s10], [sflag:$0x1] =	stream.indirect.gather [hbm4b:s3+s9], $0x80, s28, s9, $0xb8;
	[tilespmem:$0x1F400] =	vst v63  }
0x72: {  	s28 =	sadd.s32 $0x480, s26  }
0x73: {  	[tilespmem:s12], [sflag:$0x1] =	stream.indirect.gather [hbm4b:s3+s9], $0x80, s28, s9, $0xb8;
	[tilespmem:$0x1F400] =	vst v63  }
0x74: {  	s28 =	sadd.s32 $0x500, s26  }
0x75: {  	[tilespmem:s14], [sflag:$0x1] =	stream.indirect.gather [hbm4b:s3+s9], $0x80, s28, s9, $0xb8;
	[tilespmem:$0x1F400] =	vst v63  }
0x76: {  	s31 =	sadd.s32 $0x580, s26;
	s26 =	simm.s32 $0x0  }
0x77: {  	[tilespmem:s16], [sflag:$0x1] =	stream.indirect.gather [hbm4b:s3+s9], $0x80, s31, s9, $0xb8;
	[tilespmem:$0x1F400] =	vst v63  }
0x78: {  	v8 =	vld [tilespmem:s26+$0x15400]  }
0x79: {  	v12 =	vld [tilespmem:s26+$0x15410]  }
0x7a: {  	v6 =	vld [tilespmem:s26+$0x15420]  }
0x7b: {  	v5 =	vld [tilespmem:s26+$0x15430]  }
0x7c: {  	v4 =	vld [tilespmem:s26+$0x15440]  }
0x7d: {  	v3 =	vld [tilespmem:s26+$0x15450]  }
0x7e: {  	v2 =	vld [tilespmem:s26+$0x15460]  }
0x7f: {  	v1 =	vld [tilespmem:s26+$0x15470]  }
0x80: {  	v13 =	vld [tilespmem:s26+$0x1400]  }
0x81: {  	v14 =	vld [tilespmem:s26+$0x1410]  }
0x82: {  	v11 =	vld [tilespmem:s26+$0x1420]  }
0x83: {  	v10 =	vld [tilespmem:s26+$0x1430]  }
0x84: {  	v9 =	vld [tilespmem:s26+$0x1440]  }
0x85: {  	v7 =	vld [tilespmem:s26+$0x1450];
	v13 =	vadd.f32 v8, v13  }
0x86: {  	s28 =	simm.s32 $0x200;
	v12 =	vadd.f32 v12, v14;
	v8 =	vld [tilespmem:s26+$0x1460]  }
.LBB2_7:
0x87: {  	s29 =	sshra.s32 s28, $0x2;
	p0 =	sne.s32 s28, $0x27E00;
	[tilespmem:s26+$0x1400] =	vst v13;
	v6 =	vadd.f32 v6, v11;
	v11 =	vld [tilespmem:s26+$0x1470]  }
0x88: {  	v13 =	vld [tilespmem:s29+$0x15400];
	[tilespmem:s26+$0x1410] =	vst v12;
	v5 =	vadd.f32 v5, v10  }
0x89: {  	v12 =	vld [tilespmem:s29+$0x15410];
	[tilespmem:s26+$0x1420] =	vst v6;
	v4 =	vadd.f32 v4, v9  }
0x8a: {  	v6 =	vld [tilespmem:s29+$0x15420];
	[tilespmem:s26+$0x1430] =	vst v5;
	v3 =	vadd.f32 v3, v7  }
0x8b: {  	v5 =	vld [tilespmem:s29+$0x15430];
	[tilespmem:s26+$0x1440] =	vst v4;
	v2 =	vadd.f32 v2, v8  }
0x8c: {  	v4 =	vld [tilespmem:s29+$0x15440];
	[tilespmem:s26+$0x1450] =	vst v3;
	v1 =	vadd.f32 v1, v11  }
0x8d: {  	v3 =	vld [tilespmem:s29+$0x15450];
	[tilespmem:s26+$0x1460] =	vst v2  }
0x8e: {  	v2 =	vld [tilespmem:s29+$0x15460];
	[tilespmem:s26+$0x1470] =	vst v1;
	s26 =	smov.u32 s29  }
0x8f: {  	v1 =	vld [tilespmem:s26+$0x15470]  }
0x90: {  	v7 =	vld [tilespmem:s26+$0x1400]  }
0x91: {  	v8 =	vld [tilespmem:s26+$0x1410]  }
.Ltmp2:
0x92: {  	v11 =	vld [tilespmem:s26+$0x1420];
	(pc) =	sbr.rel @p0 .LBB2_7-.Ltmp2, $4  }
0x93: {  	v10 =	vld [tilespmem:s26+$0x1430]  }
0x94: {  	v9 =	vld [tilespmem:s26+$0x1440]  }
0x95: {  	v13 =	vadd.f32 v13, v7;
	v7 =	vld [tilespmem:s26+$0x1450]  }
0x96: {  	s28 =	sadd.s32 $0x200, s28;
	v12 =	vadd.f32 v12, v8;
	v8 =	vld [tilespmem:s26+$0x1460]  }
0x97: {  	[tilespmem:s26+$0x1400] =	vst v13;
	v6 =	vadd.f32 v6, v11;
	v63 =	vld [tilespmem:s26+$0x1470]  }
0x98: {  	s25 =	sadd.s32 $0x1, s25;
	[tilespmem:s26+$0x1410] =	vst v12;
	v5 =	vadd.f32 v5, v10  }
0x99: {  	p0 =	sne.s32 s25, $0x4;
	[tilespmem:s26+$0x1420] =	vst v6;
	v4 =	vadd.f32 v4, v9  }
.Ltmp3:
0x9a: {  	[tilespmem:s26+$0x1430] =	vst v5;
	v3 =	vadd.f32 v3, v7;
	(pc) =	sbr.rel @p0 .LBB2_4-.Ltmp3, $4  }
0x9b: {  	[tilespmem:s26+$0x1440] =	vst v4;
	v2 =	vadd.f32 v2, v8  }
0x9c: {  	[tilespmem:s26+$0x1450] =	vst v3;
	v1 =	vadd.f32 v1, v63  }
0x9d: {  	[tilespmem:s26+$0x1460] =	vst v2  }
0x9e: {  	[tilespmem:s26+$0x1470] =	vst v1  }
0x9f: {  	_ =	swait.ge [sflag:s17], $0x2800  }
0xa0: {  	[sflag:s17] =	ssyncset.done $0x0  }
0xa1: {  	[sflag:s17] =	ssyncadd.s32 $0xFFFFD800  }
0xa2: {  	_ =	swait.ge [sflag:s17], $0x2800  }
0xa3: {  	[sflag:s17] =	ssyncset.done $0x0  }
0xa4: {  	[sflag:s17] =	ssyncadd.s32 $0xFFFFD800  }
0xa5: {  	_ =	swait.ge [sflag:s17], $0x2800  }
0xa6: {  	[sflag:s17] =	ssyncset.done $0x0  }
0xa7: {  	[sflag:s17] =	ssyncadd.s32 $0xFFFFD800  }
0xa8: {  	_ =	swait.ge [sflag:s17], $0x2800  }
0xa9: {  	[sflag:s17] =	ssyncset.done $0x0  }
0xaa: {  	s25 =	simm.s32 $0x0;
	[sflag:s17] =	ssyncadd.s32 $0xFFFFD800  }
0xab: {  	v8 =	vld [tilespmem:s25+$0xB400]  }
0xac: {  	v12 =	vld [tilespmem:s25+$0xB410]  }
0xad: {  	v6 =	vld [tilespmem:s25+$0xB420]  }
0xae: {  	v5 =	vld [tilespmem:s25+$0xB430]  }
0xaf: {  	v4 =	vld [tilespmem:s25+$0xB440]  }
0xb0: {  	v3 =	vld [tilespmem:s25+$0xB450]  }
0xb1: {  	v2 =	vld [tilespmem:s25+$0xB460]  }
0xb2: {  	v1 =	vld [tilespmem:s25+$0xB470]  }
0xb3: {  	v13 =	vld [tilespmem:s25+$0x1400]  }
0xb4: {  	v14 =	vld [tilespmem:s25+$0x1410]  }
0xb5: {  	v11 =	vld [tilespmem:s25+$0x1420]  }
0xb6: {  	v10 =	vld [tilespmem:s25+$0x1430]  }
0xb7: {  	v9 =	vld [tilespmem:s25+$0x1440]  }
0xb8: {  	v7 =	vld [tilespmem:s25+$0x1450];
	v13 =	vadd.f32 v8, v13  }
0xb9: {  	s26 =	simm.s32 $0x200;
	v12 =	vadd.f32 v12, v14;
	v8 =	vld [tilespmem:s25+$0x1460]  }
.LBB2_10:
0xba: {  	s28 =	sshra.s32 s26, $0x2;
	p0 =	sne.s32 s26, $0x27E00;
	[tilespmem:s25+$0x1400] =	vst v13;
	v6 =	vadd.f32 v6, v11;
	v11 =	vld [tilespmem:s25+$0x1470]  }
0xbb: {  	v13 =	vld [tilespmem:s28+$0xB400];
	[tilespmem:s25+$0x1410] =	vst v12;
	v5 =	vadd.f32 v5, v10  }
0xbc: {  	v12 =	vld [tilespmem:s28+$0xB410];
	[tilespmem:s25+$0x1420] =	vst v6;
	v4 =	vadd.f32 v4, v9  }
0xbd: {  	v6 =	vld [tilespmem:s28+$0xB420];
	[tilespmem:s25+$0x1430] =	vst v5;
	v3 =	vadd.f32 v3, v7  }
0xbe: {  	v5 =	vld [tilespmem:s28+$0xB430];
	[tilespmem:s25+$0x1440] =	vst v4;
	v2 =	vadd.f32 v2, v8  }
0xbf: {  	v4 =	vld [tilespmem:s28+$0xB440];
	[tilespmem:s25+$0x1450] =	vst v3;
	v1 =	vadd.f32 v1, v11  }
0xc0: {  	v3 =	vld [tilespmem:s28+$0xB450];
	[tilespmem:s25+$0x1460] =	vst v2  }
0xc1: {  	v2 =	vld [tilespmem:s28+$0xB460];
	[tilespmem:s25+$0x1470] =	vst v1;
	s25 =	smov.u32 s28  }
0xc2: {  	v1 =	vld [tilespmem:s25+$0xB470]  }
0xc3: {  	v7 =	vld [tilespmem:s25+$0x1400]  }
0xc4: {  	v8 =	vld [tilespmem:s25+$0x1410]  }
.Ltmp4:
0xc5: {  	v11 =	vld [tilespmem:s25+$0x1420];
	(pc) =	sbr.rel @p0 .LBB2_10-.Ltmp4, $4  }
0xc6: {  	v10 =	vld [tilespmem:s25+$0x1430]  }
0xc7: {  	v9 =	vld [tilespmem:s25+$0x1440]  }
0xc8: {  	v13 =	vadd.f32 v13, v7;
	v7 =	vld [tilespmem:s25+$0x1450]  }
0xc9: {  	s26 =	sadd.s32 $0x200, s26;
	v12 =	vadd.f32 v12, v8;
	v8 =	vld [tilespmem:s25+$0x1460]  }
0xca: {  	[tilespmem:s25+$0x1400] =	vst v13;
	v6 =	vadd.f32 v6, v11;
	v63 =	vld [tilespmem:s25+$0x1470]  }
0xcb: {  	[tilespmem:s25+$0x1410] =	vst v12;
	v5 =	vadd.f32 v5, v10  }
0xcc: {  	[tilespmem:s25+$0x1420] =	vst v6;
	v4 =	vadd.f32 v4, v9  }
0xcd: {  	[tilespmem:s25+$0x1430] =	vst v5;
	v3 =	vadd.f32 v3, v7  }
0xce: {  	[tilespmem:s25+$0x1440] =	vst v4;
	v2 =	vadd.f32 v2, v8  }
0xcf: {  	[tilespmem:s25+$0x1450] =	vst v3;
	v1 =	vadd.f32 v1, v63  }
0xd0: {  	[tilespmem:s25+$0x1460] =	vst v2  }
0xd1: {  	[tilespmem:s25+$0x1470] =	vst v1;
	s25 =	simm.s32 $0x1440  }
0xd2: {  	v5 =	vld [tilespmem:s25+$0xFFFFFFC0]  }
0xd3: {  	v6 =	vld [tilespmem:s25+$0xFFFFFFD0]  }
0xd4: {  	s26 =	sadd.s32 $0x0, s7;
	v3 =	vld [tilespmem:s25+$0xFFFFFFE0]  }
0xd5: {  	p0 =	slt.u32 s26, $0x2710;
	s26 =	simm.f32 $1.000000000e+00;
	v1 =	vld [tilespmem:s25+$0x0]  }
0xd6: {  	s26 =	simm.s32 @!p0 $0x0;
	v2 =	vld [tilespmem:s25+$0x10]  }
0xd7: {  	v4 =	vld [tilespmem:s25+$0x20];
	v7 =	vmul.f32 s26, v5  }
0xd8: {  	s28 =	simm.s32 $0x1;
	s29 =	simm.s32 $0x1440;
	v6 =	vmul.f32 s26, v6;
	v5 =	vld [tilespmem:s25+$0x30]  }
.LBB2_12:
0xd9: {  	[tilespmem:s25+$0xFFFFFFC0] =	vst v7;
	v7 =	vld [tilespmem:s25+$0xFFFFFFF0]  }
0xda: {  	p0 =	sne.s32 s28, $0x13F;
	v3 =	vmul.f32 s26, v3;
	s29 =	sadd.s32 $0x80, s29  }
0xdb: {  	v8 =	vld [tilespmem:s29+$0xFFFFFFC0];
	[tilespmem:s25+$0xFFFFFFD0] =	vst v6;
	v1 =	vmul.f32 s26, v1  }
0xdc: {  	v6 =	vld [tilespmem:s29+$0xFFFFFFD0];
	[tilespmem:s25+$0xFFFFFFE0] =	vst v3;
	v2 =	vmul.f32 s26, v2  }
.Ltmp5:
0xdd: {  	s30 =	sadd.s32 s28, s7;
	v3 =	vld [tilespmem:s29+$0xFFFFFFE0];
	[tilespmem:s25+$0x0] =	vst v1;
	v4 =	vmul.f32 s26, v4;
	(pc) =	sbr.rel @p0 .LBB2_12-.Ltmp5, $4  }
0xde: {  	p1 =	slt.u32 s30, $0x2710;
	v1 =	vld [tilespmem:s29+$0x0];
	[tilespmem:s25+$0x10] =	vst v2;
	v5 =	vmul.f32 s26, v5;
	v9 =	vmul.f32 s26, v7;
	s26 =	simm.f32 $1.000000000e+00  }
0xdf: {  	v2 =	vld [tilespmem:s29+$0x10];
	[tilespmem:s25+$0x20] =	vst v4;
	s26 =	simm.s32 @!p1 $0x0  }
0xe0: {  	v7 =	vmul.f32 s26, v8;
	v4 =	vld [tilespmem:s29+$0x20];
	[tilespmem:s25+$0x30] =	vst v5  }
0xe1: {  	s28 =	sadd.s32 $0x1, s28;
	v6 =	vmul.f32 s26, v6;
	v5 =	vld [tilespmem:s29+$0x30];
	[tilespmem:s25+$0xFFFFFFF0] =	vst v9;
	s25 =	smov.u32 s29  }
0xe2: {  	[tilespmem:s25+$0xFFFFFFC0] =	vst v7;
	v3 =	vmul.f32 s26, v3;
	v63 =	vld [tilespmem:s25+$0xFFFFFFF0]  }
0xe3: {  	[tilespmem:s25+$0xFFFFFFD0] =	vst v6;
	v1 =	vmul.f32 s26, v1  }
0xe4: {  	[tilespmem:s25+$0xFFFFFFE0] =	vst v3;
	v2 =	vmul.f32 s26, v2  }
0xe5: {  	[tilespmem:s25+$0x0] =	vst v1;
	v1 =	vmul.f32 s26, v4  }
0xe6: {  	[tilespmem:s25+$0x10] =	vst v2;
	v2 =	vmul.f32 s26, v5  }
0xe7: {  	s24 =	sadd.s32 $0x1, s24;
	v3 =	vmul.f32 s26, v63;
	[tilespmem:s25+$0x20] =	vst v1  }
0xe8: {  	p0 =	sne.s32 s24, s6;
	[tilespmem:s25+$0x30] =	vst v2  }
.Ltmp6:
0xe9: {  	[tilespmem:s25+$0xFFFFFFF0] =	vst v3;
	(pc) =	sbr.rel @p0 .LBB2_1-.Ltmp6, $4  }
0xea: {  	[hbm4b:s5+s2] =	stream.linear.scatter [tilespmem:s23], [sflag:$0x3], $0xA000, $0x38;
	[tilespmem:$0x1F400] =	vst v63  }
0xeb: {  	_ =	swait.ge [sflag:s8], $0xA000  }
0xec: {  	[sflag:s8] =	ssyncset.done $0x0  }
0xed: {  	[sflag:s8] =	ssyncadd.s32 $0xFFFF6000  }
0xee: {  	_ =	sfence.sel $0x180000  }
0xef: {  	[bflag:$0x0] =	sbarrier.arrive $0xFFFF  }
0xf0: {  	p0 =	sne.s32 s0, $0x0;
	_ =	strace $0x90000047  }
0xf1: {  	s0 =	sadd.s32 @!p0 $0x100000, s1;
	[bflag:$0x2] =	sbarrier.arrive $0xFFFF  }
0xf2: {  	[sflag:s0] =	ssyncadd.tile.s32 @!p0 $0x1;
	_ =	shalt  }
.Lfunc_end2:
_tile_overlayer_lowered:
.L_overlay_start_2:
0xf3: {  	(tag) =	ssettag $0x2  }
0xf4: {  	s0 =	rddreg [dreg:$0x0];
	s2 =	stileid.u32  }
0xf5: {  	s1 =	rddreg [dreg:$0x1];
	p0 =	sne.s32 s2, $0x0  }
0xf6: {  	s3 =	rddreg [dreg:$0x2];
	[bflag:$0x3] =	sbarrier.arrive $0xFFFF;
	s2 =	simm.s32 @!p0 $0x1C03  }
0xf7: {  	[timem:s3], [sflag:s2] =	dma.local @!p0 [hbm:s0], s1  }
0xf8: {  	s0 =	simm.s32 @!p0 $0x3  }
0xf9: {  	_ =	swait.ge @!p0 [sflag:s0], s1  }
0xfa: {  	s1 =	ssub.s32 @!p0 $0x0, s1;
	[sflag:s0] =	ssyncset.done @!p0 $0x0  }
0xfb: {  	[sflag:s0] =	ssyncadd.s32 @!p0 s1  }
0xfc: {  	[bflag:$0x3] =	sbarrier.arrive $0xFFFF  }
0xfd: {  	_ =	shalt  }

</sc_bundles>
